<compile_context>
chip_gen: v7x
topology: tpu7x:2x2x1
jax: 0.10.2.dev20260603
libtpu: 0.0.44.dev20260713+nightly
codegen_flags: <defaults>
</compile_context>

<pallas_src>
import functools

import numpy as np

import jax
import jax.numpy as jnp
from jax import lax
from jax.experimental import pallas as pl
from jax.experimental.pallas import tpu as pltpu
from jax.experimental.pallas import tpu_sc as plsc

G = 1024
L = 16
NC = 2
NS = 16
NTILES = NC * NS
SEG_PER = G // NTILES
BR = 128
SB = BR + 32
SPAD = 320

_NINF = float("-inf")


def _scores_body(x_ref, b3_ref, w1_ref, b1_ref, w2_ref, b2_ref, o_ref, c_ref):
    i = pl.program_id(0)
    h = jnp.tanh(
        jnp.dot(x_ref[...], w1_ref[...], preferred_element_type=jnp.float32)
        + b1_ref[...]
    )
    o_ref[...] = (
        jnp.dot(h, w2_ref[...], preferred_element_type=jnp.float32) + b2_ref[...]
    )
    R = x_ref.shape[0]
    bb = b3_ref[...].reshape(1, R)
    gi = lax.broadcasted_iota(jnp.int32, (G, 1), 0) + 1
    mask = (bb < gi).astype(jnp.float32)
    colsum = jnp.dot(
        mask, jnp.ones((R, 1), jnp.float32), preferred_element_type=jnp.float32
    )

    @pl.when(i == 0)
    def _():
        c_ref[...] = jnp.zeros_like(c_ref)

    c_ref[...] += colsum


def _scores(x, batch, W1, b1, W2, b2):
    N, D = x.shape
    H = W1.shape[1]
    R = 2000
    nb = N // R
    return pl.pallas_call(
        _scores_body,
        grid=(nb,),
        in_specs=[
            pl.BlockSpec((R, D), lambda i: (i, 0)),
            pl.BlockSpec((1, 1, R), lambda i: (i, 0, 0)),
            pl.BlockSpec((D, H), lambda i: (0, 0)),
            pl.BlockSpec((1, H), lambda i: (0, 0)),
            pl.BlockSpec((H, 1), lambda i: (0, 0)),
            pl.BlockSpec((1, 1), lambda i: (0, 0)),
        ],
        out_specs=[
            pl.BlockSpec((R, 1), lambda i: (i, 0)),
            pl.BlockSpec((G, 1), lambda i: (0, 0)),
        ],
        out_shape=[
            jax.ShapeDtypeStruct((N + SPAD, 1), jnp.float32),
            jax.ShapeDtypeStruct((G, 1), jnp.float32),
        ],
    )(
        x,
        batch.reshape(nb, 1, R),
        W1,
        b1.reshape(1, H),
        W2,
        b2.reshape(1, 1),
    )


def _pool_body(
    x_hbm, s_hbm, offs_hbm, out_hbm, xb, sb, ob, ebuf, offv, sx0, sx1, ss0, ss1
):
    N = x_hbm.shape[0]
    w = lax.axis_index("s") * NC + lax.axis_index("c")
    pltpu.sync_copy(offs_hbm.at[pl.ds(w * SEG_PER, 48)], offv)
    iota = lax.broadcasted_iota(jnp.int32, (L,), 0)
    zeros = jnp.zeros((L,), jnp.float32)
    ninfs = jnp.full((L,), _NINF, jnp.float32)

    def hred(v, op):
        s = v[0]
        for i in range(1, L):
            s = op(s, v[i])
        return s

    def head_start(jj):
        s0 = offv[pl.ds(jj, L)][0]
        return pl.multiple_of(jnp.minimum((s0 // 8) * 8, N - BR), 8)

    def fire(jj, slot, semx, sems):
        h = head_start(jj)
        sa = pl.multiple_of((h // 16) * 16, 16)
        pltpu.async_copy(
            x_hbm.at[pl.ds(h, BR)], xb.at[pl.ds(slot * BR, BR)], semx
        )
        pltpu.async_copy(
            s_hbm.at[pl.ds(sa, SB)], sb.at[pl.ds(slot * SB, SB)], sems
        )

    def drain(slot, semx, sems):
        pltpu.make_async_copy(
            x_hbm.at[pl.ds(0, BR)], xb.at[pl.ds(slot * BR, BR)], semx
        ).wait()
        pltpu.make_async_copy(
            s_hbm.at[pl.ds(0, SB)], sb.at[pl.ds(slot * SB, SB)], sems
        ).wait()

    def consume(r0, r1, bh, xoff, sa, soff, carry):
        nrows = r1 - r0

        def g_body(g, gc):
            sums, atts, mxs, dvec, M = gc
            gr0 = r0 + 16 * g
            vn = nrows - 16 * g
            sv = sb[pl.ds(soff + (gr0 - sa), L)]
            svm = jnp.where(iota < vn, sv, _NINF)
            gm = hred(svm, jnp.maximum)
            Mn = jnp.maximum(M, gm)
            sc16 = jnp.exp(zeros + (M - Mn))
            e16 = jnp.where(iota < vn, jnp.exp(sv - Mn), 0.0)
            ebuf[pl.ds(0, L)] = e16
            dvec = dvec * sc16 + e16
            atts = tuple(a * sc16 for a in atts)

            def r_body(i, rc):
                rsums, ratts, rmxs = rc
                er = ebuf[pl.ds(i, L)][0]
                xrow = xoff + (gr0 + i - bh)
                ns, na, nm = [], [], []
                for k in range(8):
                    xk = xb[xrow, pl.ds(k * L, L)]
                    ns.append(rsums[k] + xk)
                    na.append(ratts[k] + er * xk)
                    nm.append(jnp.maximum(rmxs[k], xk))
                return (tuple(ns), tuple(na), tuple(nm))

            sums, atts, mxs = lax.fori_loop(
                0, jnp.minimum(16, vn), r_body, (sums, atts, mxs)
            )
            return (sums, atts, mxs, dvec, Mn)

        return lax.fori_loop(0, (nrows + 15) // 16, g_body, carry)

    fire(0, 0, sx0, ss0)

    def seg_body(j, _):
        ov = offv[pl.ds(j, L)]
        s0 = ov[0]
        s1 = ov[1]
        seg = s1 - s0
        h = pl.multiple_of(jnp.minimum((s0 // 8) * 8, N - BR), 8)
        sa = pl.multiple_of((h // 16) * 16, 16)
        even = (j % 2) == 0
        odd = jnp.logical_not(even)

        @pl.when(even)
        def _():
            drain(0, sx0, ss0)

        @pl.when(odd)
        def _():
            drain(1, sx1, ss1)

        nxt = j + 1

        @pl.when((nxt < SEG_PER) & even)
        def _():
            fire(nxt, 1, sx1, ss1)

        @pl.when((nxt < SEG_PER) & odd)
        def _():
            fire(nxt, 0, sx0, ss0)

        xoff = jnp.where(even, 0, BR)
        soff = jnp.where(even, 0, SB)
        m0 = np.float32(_NINF)
        carry0 = (
            tuple(zeros for _ in range(8)),
            tuple(zeros for _ in range(8)),
            tuple(ninfs for _ in range(8)),
            zeros,
            m0,
        )
        covered = jnp.minimum(s1, h + BR)
        carry = consume(s0, covered, h, xoff, sa, soff, carry0)

        nov = (s1 - covered + (BR - 1)) // BR

        def o_chunk(c, oc):
            cs = (h + BR) + c * BR
            csx = pl.multiple_of(jnp.minimum(cs, N - BR), 8)
            osa = pl.multiple_of((csx // 16) * 16, 16)
            pltpu.sync_copy(x_hbm.at[pl.ds(csx, BR)], xb.at[pl.ds(xoff, BR)])
            pltpu.sync_copy(s_hbm.at[pl.ds(osa, SB)], sb.at[pl.ds(soff, SB)])
            r1c = jnp.minimum(cs + BR, s1)
            return consume(cs, r1c, csx, xoff, osa, soff, oc)

        carry = lax.fori_loop(0, nov, o_chunk, carry)
        sums, atts, mxs, dvec, _m = carry
        den = hred(dvec, jnp.add)
        ones = zeros + 1.0
        inv = ones / (zeros + jnp.maximum(seg.astype(jnp.float32), 1.0))
        invd = ones / (zeros + den + 1e-16)
        for k in range(8):
            ob[j, pl.ds(k * L, L)] = sums[k] * inv
            ob[j, pl.ds(128 + k * L, L)] = atts[k] * invd
            ob[j, pl.ds(256 + k * L, L)] = jnp.where(mxs[k] == _NINF, 0.0, mxs[k])
        return 0

    lax.fori_loop(0, SEG_PER, seg_body, 0)
    pltpu.sync_copy(ob, out_hbm.at[pl.ds(w * SEG_PER, SEG_PER)])


def _pool(x, scores_pad, offs):
    N, D = x.shape
    mesh = plsc.VectorSubcoreMesh(core_axis_name="c", subcore_axis_name="s")
    return pl.kernel(
        _pool_body,
        out_type=jax.ShapeDtypeStruct((G, 3 * D), jnp.float32),
        mesh=mesh,
        scratch_types=[
            pltpu.VMEM((2 * BR, D), jnp.float32),
            pltpu.VMEM((2 * SB,), jnp.float32),
            pltpu.VMEM((SEG_PER, 3 * D), jnp.float32),
            pltpu.VMEM((2 * L,), jnp.float32),
            pltpu.VMEM((48,), jnp.int32),
            pltpu.SemaphoreType.DMA,
            pltpu.SemaphoreType.DMA,
            pltpu.SemaphoreType.DMA,
            pltpu.SemaphoreType.DMA,
        ],
    )(x, scores_pad, offs)


def _mlp_body(c_ref, w1_ref, b1_ref, w2_ref, b2_ref, o_ref):
    h = (
        jnp.dot(c_ref[...], w1_ref[...], preferred_element_type=jnp.float32)
        + b1_ref[...]
    )
    h = h * jax.nn.sigmoid(h)
    o_ref[...] = (
        jnp.dot(h, w2_ref[...], preferred_element_type=jnp.float32) + b2_ref[...]
    )


def _mlp(combined, Wm1, bm1, Wm2, bm2):
    H1 = Wm1.shape[1]
    OUT = Wm2.shape[1]
    return pl.pallas_call(
        _mlp_body,
        out_shape=jax.ShapeDtypeStruct((G, OUT), jnp.float32),
    )(combined, Wm1, bm1.reshape(1, H1), Wm2, bm2.reshape(1, OUT))


@jax.jit
def kernel(x, batch, W1, b1, W2, b2, Wm1, bm1, Wm2, bm2):
    N = x.shape[0]
    scores_pad2d, cnt = _scores(x, batch, W1, b1, W2, b2)
    scores_pad = scores_pad2d.reshape(N + SPAD)
    offs = jnp.concatenate(
        [
            jnp.zeros((1,), jnp.int32),
            cnt.reshape(G).astype(jnp.int32),
            jnp.full((1040 - (G + 1),), N, jnp.int32),
        ]
    )
    combined = _pool(x, scores_pad, offs)
    return _mlp(combined, Wm1, bm1, Wm2, bm2)

# --- scband reference (transcript-rebuilt; emitter-appended) ---
"""Pipeline reference for scband-graph-readout-47141561040925 (READ-ONLY COPY).

The authoritative reference and input builder live on the scoring server;
editing this copy changes nothing except your own understanding.
"""

import jax, jax.numpy as jnp
import numpy as np

NUM_GRAPHS = 1024
N = 100000
D = 128
OUT = 128

def setup_inputs(seed: int = 0) -> dict:
    key = jax.random.key(seed)
    ks = jax.random.split(key, 12)
    s = 0.05
    x = jax.random.normal(ks[0], (N, D), dtype=jnp.float32)
    batch = jnp.sort(jax.random.randint(ks[1], (N,), 0, NUM_GRAPHS)).astype(jnp.int32)
    W1 = jax.random.normal(ks[2], (D, D // 2), dtype=jnp.float32) * s
    b1 = jnp.zeros((D // 2,), dtype=jnp.float32)
    W2 = jax.random.normal(ks[3], (D // 2, 1), dtype=jnp.float32) * s
    b2 = jnp.zeros((1,), dtype=jnp.float32)
    Wm1 = jax.random.normal(ks[4], (3 * D, 2 * OUT), dtype=jnp.float32) * s
    bm1 = jnp.zeros((2 * OUT,), dtype=jnp.float32)
    Wm2 = jax.random.normal(ks[5], (2 * OUT, OUT), dtype=jnp.float32) * s
    bm2 = jnp.zeros((OUT,), dtype=jnp.float32)
    return {"x": x, "batch": batch, "W1": W1, "b1": b1, "W2": W2, "b2": b2,
            "Wm1": Wm1, "bm1": bm1, "Wm2": Wm2, "bm2": bm2}

def _forward(x, W1, b1, W2, b2, Wm1, bm1, Wm2, bm2, batch):
    counts = jax.ops.segment_sum(jnp.ones((x.shape[0],), dtype=x.dtype), batch, num_segments=NUM_GRAPHS)
    # global_mean_pool
    sum_pool = jax.ops.segment_sum(x, batch, num_segments=NUM_GRAPHS)
    mean_pool = sum_pool / jnp.clip(counts, 1.0, None)[:, None]
    # attention scores: Linear -> Tanh -> Linear
    h = jnp.tanh(x @ W1 + b1)
    scores = (h @ W2 + b2)[:, 0]
    # segment softmax (PyG-style)
    seg_max = jax.ops.segment_max(scores, batch, num_segments=NUM_GRAPHS)
    seg_max = jnp.where(jnp.isfinite(seg_max), seg_max, 0.0)
    e = jnp.exp(scores - seg_max[batch])
    denom = jax.ops.segment_sum(e, batch, num_segments=NUM_GRAPHS)
    alpha = e / (denom[batch] + 1e-16)
    # global_add_pool of x * attn
    attn_pool = jax.ops.segment_sum(x * alpha[:, None], batch, num_segments=NUM_GRAPHS)
    # node_type_mask is None -> global_max_pool
    phys_pool = jax.ops.segment_max(x, batch, num_segments=NUM_GRAPHS)
    phys_pool = jnp.where(jnp.isfinite(phys_pool), phys_pool, 0.0)
    combined = jnp.concatenate([mean_pool, attn_pool, phys_pool], axis=-1)
    h2 = combined @ Wm1 + bm1
    h2 = h2 * jax.nn.sigmoid(h2)  # SiLU; dropout is identity in eval
    out = h2 @ Wm2 + bm2
    return out

def reference(x, batch, W1, b1, W2, b2, Wm1, bm1, Wm2, bm2):
    return _forward(x, W1, b1, W2, b2, Wm1, bm1, Wm2, bm2, batch)

if __name__ == "__main__":
    import jax
    _d = setup_inputs()
    print(jax.jit(kernel)(*tuple(_d.values())))

</pallas_src>

<mosaic_0001>
#map = affine_map<(d0, d1) -> (0, 0)>
#map1 = affine_map<(d0, d1) -> (0)>
module attributes {stable_mosaic.version = 14 : i64} {
  func.func @_pool_body(%arg0: i32, %arg1: i32, %arg2: memref<100000x128xf32, #tpu.memory_space<hbm>>, %arg3: memref<100320xf32, #tpu.memory_space<hbm>>, %arg4: memref<1040xi32, #tpu.memory_space<hbm>>, %arg5: memref<1024x384xf32, #tpu.memory_space<hbm>>, %arg6: memref<256x128xf32, #tpu.memory_space<vmem>>, %arg7: memref<320xf32, #tpu.memory_space<vmem>>, %arg8: memref<32x384xf32, #tpu.memory_space<vmem>>, %arg9: memref<32xf32, #tpu.memory_space<vmem>>, %arg10: memref<48xi32, #tpu.memory_space<vmem>>, %arg11: memref<!tpu.dma_semaphore, #tpu.memory_space<semaphore_mem>>, %arg12: memref<!tpu.dma_semaphore, #tpu.memory_space<semaphore_mem>>, %arg13: memref<!tpu.dma_semaphore, #tpu.memory_space<semaphore_mem>>, %arg14: memref<!tpu.dma_semaphore, #tpu.memory_space<semaphore_mem>>) attributes {dimension_semantics = [#tpu.dimension_semantics<core_parallel>, #tpu.dimension_semantics<subcore_parallel>], iteration_bounds = array<i64: 2, 16>, scalar_prefetch = 0 : i64, scratch_operands = 9 : i64, tpu.core_type = #tpu.core_type<sc_vector_subcore>, window_params = [{transform_indices = #map}, {transform_indices = #map1}, {transform_indices = #map1}, {transform_indices = #map}]} {
    %mul3A = arith.constant 2 : i32
    %mul3A_0 = arith.muli %arg1, %mul3A : i32
    %add3A = arith.addi %mul3A_0, %arg0 : i32
    %mul3A_1 = arith.constant 32 : i32
    %mul3A_2 = arith.muli %add3A, %mul3A_1 : i32
    "tpu.region"() ({
      %run_scoped3A = tpu.sem_alloc : memref<!tpu.dma_semaphore, #tpu.memory_space<semaphore_mem>>
      %dma_start3A_77 = tpu.memref_slice %arg4[%mul3A_2] : memref<1040xi32, #tpu.memory_space<hbm>> -> memref<48xi32, #tpu.memory_space<hbm>>
      %dma_start3A_78 = tpu.memref_slice %arg4[%mul3A_2] : memref<1040xi32, #tpu.memory_space<hbm>> -> memref<48xi32, #tpu.memory_space<hbm>>
      tpu.enqueue_dma source(%dma_start3A_78 : memref<48xi32, #tpu.memory_space<hbm>>) target(%arg10 : memref<48xi32, #tpu.memory_space<vmem>>) target_semaphore(%run_scoped3A : memref<!tpu.dma_semaphore, #tpu.memory_space<semaphore_mem>>)
      %dma_wait3A = tpu.memref_slice %arg4[%mul3A_2] : memref<1040xi32, #tpu.memory_space<hbm>> -> memref<48xi32, #tpu.memory_space<hbm>>
      %dma_wait3A_79 = tpu.memref_slice %arg4[%mul3A_2] : memref<1040xi32, #tpu.memory_space<hbm>> -> memref<48xi32, #tpu.memory_space<hbm>>
      tpu.wait_dma2 semaphore(%run_scoped3A : memref<!tpu.dma_semaphore, #tpu.memory_space<semaphore_mem>>) src(%dma_wait3A_79 : memref<48xi32, #tpu.memory_space<hbm>>) dst(%arg10 : memref<48xi32, #tpu.memory_space<vmem>>)
      tpu.yield
    }) : () -> ()
    %iota3A = tpu.iota {dimensions = array<i32: 0>} : vector<16xi32>
    %broadcast_in_dim3A = arith.constant 0.000000e+00 : f32
    %broadcast_in_dim3A_3 = vector.broadcast %broadcast_in_dim3A : f32 to vector<16xf32>
    %broadcast_in_dim3A_4 = arith.constant 0xFF800000 : f32
    %broadcast_in_dim3A_5 = vector.broadcast %broadcast_in_dim3A_4 : f32 to vector<16xf32>
    %get3A = arith.constant 0 : index
    %get3A_6 = tpu.vector_load %arg10[%get3A] {strides = array<i32>} : memref<48xi32, #tpu.memory_space<vmem>>, vector<16xi32>,
    %get3A_7 = vector.shape_cast %get3A_6 : vector<16xi32> to vector<16xi32>
    %slice3A = vector.extract_strided_slice %get3A_7 {offsets = [0], sizes = [1], strides = [1]} : vector<16xi32> to vector<1xi32>
    %squeeze3A = vector.extract %slice3A[0] : i32 from vector<1xi32>
    %jit3A = arith.constant 8 : i32
    %div3A = arith.divsi %squeeze3A, %jit3A : i32
    %sign3A = arith.constant 0 : i32
    %sign3A_8 = arith.cmpi sgt, %squeeze3A, %sign3A : i32
    %sign3A_9 = arith.extui %sign3A_8 : i1 to i32
    %sign3A_10 = arith.constant 0 : i32
    %sign3A_11 = arith.cmpi slt, %squeeze3A, %sign3A_10 : i32
    %sign3A_12 = arith.extui %sign3A_11 : i1 to i32
    %sign3A_13 = arith.subi %sign3A_9, %sign3A_12 : i32
    %sign3A_14 = arith.constant 0 : i32
    %sign3A_15 = arith.cmpi sgt, %jit3A, %sign3A_14 : i32
    %sign3A_16 = arith.extui %sign3A_15 : i1 to i32
    %sign3A_17 = arith.constant 0 : i32
    %sign3A_18 = arith.cmpi slt, %jit3A, %sign3A_17 : i32
    %sign3A_19 = arith.extui %sign3A_18 : i1 to i32
    %sign3A_20 = arith.subi %sign3A_16, %sign3A_19 : i32
    %ne3A = arith.cmpi ne, %sign3A_13, %sign3A_20 : i32
    %rem3A = arith.remsi %squeeze3A, %jit3A : i32
    %ne3A_21 = arith.constant 0 : i32
    %ne3A_22 = arith.cmpi ne, %rem3A, %ne3A_21 : i32
    %and3A = arith.andi %ne3A, %ne3A_22 : i1
    %sub3A = arith.constant 1 : i32
    %sub3A_23 = arith.subi %div3A, %sub3A : i32
    %select_n3A = arith.select %and3A, %sub3A_23, %div3A : i32
    %mul3A_24 = arith.constant 8 : i32
    %mul3A_25 = arith.muli %select_n3A, %mul3A_24 : i32
    %min3A = arith.constant 99872 : i32
    %min3A_26 = arith.minsi %mul3A_25, %min3A : i32
    %multiple_of3A = tpu.assume_multiple %min3A_26, 8 : i32
    %jit3A_27 = arith.constant 16 : i32
    %div3A_28 = arith.divsi %multiple_of3A, %jit3A_27 : i32
    %sign3A_29 = arith.constant 0 : i32
    %sign3A_30 = arith.cmpi sgt, %multiple_of3A, %sign3A_29 : i32
    %sign3A_31 = arith.extui %sign3A_30 : i1 to i32
    %sign3A_32 = arith.constant 0 : i32
    %sign3A_33 = arith.cmpi slt, %multiple_of3A, %sign3A_32 : i32
    %sign3A_34 = arith.extui %sign3A_33 : i1 to i32
    %sign3A_35 = arith.subi %sign3A_31, %sign3A_34 : i32
    %sign3A_36 = arith.constant 0 : i32
    %sign3A_37 = arith.cmpi sgt, %jit3A_27, %sign3A_36 : i32
    %sign3A_38 = arith.extui %sign3A_37 : i1 to i32
    %sign3A_39 = arith.constant 0 : i32
    %sign3A_40 = arith.cmpi slt, %jit3A_27, %sign3A_39 : i32
    %sign3A_41 = arith.extui %sign3A_40 : i1 to i32
    %sign3A_42 = arith.subi %sign3A_38, %sign3A_41 : i32
    %ne3A_43 = arith.cmpi ne, %sign3A_35, %sign3A_42 : i32
    %rem3A_44 = arith.remsi %multiple_of3A, %jit3A_27 : i32
    %ne3A_45 = arith.constant 0 : i32
    %ne3A_46 = arith.cmpi ne, %rem3A_44, %ne3A_45 : i32
    %and3A_47 = arith.andi %ne3A_43, %ne3A_46 : i1
    %sub3A_48 = arith.constant 1 : i32
    %sub3A_49 = arith.subi %div3A_28, %sub3A_48 : i32
    %select_n3A_50 = arith.select %and3A_47, %sub3A_49, %div3A_28 : i32
    %mul3A_51 = arith.constant 16 : i32
    %mul3A_52 = arith.muli %select_n3A_50, %mul3A_51 : i32
    %multiple_of3A_53 = tpu.assume_multiple %mul3A_52, 16 : i32
    %dma_start3A = arith.constant 0 : i32
    %dma_start3A_54 = arith.constant 0 : i32
    %dma_start3A_55 = tpu.memref_slice %arg6[%dma_start3A, %dma_start3A_54] : memref<256x128xf32, #tpu.memory_space<vmem>> -> memref<128x128xf32, #tpu.memory_space<vmem>>
    %dma_start3A_56 = arith.constant 0 : i32
    %dma_start3A_57 = tpu.memref_slice %arg2[%multiple_of3A, %dma_start3A_56] : memref<100000x128xf32, #tpu.memory_space<hbm>> -> memref<128x128xf32, #tpu.memory_space<hbm>>
    %dma_start3A_58 = arith.constant 0 : i32
    %dma_start3A_59 = arith.constant 0 : i32
    %dma_start3A_60 = tpu.memref_slice %arg6[%dma_start3A_58, %dma_start3A_59] : memref<256x128xf32, #tpu.memory_space<vmem>> -> memref<128x128xf32, #tpu.memory_space<vmem>>
    %dma_start3A_61 = arith.constant 0 : i32
    %dma_start3A_62 = tpu.memref_slice %arg2[%multiple_of3A, %dma_start3A_61] : memref<100000x128xf32, #tpu.memory_space<hbm>> -> memref<128x128xf32, #tpu.memory_space<hbm>>
    tpu.enqueue_dma source(%dma_start3A_62 : memref<128x128xf32, #tpu.memory_space<hbm>>) target(%dma_start3A_60 : memref<128x128xf32, #tpu.memory_space<vmem>>) target_semaphore(%arg11 : memref<!tpu.dma_semaphore, #tpu.memory_space<semaphore_mem>>)
    %dma_start3A_63 = arith.constant 0 : i32
    %dma_start3A_64 = tpu.memref_slice %arg7[%dma_start3A_63] : memref<320xf32, #tpu.memory_space<vmem>> -> memref<160xf32, #tpu.memory_space<vmem>>
    %dma_start3A_65 = tpu.memref_slice %arg3[%multiple_of3A_53] : memref<100320xf32, #tpu.memory_space<hbm>> -> memref<160xf32, #tpu.memory_space<hbm>>
    %dma_start3A_66 = arith.constant 0 : i32
    %dma_start3A_67 = tpu.memref_slice %arg7[%dma_start3A_66] : memref<320xf32, #tpu.memory_space<vmem>> -> memref<160xf32, #tpu.memory_space<vmem>>
    %dma_start3A_68 = tpu.memref_slice %arg3[%multiple_of3A_53] : memref<100320xf32, #tpu.memory_space<hbm>> -> memref<160xf32, #tpu.memory_space<hbm>>
    tpu.enqueue_dma source(%dma_start3A_68 : memref<160xf32, #tpu.memory_space<hbm>>) target(%dma_start3A_67 : memref<160xf32, #tpu.memory_space<vmem>>) target_semaphore(%arg13 : memref<!tpu.dma_semaphore, #tpu.memory_space<semaphore_mem>>)
    %scan3A = arith.constant 0 : i32
    %scan3A_69 = arith.constant 0 : i32
    %scan3A_70 = arith.constant 32 : i32
    %scan3A_71 = arith.addi %scan3A_69, %scan3A_70 : i32
    %scan3A_72 = arith.constant 1 : i32
    %scan3A_73 = scf.for %scan3A_77 = %scan3A_69 to %scan3A_71 step %scan3A_72 iter_args(%scan3A_78 = %scan3A) -> (i32)  : i32 {
      %get3A_79 = arith.index_cast %scan3A_77 : i32 to index
      %get3A_80 = tpu.vector_load %arg10[%get3A_79] {strides = array<i32>} : memref<48xi32, #tpu.memory_space<vmem>>, vector<16xi32>,
      %get3A_81 = vector.shape_cast %get3A_80 : vector<16xi32> to vector<16xi32>
      %slice3A_82 = vector.extract_strided_slice %get3A_81 {offsets = [0], sizes = [1], strides = [1]} : vector<16xi32> to vector<1xi32>
      %squeeze3A_83 = vector.extract %slice3A_82[0] : i32 from vector<1xi32>
      %slice3A_84 = vector.extract_strided_slice %get3A_81 {offsets = [1], sizes = [1], strides = [1]} : vector<16xi32> to vector<1xi32>
      %squeeze3A_85 = vector.extract %slice3A_84[0] : i32 from vector<1xi32>
      %sub3A_86 = arith.subi %squeeze3A_85, %squeeze3A_83 : i32
      %jit3A_87 = arith.constant 8 : i32
      %div3A_88 = arith.divsi %squeeze3A_83, %jit3A_87 : i32
      %sign3A_89 = arith.constant 0 : i32
      %sign3A_90 = arith.cmpi sgt, %squeeze3A_83, %sign3A_89 : i32
      %sign3A_91 = arith.extui %sign3A_90 : i1 to i32
      %sign3A_92 = arith.constant 0 : i32
      %sign3A_93 = arith.cmpi slt, %squeeze3A_83, %sign3A_92 : i32
      %sign3A_94 = arith.extui %sign3A_93 : i1 to i32
      %sign3A_95 = arith.subi %sign3A_91, %sign3A_94 : i32
      %sign3A_96 = arith.constant 0 : i32
      %sign3A_97 = arith.cmpi sgt, %jit3A_87, %sign3A_96 : i32
      %sign3A_98 = arith.extui %sign3A_97 : i1 to i32
      %sign3A_99 = arith.constant 0 : i32
      %sign3A_100 = arith.cmpi slt, %jit3A_87, %sign3A_99 : i32
      %sign3A_101 = arith.extui %sign3A_100 : i1 to i32
      %sign3A_102 = arith.subi %sign3A_98, %sign3A_101 : i32
      %ne3A_103 = arith.cmpi ne, %sign3A_95, %sign3A_102 : i32
      %rem3A_104 = arith.remsi %squeeze3A_83, %jit3A_87 : i32
      %ne3A_105 = arith.constant 0 : i32
      %ne3A_106 = arith.cmpi ne, %rem3A_104, %ne3A_105 : i32
      %and3A_107 = arith.andi %ne3A_103, %ne3A_106 : i1
      %sub3A_108 = arith.constant 1 : i32
      %sub3A_109 = arith.subi %div3A_88, %sub3A_108 : i32
      %select_n3A_110 = arith.select %and3A_107, %sub3A_109, %div3A_88 : i32
      %mul3A_111 = arith.constant 8 : i32
      %mul3A_112 = arith.muli %select_n3A_110, %mul3A_111 : i32
      %min3A_113 = arith.constant 99872 : i32
      %min3A_114 = arith.minsi %mul3A_112, %min3A_113 : i32
      %multiple_of3A_115 = tpu.assume_multiple %min3A_114, 8 : i32
      %jit3A_116 = arith.constant 16 : i32
      %div3A_117 = arith.divsi %multiple_of3A_115, %jit3A_116 : i32
      %sign3A_118 = arith.constant 0 : i32
      %sign3A_119 = arith.cmpi sgt, %multiple_of3A_115, %sign3A_118 : i32
      %sign3A_120 = arith.extui %sign3A_119 : i1 to i32
      %sign3A_121 = arith.constant 0 : i32
      %sign3A_122 = arith.cmpi slt, %multiple_of3A_115, %sign3A_121 : i32
      %sign3A_123 = arith.extui %sign3A_122 : i1 to i32
      %sign3A_124 = arith.subi %sign3A_120, %sign3A_123 : i32
      %sign3A_125 = arith.constant 0 : i32
      %sign3A_126 = arith.cmpi sgt, %jit3A_116, %sign3A_125 : i32
      %sign3A_127 = arith.extui %sign3A_126 : i1 to i32
      %sign3A_128 = arith.constant 0 : i32
      %sign3A_129 = arith.cmpi slt, %jit3A_116, %sign3A_128 : i32
      %sign3A_130 = arith.extui %sign3A_129 : i1 to i32
      %sign3A_131 = arith.subi %sign3A_127, %sign3A_130 : i32
      %ne3A_132 = arith.cmpi ne, %sign3A_124, %sign3A_131 : i32
      %rem3A_133 = arith.remsi %multiple_of3A_115, %jit3A_116 : i32
      %ne3A_134 = arith.constant 0 : i32
      %ne3A_135 = arith.cmpi ne, %rem3A_133, %ne3A_134 : i32
      %and3A_136 = arith.andi %ne3A_132, %ne3A_135 : i1
      %sub3A_137 = arith.constant 1 : i32
      %sub3A_138 = arith.subi %div3A_117, %sub3A_137 : i32
      %select_n3A_139 = arith.select %and3A_136, %sub3A_138, %div3A_117 : i32
      %mul3A_140 = arith.constant 16 : i32
      %mul3A_141 = arith.muli %select_n3A_139, %mul3A_140 : i32
      %multiple_of3A_142 = tpu.assume_multiple %mul3A_141, 16 : i32
      %jit3A_143 = arith.constant 2 : i32
      %eq3A = arith.constant 0 : i32
      %eq3A_144 = arith.cmpi eq, %jit3A_143, %eq3A : i32
      %jit3A_145 = arith.constant 1 : i32
      %select_n3A_146 = arith.select %eq3A_144, %jit3A_145, %jit3A_143 : i32
      %rem3A_147 = arith.remsi %scan3A_77, %select_n3A_146 : i32
      %ne3A_148 = arith.constant 0 : i32
      %ne3A_149 = arith.cmpi ne, %rem3A_147, %ne3A_148 : i32
      %lt3A = arith.constant 0 : i32
      %lt3A_150 = arith.cmpi slt, %rem3A_147, %lt3A : i32
      %lt3A_151 = arith.constant 0 : i32
      %lt3A_152 = arith.cmpi slt, %select_n3A_146, %lt3A_151 : i32
      %ne3A_153 = arith.xori %lt3A_150, %lt3A_152 : i1
      %and3A_154 = arith.andi %ne3A_153, %ne3A_149 : i1
      %add3A_155 = arith.addi %rem3A_147, %select_n3A_146 : i32
      %select_n3A_156 = arith.select %and3A_154, %add3A_155, %rem3A_147 : i32
      %eq3A_157 = arith.constant 0 : i32
      %eq3A_158 = arith.cmpi eq, %select_n3A_156, %eq3A_157 : i32
      %not3A = arith.constant true
      %not3A_159 = arith.xori %eq3A_158, %not3A : i1
      %convert_element_type3A = arith.extui %eq3A_158 : i1 to i32
      %cond3A = arith.constant 0 : i32
      %cond3A_160 = arith.cmpi ne, %convert_element_type3A, %cond3A : i32
      scf.if %cond3A_160 {
        %dma_wait3A = arith.constant 0 : i32
        %dma_wait3A_508 = arith.constant 0 : i32
        %dma_wait3A_509 = tpu.memref_slice %arg6[%dma_wait3A, %dma_wait3A_508] : memref<256x128xf32, #tpu.memory_space<vmem>> -> memref<128x128xf32, #tpu.memory_space<vmem>>
        %dma_wait3A_510 = arith.constant 0 : i32
        %dma_wait3A_511 = arith.constant 0 : i32
        %dma_wait3A_512 = tpu.memref_slice %arg2[%dma_wait3A_510, %dma_wait3A_511] : memref<100000x128xf32, #tpu.memory_space<hbm>> -> memref<128x128xf32, #tpu.memory_space<hbm>>
        %dma_wait3A_513 = arith.constant 0 : i32
        %dma_wait3A_514 = arith.constant 0 : i32
        %dma_wait3A_515 = tpu.memref_slice %arg6[%dma_wait3A_513, %dma_wait3A_514] : memref<256x128xf32, #tpu.memory_space<vmem>> -> memref<128x128xf32, #tpu.memory_space<vmem>>
        %dma_wait3A_516 = arith.constant 0 : i32
        %dma_wait3A_517 = arith.constant 0 : i32
        %dma_wait3A_518 = tpu.memref_slice %arg2[%dma_wait3A_516, %dma_wait3A_517] : memref<100000x128xf32, #tpu.memory_space<hbm>> -> memref<128x128xf32, #tpu.memory_space<hbm>>
        tpu.wait_dma2 semaphore(%arg11 : memref<!tpu.dma_semaphore, #tpu.memory_space<semaphore_mem>>) src(%dma_wait3A_518 : memref<128x128xf32, #tpu.memory_space<hbm>>) dst(%dma_wait3A_515 : memref<128x128xf32, #tpu.memory_space<vmem>>)
        %dma_wait3A_519 = arith.constant 0 : i32
        %dma_wait3A_520 = tpu.memref_slice %arg7[%dma_wait3A_519] : memref<320xf32, #tpu.memory_space<vmem>> -> memref<160xf32, #tpu.memory_space<vmem>>
        %dma_wait3A_521 = arith.constant 0 : i32
        %dma_wait3A_522 = tpu.memref_slice %arg3[%dma_wait3A_521] : memref<100320xf32, #tpu.memory_space<hbm>> -> memref<160xf32, #tpu.memory_space<hbm>>
        %dma_wait3A_523 = arith.constant 0 : i32
        %dma_wait3A_524 = tpu.memref_slice %arg7[%dma_wait3A_523] : memref<320xf32, #tpu.memory_space<vmem>> -> memref<160xf32, #tpu.memory_space<vmem>>
        %dma_wait3A_525 = arith.constant 0 : i32
        %dma_wait3A_526 = tpu.memref_slice %arg3[%dma_wait3A_525] : memref<100320xf32, #tpu.memory_space<hbm>> -> memref<160xf32, #tpu.memory_space<hbm>>
        tpu.wait_dma2 semaphore(%arg13 : memref<!tpu.dma_semaphore, #tpu.memory_space<semaphore_mem>>) src(%dma_wait3A_526 : memref<160xf32, #tpu.memory_space<hbm>>) dst(%dma_wait3A_524 : memref<160xf32, #tpu.memory_space<vmem>>)
      } else {
      }
      %convert_element_type3A_161 = arith.extui %not3A_159 : i1 to i32
      %cond3A_162 = arith.constant 0 : i32
      %cond3A_163 = arith.cmpi ne, %convert_element_type3A_161, %cond3A_162 : i32
      scf.if %cond3A_163 {
        %dma_wait3A = arith.constant 128 : i32
        %dma_wait3A_508 = arith.constant 0 : i32
        %dma_wait3A_509 = tpu.memref_slice %arg6[%dma_wait3A, %dma_wait3A_508] : memref<256x128xf32, #tpu.memory_space<vmem>> -> memref<128x128xf32, #tpu.memory_space<vmem>>
        %dma_wait3A_510 = arith.constant 0 : i32
        %dma_wait3A_511 = arith.constant 0 : i32
        %dma_wait3A_512 = tpu.memref_slice %arg2[%dma_wait3A_510, %dma_wait3A_511] : memref<100000x128xf32, #tpu.memory_space<hbm>> -> memref<128x128xf32, #tpu.memory_space<hbm>>
        %dma_wait3A_513 = arith.constant 128 : i32
        %dma_wait3A_514 = arith.constant 0 : i32
        %dma_wait3A_515 = tpu.memref_slice %arg6[%dma_wait3A_513, %dma_wait3A_514] : memref<256x128xf32, #tpu.memory_space<vmem>> -> memref<128x128xf32, #tpu.memory_space<vmem>>
        %dma_wait3A_516 = arith.constant 0 : i32
        %dma_wait3A_517 = arith.constant 0 : i32
        %dma_wait3A_518 = tpu.memref_slice %arg2[%dma_wait3A_516, %dma_wait3A_517] : memref<100000x128xf32, #tpu.memory_space<hbm>> -> memref<128x128xf32, #tpu.memory_space<hbm>>
        tpu.wait_dma2 semaphore(%arg12 : memref<!tpu.dma_semaphore, #tpu.memory_space<semaphore_mem>>) src(%dma_wait3A_518 : memref<128x128xf32, #tpu.memory_space<hbm>>) dst(%dma_wait3A_515 : memref<128x128xf32, #tpu.memory_space<vmem>>)
        %dma_wait3A_519 = arith.constant 160 : i32
        %dma_wait3A_520 = tpu.memref_slice %arg7[%dma_wait3A_519] : memref<320xf32, #tpu.memory_space<vmem>> -> memref<160xf32, #tpu.memory_space<vmem>>
        %dma_wait3A_521 = arith.constant 0 : i32
        %dma_wait3A_522 = tpu.memref_slice %arg3[%dma_wait3A_521] : memref<100320xf32, #tpu.memory_space<hbm>> -> memref<160xf32, #tpu.memory_space<hbm>>
        %dma_wait3A_523 = arith.constant 160 : i32
        %dma_wait3A_524 = tpu.memref_slice %arg7[%dma_wait3A_523] : memref<320xf32, #tpu.memory_space<vmem>> -> memref<160xf32, #tpu.memory_space<vmem>>
        %dma_wait3A_525 = arith.constant 0 : i32
        %dma_wait3A_526 = tpu.memref_slice %arg3[%dma_wait3A_525] : memref<100320xf32, #tpu.memory_space<hbm>> -> memref<160xf32, #tpu.memory_space<hbm>>
        tpu.wait_dma2 semaphore(%arg14 : memref<!tpu.dma_semaphore, #tpu.memory_space<semaphore_mem>>) src(%dma_wait3A_526 : memref<160xf32, #tpu.memory_space<hbm>>) dst(%dma_wait3A_524 : memref<160xf32, #tpu.memory_space<vmem>>)
      } else {
      }
      %add3A_164 = arith.constant 1 : i32
      %add3A_165 = arith.addi %scan3A_77, %add3A_164 : i32
      %lt3A_166 = arith.constant 32 : i32
      %lt3A_167 = arith.cmpi slt, %add3A_165, %lt3A_166 : i32
      %and3A_168 = arith.andi %lt3A_167, %eq3A_158 : i1
      %convert_element_type3A_169 = arith.extui %and3A_168 : i1 to i32
      %cond3A_170 = arith.constant 0 : i32
      %cond3A_171 = arith.cmpi ne, %convert_element_type3A_169, %cond3A_170 : i32
      scf.if %cond3A_171 {
        %get3A_508 = arith.index_cast %add3A_165 : i32 to index
        %get3A_509 = tpu.vector_load %arg10[%get3A_508] {strides = array<i32>} : memref<48xi32, #tpu.memory_space<vmem>>, vector<16xi32>,
        %get3A_510 = vector.shape_cast %get3A_509 : vector<16xi32> to vector<16xi32>
        %slice3A_511 = vector.extract_strided_slice %get3A_510 {offsets = [0], sizes = [1], strides = [1]} : vector<16xi32> to vector<1xi32>
        %squeeze3A_512 = vector.extract %slice3A_511[0] : i32 from vector<1xi32>
        %jit3A_513 = arith.constant 8 : i32
        %div3A_514 = arith.divsi %squeeze3A_512, %jit3A_513 : i32
        %sign3A_515 = arith.constant 0 : i32
        %sign3A_516 = arith.cmpi sgt, %squeeze3A_512, %sign3A_515 : i32
        %sign3A_517 = arith.extui %sign3A_516 : i1 to i32
        %sign3A_518 = arith.constant 0 : i32
        %sign3A_519 = arith.cmpi slt, %squeeze3A_512, %sign3A_518 : i32
        %sign3A_520 = arith.extui %sign3A_519 : i1 to i32
        %sign3A_521 = arith.subi %sign3A_517, %sign3A_520 : i32
        %sign3A_522 = arith.constant 0 : i32
        %sign3A_523 = arith.cmpi sgt, %jit3A_513, %sign3A_522 : i32
        %sign3A_524 = arith.extui %sign3A_523 : i1 to i32
        %sign3A_525 = arith.constant 0 : i32
        %sign3A_526 = arith.cmpi slt, %jit3A_513, %sign3A_525 : i32
        %sign3A_527 = arith.extui %sign3A_526 : i1 to i32
        %sign3A_528 = arith.subi %sign3A_524, %sign3A_527 : i32
        %ne3A_529 = arith.cmpi ne, %sign3A_521, %sign3A_528 : i32
        %rem3A_530 = arith.remsi %squeeze3A_512, %jit3A_513 : i32
        %ne3A_531 = arith.constant 0 : i32
        %ne3A_532 = arith.cmpi ne, %rem3A_530, %ne3A_531 : i32
        %and3A_533 = arith.andi %ne3A_529, %ne3A_532 : i1
        %sub3A_534 = arith.constant 1 : i32
        %sub3A_535 = arith.subi %div3A_514, %sub3A_534 : i32
        %select_n3A_536 = arith.select %and3A_533, %sub3A_535, %div3A_514 : i32
        %mul3A_537 = arith.constant 8 : i32
        %mul3A_538 = arith.muli %select_n3A_536, %mul3A_537 : i32
        %min3A_539 = arith.constant 99872 : i32
        %min3A_540 = arith.minsi %mul3A_538, %min3A_539 : i32
        %multiple_of3A_541 = tpu.assume_multiple %min3A_540, 8 : i32
        %jit3A_542 = arith.constant 16 : i32
        %div3A_543 = arith.divsi %multiple_of3A_541, %jit3A_542 : i32
        %sign3A_544 = arith.constant 0 : i32
        %sign3A_545 = arith.cmpi sgt, %multiple_of3A_541, %sign3A_544 : i32
        %sign3A_546 = arith.extui %sign3A_545 : i1 to i32
        %sign3A_547 = arith.constant 0 : i32
        %sign3A_548 = arith.cmpi slt, %multiple_of3A_541, %sign3A_547 : i32
        %sign3A_549 = arith.extui %sign3A_548 : i1 to i32
        %sign3A_550 = arith.subi %sign3A_546, %sign3A_549 : i32
        %sign3A_551 = arith.constant 0 : i32
        %sign3A_552 = arith.cmpi sgt, %jit3A_542, %sign3A_551 : i32
        %sign3A_553 = arith.extui %sign3A_552 : i1 to i32
        %sign3A_554 = arith.constant 0 : i32
        %sign3A_555 = arith.cmpi slt, %jit3A_542, %sign3A_554 : i32
        %sign3A_556 = arith.extui %sign3A_555 : i1 to i32
        %sign3A_557 = arith.subi %sign3A_553, %sign3A_556 : i32
        %ne3A_558 = arith.cmpi ne, %sign3A_550, %sign3A_557 : i32
        %rem3A_559 = arith.remsi %multiple_of3A_541, %jit3A_542 : i32
        %ne3A_560 = arith.constant 0 : i32
        %ne3A_561 = arith.cmpi ne, %rem3A_559, %ne3A_560 : i32
        %and3A_562 = arith.andi %ne3A_558, %ne3A_561 : i1
        %sub3A_563 = arith.constant 1 : i32
        %sub3A_564 = arith.subi %div3A_543, %sub3A_563 : i32
        %select_n3A_565 = arith.select %and3A_562, %sub3A_564, %div3A_543 : i32
        %mul3A_566 = arith.constant 16 : i32
        %mul3A_567 = arith.muli %select_n3A_565, %mul3A_566 : i32
        %multiple_of3A_568 = tpu.assume_multiple %mul3A_567, 16 : i32
        %dma_start3A_569 = arith.constant 128 : i32
        %dma_start3A_570 = arith.constant 0 : i32
        %dma_start3A_571 = tpu.memref_slice %arg6[%dma_start3A_569, %dma_start3A_570] : memref<256x128xf32, #tpu.memory_space<vmem>> -> memref<128x128xf32, #tpu.memory_space<vmem>>
        %dma_start3A_572 = arith.constant 0 : i32
        %dma_start3A_573 = tpu.memref_slice %arg2[%multiple_of3A_541, %dma_start3A_572] : memref<100000x128xf32, #tpu.memory_space<hbm>> -> memref<128x128xf32, #tpu.memory_space<hbm>>
        %dma_start3A_574 = arith.constant 128 : i32
        %dma_start3A_575 = arith.constant 0 : i32
        %dma_start3A_576 = tpu.memref_slice %arg6[%dma_start3A_574, %dma_start3A_575] : memref<256x128xf32, #tpu.memory_space<vmem>> -> memref<128x128xf32, #tpu.memory_space<vmem>>
        %dma_start3A_577 = arith.constant 0 : i32
        %dma_start3A_578 = tpu.memref_slice %arg2[%multiple_of3A_541, %dma_start3A_577] : memref<100000x128xf32, #tpu.memory_space<hbm>> -> memref<128x128xf32, #tpu.memory_space<hbm>>
        tpu.enqueue_dma source(%dma_start3A_578 : memref<128x128xf32, #tpu.memory_space<hbm>>) target(%dma_start3A_576 : memref<128x128xf32, #tpu.memory_space<vmem>>) target_semaphore(%arg12 : memref<!tpu.dma_semaphore, #tpu.memory_space<semaphore_mem>>)
        %dma_start3A_579 = arith.constant 160 : i32
        %dma_start3A_580 = tpu.memref_slice %arg7[%dma_start3A_579] : memref<320xf32, #tpu.memory_space<vmem>> -> memref<160xf32, #tpu.memory_space<vmem>>
        %dma_start3A_581 = tpu.memref_slice %arg3[%multiple_of3A_568] : memref<100320xf32, #tpu.memory_space<hbm>> -> memref<160xf32, #tpu.memory_space<hbm>>
        %dma_start3A_582 = arith.constant 160 : i32
        %dma_start3A_583 = tpu.memref_slice %arg7[%dma_start3A_582] : memref<320xf32, #tpu.memory_space<vmem>> -> memref<160xf32, #tpu.memory_space<vmem>>
        %dma_start3A_584 = tpu.memref_slice %arg3[%multiple_of3A_568] : memref<100320xf32, #tpu.memory_space<hbm>> -> memref<160xf32, #tpu.memory_space<hbm>>
        tpu.enqueue_dma source(%dma_start3A_584 : memref<160xf32, #tpu.memory_space<hbm>>) target(%dma_start3A_583 : memref<160xf32, #tpu.memory_space<vmem>>) target_semaphore(%arg14 : memref<!tpu.dma_semaphore, #tpu.memory_space<semaphore_mem>>)
      } else {
      }
      %lt3A_172 = arith.constant 32 : i32
      %lt3A_173 = arith.cmpi slt, %add3A_165, %lt3A_172 : i32
      %and3A_174 = arith.andi %lt3A_173, %not3A_159 : i1
      %convert_element_type3A_175 = arith.extui %and3A_174 : i1 to i32
      %cond3A_176 = arith.constant 0 : i32
      %cond3A_177 = arith.cmpi ne, %convert_element_type3A_175, %cond3A_176 : i32
      scf.if %cond3A_177 {
        %get3A_508 = arith.index_cast %add3A_165 : i32 to index
        %get3A_509 = tpu.vector_load %arg10[%get3A_508] {strides = array<i32>} : memref<48xi32, #tpu.memory_space<vmem>>, vector<16xi32>,
        %get3A_510 = vector.shape_cast %get3A_509 : vector<16xi32> to vector<16xi32>
        %slice3A_511 = vector.extract_strided_slice %get3A_510 {offsets = [0], sizes = [1], strides = [1]} : vector<16xi32> to vector<1xi32>
        %squeeze3A_512 = vector.extract %slice3A_511[0] : i32 from vector<1xi32>
        %jit3A_513 = arith.constant 8 : i32
        %div3A_514 = arith.divsi %squeeze3A_512, %jit3A_513 : i32
        %sign3A_515 = arith.constant 0 : i32
        %sign3A_516 = arith.cmpi sgt, %squeeze3A_512, %sign3A_515 : i32
        %sign3A_517 = arith.extui %sign3A_516 : i1 to i32
        %sign3A_518 = arith.constant 0 : i32
        %sign3A_519 = arith.cmpi slt, %squeeze3A_512, %sign3A_518 : i32
        %sign3A_520 = arith.extui %sign3A_519 : i1 to i32
        %sign3A_521 = arith.subi %sign3A_517, %sign3A_520 : i32
        %sign3A_522 = arith.constant 0 : i32
        %sign3A_523 = arith.cmpi sgt, %jit3A_513, %sign3A_522 : i32
        %sign3A_524 = arith.extui %sign3A_523 : i1 to i32
        %sign3A_525 = arith.constant 0 : i32
        %sign3A_526 = arith.cmpi slt, %jit3A_513, %sign3A_525 : i32
        %sign3A_527 = arith.extui %sign3A_526 : i1 to i32
        %sign3A_528 = arith.subi %sign3A_524, %sign3A_527 : i32
        %ne3A_529 = arith.cmpi ne, %sign3A_521, %sign3A_528 : i32
        %rem3A_530 = arith.remsi %squeeze3A_512, %jit3A_513 : i32
        %ne3A_531 = arith.constant 0 : i32
        %ne3A_532 = arith.cmpi ne, %rem3A_530, %ne3A_531 : i32
        %and3A_533 = arith.andi %ne3A_529, %ne3A_532 : i1
        %sub3A_534 = arith.constant 1 : i32
        %sub3A_535 = arith.subi %div3A_514, %sub3A_534 : i32
        %select_n3A_536 = arith.select %and3A_533, %sub3A_535, %div3A_514 : i32
        %mul3A_537 = arith.constant 8 : i32
        %mul3A_538 = arith.muli %select_n3A_536, %mul3A_537 : i32
        %min3A_539 = arith.constant 99872 : i32
        %min3A_540 = arith.minsi %mul3A_538, %min3A_539 : i32
        %multiple_of3A_541 = tpu.assume_multiple %min3A_540, 8 : i32
        %jit3A_542 = arith.constant 16 : i32
        %div3A_543 = arith.divsi %multiple_of3A_541, %jit3A_542 : i32
        %sign3A_544 = arith.constant 0 : i32
        %sign3A_545 = arith.cmpi sgt, %multiple_of3A_541, %sign3A_544 : i32
        %sign3A_546 = arith.extui %sign3A_545 : i1 to i32
        %sign3A_547 = arith.constant 0 : i32
        %sign3A_548 = arith.cmpi slt, %multiple_of3A_541, %sign3A_547 : i32
        %sign3A_549 = arith.extui %sign3A_548 : i1 to i32
        %sign3A_550 = arith.subi %sign3A_546, %sign3A_549 : i32
        %sign3A_551 = arith.constant 0 : i32
        %sign3A_552 = arith.cmpi sgt, %jit3A_542, %sign3A_551 : i32
        %sign3A_553 = arith.extui %sign3A_552 : i1 to i32
        %sign3A_554 = arith.constant 0 : i32
        %sign3A_555 = arith.cmpi slt, %jit3A_542, %sign3A_554 : i32
        %sign3A_556 = arith.extui %sign3A_555 : i1 to i32
        %sign3A_557 = arith.subi %sign3A_553, %sign3A_556 : i32
        %ne3A_558 = arith.cmpi ne, %sign3A_550, %sign3A_557 : i32
        %rem3A_559 = arith.remsi %multiple_of3A_541, %jit3A_542 : i32
        %ne3A_560 = arith.constant 0 : i32
        %ne3A_561 = arith.cmpi ne, %rem3A_559, %ne3A_560 : i32
        %and3A_562 = arith.andi %ne3A_558, %ne3A_561 : i1
        %sub3A_563 = arith.constant 1 : i32
        %sub3A_564 = arith.subi %div3A_543, %sub3A_563 : i32
        %select_n3A_565 = arith.select %and3A_562, %sub3A_564, %div3A_543 : i32
        %mul3A_566 = arith.constant 16 : i32
        %mul3A_567 = arith.muli %select_n3A_565, %mul3A_566 : i32
        %multiple_of3A_568 = tpu.assume_multiple %mul3A_567, 16 : i32
        %dma_start3A_569 = arith.constant 0 : i32
        %dma_start3A_570 = arith.constant 0 : i32
        %dma_start3A_571 = tpu.memref_slice %arg6[%dma_start3A_569, %dma_start3A_570] : memref<256x128xf32, #tpu.memory_space<vmem>> -> memref<128x128xf32, #tpu.memory_space<vmem>>
        %dma_start3A_572 = arith.constant 0 : i32
        %dma_start3A_573 = tpu.memref_slice %arg2[%multiple_of3A_541, %dma_start3A_572] : memref<100000x128xf32, #tpu.memory_space<hbm>> -> memref<128x128xf32, #tpu.memory_space<hbm>>
        %dma_start3A_574 = arith.constant 0 : i32
        %dma_start3A_575 = arith.constant 0 : i32
        %dma_start3A_576 = tpu.memref_slice %arg6[%dma_start3A_574, %dma_start3A_575] : memref<256x128xf32, #tpu.memory_space<vmem>> -> memref<128x128xf32, #tpu.memory_space<vmem>>
        %dma_start3A_577 = arith.constant 0 : i32
        %dma_start3A_578 = tpu.memref_slice %arg2[%multiple_of3A_541, %dma_start3A_577] : memref<100000x128xf32, #tpu.memory_space<hbm>> -> memref<128x128xf32, #tpu.memory_space<hbm>>
        tpu.enqueue_dma source(%dma_start3A_578 : memref<128x128xf32, #tpu.memory_space<hbm>>) target(%dma_start3A_576 : memref<128x128xf32, #tpu.memory_space<vmem>>) target_semaphore(%arg11 : memref<!tpu.dma_semaphore, #tpu.memory_space<semaphore_mem>>)
        %dma_start3A_579 = arith.constant 0 : i32
        %dma_start3A_580 = tpu.memref_slice %arg7[%dma_start3A_579] : memref<320xf32, #tpu.memory_space<vmem>> -> memref<160xf32, #tpu.memory_space<vmem>>
        %dma_start3A_581 = tpu.memref_slice %arg3[%multiple_of3A_568] : memref<100320xf32, #tpu.memory_space<hbm>> -> memref<160xf32, #tpu.memory_space<hbm>>
        %dma_start3A_582 = arith.constant 0 : i32
        %dma_start3A_583 = tpu.memref_slice %arg7[%dma_start3A_582] : memref<320xf32, #tpu.memory_space<vmem>> -> memref<160xf32, #tpu.memory_space<vmem>>
        %dma_start3A_584 = tpu.memref_slice %arg3[%multiple_of3A_568] : memref<100320xf32, #tpu.memory_space<hbm>> -> memref<160xf32, #tpu.memory_space<hbm>>
        tpu.enqueue_dma source(%dma_start3A_584 : memref<160xf32, #tpu.memory_space<hbm>>) target(%dma_start3A_583 : memref<160xf32, #tpu.memory_space<vmem>>) target_semaphore(%arg13 : memref<!tpu.dma_semaphore, #tpu.memory_space<semaphore_mem>>)
      } else {
      }
      %jit3A_178 = arith.constant 0 : i32
      %jit3A_179 = arith.constant 128 : i32
      %select_n3A_180 = arith.select %eq3A_158, %jit3A_178, %jit3A_179 : i32
      %jit3A_181 = arith.constant 0 : i32
      %jit3A_182 = arith.constant 160 : i32
      %select_n3A_183 = arith.select %eq3A_158, %jit3A_181, %jit3A_182 : i32
      %add3A_184 = arith.constant 128 : i32
      %add3A_185 = arith.addi %multiple_of3A_115, %add3A_184 : i32
      %min3A_186 = arith.minsi %squeeze3A_85, %add3A_185 : i32
      %sub3A_187 = arith.subi %min3A_186, %squeeze3A_83 : i32
      %add3A_188 = arith.constant 15 : i32
      %add3A_189 = arith.addi %sub3A_187, %add3A_188 : i32
      %jit3A_190 = arith.constant 16 : i32
      %div3A_191 = arith.divsi %add3A_189, %jit3A_190 : i32
      %sign3A_192 = arith.constant 0 : i32
      %sign3A_193 = arith.cmpi sgt, %add3A_189, %sign3A_192 : i32
      %sign3A_194 = arith.extui %sign3A_193 : i1 to i32
      %sign3A_195 = arith.constant 0 : i32
      %sign3A_196 = arith.cmpi slt, %add3A_189, %sign3A_195 : i32
      %sign3A_197 = arith.extui %sign3A_196 : i1 to i32
      %sign3A_198 = arith.subi %sign3A_194, %sign3A_197 : i32
      %sign3A_199 = arith.constant 0 : i32
      %sign3A_200 = arith.cmpi sgt, %jit3A_190, %sign3A_199 : i32
      %sign3A_201 = arith.extui %sign3A_200 : i1 to i32
      %sign3A_202 = arith.constant 0 : i32
      %sign3A_203 = arith.cmpi slt, %jit3A_190, %sign3A_202 : i32
      %sign3A_204 = arith.extui %sign3A_203 : i1 to i32
      %sign3A_205 = arith.subi %sign3A_201, %sign3A_204 : i32
      %ne3A_206 = arith.cmpi ne, %sign3A_198, %sign3A_205 : i32
      %rem3A_207 = arith.remsi %add3A_189, %jit3A_190 : i32
      %ne3A_208 = arith.constant 0 : i32
      %ne3A_209 = arith.cmpi ne, %rem3A_207, %ne3A_208 : i32
      %and3A_210 = arith.andi %ne3A_206, %ne3A_209 : i1
      %sub3A_211 = arith.constant 1 : i32
      %sub3A_212 = arith.subi %div3A_191, %sub3A_211 : i32
      %select_n3A_213 = arith.select %and3A_210, %sub3A_212, %div3A_191 : i32
      %while3A = arith.constant 0 : i32
      %while3A_214 = arith.constant 0xFF800000 : f32
      %while3A_215 = arith.subi %select_n3A_213, %while3A : i32
      %while3A_216 = arith.addi %while3A, %while3A_215 : i32
      %while3A_217 = arith.constant 1 : i32
      %while3A_218 = arith.divsi %while3A_215, %while3A_217 : i32
      %while3A_219 = arith.muli %while3A_218, %while3A_217 : i32
      %while3A_220 = arith.addi %while3A, %while3A_219 : i32
      %while3A_221 = arith.constant 1 : i32
      %while3A_222:26 = scf.for %while3A_508 = %while3A to %while3A_220 step %while3A_221 iter_args(%while3A_509 = %broadcast_in_dim3A_3, %while3A_510 = %broadcast_in_dim3A_3, %while3A_511 = %broadcast_in_dim3A_3, %while3A_512 = %broadcast_in_dim3A_3, %while3A_513 = %broadcast_in_dim3A_3, %while3A_514 = %broadcast_in_dim3A_3, %while3A_515 = %broadcast_in_dim3A_3, %while3A_516 = %broadcast_in_dim3A_3, %while3A_517 = %broadcast_in_dim3A_3, %while3A_518 = %broadcast_in_dim3A_3, %while3A_519 = %broadcast_in_dim3A_3, %while3A_520 = %broadcast_in_dim3A_3, %while3A_521 = %broadcast_in_dim3A_3, %while3A_522 = %broadcast_in_dim3A_3, %while3A_523 = %broadcast_in_dim3A_3, %while3A_524 = %broadcast_in_dim3A_3, %while3A_525 = %broadcast_in_dim3A_5, %while3A_526 = %broadcast_in_dim3A_5, %while3A_527 = %broadcast_in_dim3A_5, %while3A_528 = %broadcast_in_dim3A_5, %while3A_529 = %broadcast_in_dim3A_5, %while3A_530 = %broadcast_in_dim3A_5, %while3A_531 = %broadcast_in_dim3A_5, %while3A_532 = %broadcast_in_dim3A_5, %while3A_533 = %broadcast_in_dim3A_3, %while3A_534 = %while3A_214) -> (vector<16xf32>, vector<16xf32>, vector<16xf32>, vector<16xf32>, vector<16xf32>, vector<16xf32>, vector<16xf32>, vector<16xf32>, vector<16xf32>, vector<16xf32>, vector<16xf32>, vector<16xf32>, vector<16xf32>, vector<16xf32>, vector<16xf32>, vector<16xf32>, vector<16xf32>, vector<16xf32>, vector<16xf32>, vector<16xf32>, vector<16xf32>, vector<16xf32>, vector<16xf32>, vector<16xf32>, vector<16xf32>, f32)  : i32 {
        %mul3A_535 = arith.constant 16 : i32
        %mul3A_536 = arith.muli %mul3A_535, %while3A_508 : i32
        %add3A_537 = arith.addi %squeeze3A_83, %mul3A_536 : i32
        %mul3A_538 = arith.constant 16 : i32
        %mul3A_539 = arith.muli %mul3A_538, %while3A_508 : i32
        %sub3A_540 = arith.subi %sub3A_187, %mul3A_539 : i32
        %sub3A_541 = arith.subi %add3A_537, %multiple_of3A_142 : i32
        %add3A_542 = arith.addi %select_n3A_183, %sub3A_541 : i32
        %get3A_543 = arith.index_cast %add3A_542 : i32 to index
        %get3A_544 = tpu.vector_load %arg7[%get3A_543] {strides = array<i32>} : memref<320xf32, #tpu.memory_space<vmem>>, vector<16xf32>,
        %get3A_545 = vector.shape_cast %get3A_544 : vector<16xf32> to vector<16xf32>
        %lt3A_546 = vector.broadcast %sub3A_540 : i32 to vector<16xi32>
        %lt3A_547 = arith.cmpi slt, %iota3A, %lt3A_546 : vector<16xi32>
        %jit3A_548 = arith.constant 0xFF800000 : f32
        %broadcast_in_dim3A_549 = vector.broadcast %jit3A_548 : f32 to vector<16xf32>
        %select_n3A_550 = arith.select %lt3A_547, %get3A_545, %broadcast_in_dim3A_549 : vector<16xi1>, vector<16xf32>
        %slice3A_551 = vector.extract_strided_slice %select_n3A_550 {offsets = [0], sizes = [1], strides = [1]} : vector<16xf32> to vector<1xf32>
        %squeeze3A_552 = vector.extract %slice3A_551[0] : f32 from vector<1xf32>
        %slice3A_553 = vector.extract_strided_slice %select_n3A_550 {offsets = [1], sizes = [1], strides = [1]} : vector<16xf32> to vector<1xf32>
        %squeeze3A_554 = vector.extract %slice3A_553[0] : f32 from vector<1xf32>
        %max3A_555 = arith.maximumf %squeeze3A_552, %squeeze3A_554 : f32
        %slice3A_556 = vector.extract_strided_slice %select_n3A_550 {offsets = [2], sizes = [1], strides = [1]} : vector<16xf32> to vector<1xf32>
        %squeeze3A_557 = vector.extract %slice3A_556[0] : f32 from vector<1xf32>
        %max3A_558 = arith.maximumf %max3A_555, %squeeze3A_557 : f32
        %slice3A_559 = vector.extract_strided_slice %select_n3A_550 {offsets = [3], sizes = [1], strides = [1]} : vector<16xf32> to vector<1xf32>
        %squeeze3A_560 = vector.extract %slice3A_559[0] : f32 from vector<1xf32>
        %max3A_561 = arith.maximumf %max3A_558, %squeeze3A_560 : f32
        %slice3A_562 = vector.extract_strided_slice %select_n3A_550 {offsets = [4], sizes = [1], strides = [1]} : vector<16xf32> to vector<1xf32>
        %squeeze3A_563 = vector.extract %slice3A_562[0] : f32 from vector<1xf32>
        %max3A_564 = arith.maximumf %max3A_561, %squeeze3A_563 : f32
        %slice3A_565 = vector.extract_strided_slice %select_n3A_550 {offsets = [5], sizes = [1], strides = [1]} : vector<16xf32> to vector<1xf32>
        %squeeze3A_566 = vector.extract %slice3A_565[0] : f32 from vector<1xf32>
        %max3A_567 = arith.maximumf %max3A_564, %squeeze3A_566 : f32
        %slice3A_568 = vector.extract_strided_slice %select_n3A_550 {offsets = [6], sizes = [1], strides = [1]} : vector<16xf32> to vector<1xf32>
        %squeeze3A_569 = vector.extract %slice3A_568[0] : f32 from vector<1xf32>
        %max3A_570 = arith.maximumf %max3A_567, %squeeze3A_569 : f32
        %slice3A_571 = vector.extract_strided_slice %select_n3A_550 {offsets = [7], sizes = [1], strides = [1]} : vector<16xf32> to vector<1xf32>
        %squeeze3A_572 = vector.extract %slice3A_571[0] : f32 from vector<1xf32>
        %max3A_573 = arith.maximumf %max3A_570, %squeeze3A_572 : f32
        %slice3A_574 = vector.extract_strided_slice %select_n3A_550 {offsets = [8], sizes = [1], strides = [1]} : vector<16xf32> to vector<1xf32>
        %squeeze3A_575 = vector.extract %slice3A_574[0] : f32 from vector<1xf32>
        %max3A_576 = arith.maximumf %max3A_573, %squeeze3A_575 : f32
        %slice3A_577 = vector.extract_strided_slice %select_n3A_550 {offsets = [9], sizes = [1], strides = [1]} : vector<16xf32> to vector<1xf32>
        %squeeze3A_578 = vector.extract %slice3A_577[0] : f32 from vector<1xf32>
        %max3A_579 = arith.maximumf %max3A_576, %squeeze3A_578 : f32
        %slice3A_580 = vector.extract_strided_slice %select_n3A_550 {offsets = [10], sizes = [1], strides = [1]} : vector<16xf32> to vector<1xf32>
        %squeeze3A_581 = vector.extract %slice3A_580[0] : f32 from vector<1xf32>
        %max3A_582 = arith.maximumf %max3A_579, %squeeze3A_581 : f32
        %slice3A_583 = vector.extract_strided_slice %select_n3A_550 {offsets = [11], sizes = [1], strides = [1]} : vector<16xf32> to vector<1xf32>
        %squeeze3A_584 = vector.extract %slice3A_583[0] : f32 from vector<1xf32>
        %max3A_585 = arith.maximumf %max3A_582, %squeeze3A_584 : f32
        %slice3A_586 = vector.extract_strided_slice %select_n3A_550 {offsets = [12], sizes = [1], strides = [1]} : vector<16xf32> to vector<1xf32>
        %squeeze3A_587 = vector.extract %slice3A_586[0] : f32 from vector<1xf32>
        %max3A_588 = arith.maximumf %max3A_585, %squeeze3A_587 : f32
        %slice3A_589 = vector.extract_strided_slice %select_n3A_550 {offsets = [13], sizes = [1], strides = [1]} : vector<16xf32> to vector<1xf32>
        %squeeze3A_590 = vector.extract %slice3A_589[0] : f32 from vector<1xf32>
        %max3A_591 = arith.maximumf %max3A_588, %squeeze3A_590 : f32
        %slice3A_592 = vector.extract_strided_slice %select_n3A_550 {offsets = [14], sizes = [1], strides = [1]} : vector<16xf32> to vector<1xf32>
        %squeeze3A_593 = vector.extract %slice3A_592[0] : f32 from vector<1xf32>
        %max3A_594 = arith.maximumf %max3A_591, %squeeze3A_593 : f32
        %slice3A_595 = vector.extract_strided_slice %select_n3A_550 {offsets = [15], sizes = [1], strides = [1]} : vector<16xf32> to vector<1xf32>
        %squeeze3A_596 = vector.extract %slice3A_595[0] : f32 from vector<1xf32>
        %max3A_597 = arith.maximumf %max3A_594, %squeeze3A_596 : f32
        %max3A_598 = arith.maximumf %while3A_534, %max3A_597 : f32
        %sub3A_599 = arith.subf %while3A_534, %max3A_598 : f32
        %add3A_600 = vector.broadcast %sub3A_599 : f32 to vector<16xf32>
        %add3A_601 = arith.addf %broadcast_in_dim3A_3, %add3A_600 : vector<16xf32>
        %exp3A = math.exp %add3A_601 : vector<16xf32>
        %lt3A_602 = vector.broadcast %sub3A_540 : i32 to vector<16xi32>
        %lt3A_603 = arith.cmpi slt, %iota3A, %lt3A_602 : vector<16xi32>
        %sub3A_604 = vector.broadcast %max3A_598 : f32 to vector<16xf32>
        %sub3A_605 = arith.subf %get3A_545, %sub3A_604 : vector<16xf32>
        %exp3A_606 = math.exp %sub3A_605 : vector<16xf32>
        %jit3A_607 = arith.constant 0.000000e+00 : f32
        %broadcast_in_dim3A_608 = vector.broadcast %jit3A_607 : f32 to vector<16xf32>
        %select_n3A_609 = arith.select %lt3A_603, %exp3A_606, %broadcast_in_dim3A_608 : vector<16xi1>, vector<16xf32>
        %swap3A_610 = arith.constant 0 : index
        %swap3A_611 = tpu.vector_load %arg9[%swap3A_610] {strides = array<i32>} : memref<32xf32, #tpu.memory_space<vmem>>, vector<16xf32>,
        %swap3A_612 = vector.shape_cast %swap3A_611 : vector<16xf32> to vector<16xf32>
        %swap3A_613 = vector.shape_cast %select_n3A_609 : vector<16xf32> to vector<16xf32>
        tpu.vector_store %arg9[%swap3A_610], %swap3A_613 {strides = array<i32>} : memref<32xf32, #tpu.memory_space<vmem>>, vector<16xf32>,
        %mul3A_614 = arith.mulf %while3A_533, %exp3A : vector<16xf32>
        %add3A_615 = arith.addf %mul3A_614, %select_n3A_609 : vector<16xf32>
        %mul3A_616 = arith.mulf %while3A_517, %exp3A : vector<16xf32>
        %mul3A_617 = arith.mulf %while3A_518, %exp3A : vector<16xf32>
        %mul3A_618 = arith.mulf %while3A_519, %exp3A : vector<16xf32>
        %mul3A_619 = arith.mulf %while3A_520, %exp3A : vector<16xf32>
        %mul3A_620 = arith.mulf %while3A_521, %exp3A : vector<16xf32>
        %mul3A_621 = arith.mulf %while3A_522, %exp3A : vector<16xf32>
        %mul3A_622 = arith.mulf %while3A_523, %exp3A : vector<16xf32>
        %mul3A_623 = arith.mulf %while3A_524, %exp3A : vector<16xf32>
        %min3A_624 = arith.constant 16 : i32
        %min3A_625 = arith.minsi %min3A_624, %sub3A_540 : i32
        %while3A_626 = arith.constant 0 : i32
        %while3A_627 = arith.subi %min3A_625, %while3A_626 : i32
        %while3A_628 = arith.addi %while3A_626, %while3A_627 : i32
        %while3A_629 = arith.constant 1 : i32
        %while3A_630 = arith.divsi %while3A_627, %while3A_629 : i32
        %while3A_631 = arith.muli %while3A_630, %while3A_629 : i32
        %while3A_632 = arith.addi %while3A_626, %while3A_631 : i32
        %while3A_633 = arith.constant 1 : i32
        %while3A_634:24 = scf.for %while3A_637 = %while3A_626 to %while3A_632 step %while3A_633 iter_args(%while3A_638 = %while3A_509, %while3A_639 = %while3A_510, %while3A_640 = %while3A_511, %while3A_641 = %while3A_512, %while3A_642 = %while3A_513, %while3A_643 = %while3A_514, %while3A_644 = %while3A_515, %while3A_645 = %while3A_516, %while3A_646 = %mul3A_616, %while3A_647 = %mul3A_617, %while3A_648 = %mul3A_618, %while3A_649 = %mul3A_619, %while3A_650 = %mul3A_620, %while3A_651 = %mul3A_621, %while3A_652 = %mul3A_622, %while3A_653 = %mul3A_623, %while3A_654 = %while3A_525, %while3A_655 = %while3A_526, %while3A_656 = %while3A_527, %while3A_657 = %while3A_528, %while3A_658 = %while3A_529, %while3A_659 = %while3A_530, %while3A_660 = %while3A_531, %while3A_661 = %while3A_532) -> (vector<16xf32>, vector<16xf32>, vector<16xf32>, vector<16xf32>, vector<16xf32>, vector<16xf32>, vector<16xf32>, vector<16xf32>, vector<16xf32>, vector<16xf32>, vector<16xf32>, vector<16xf32>, vector<16xf32>, vector<16xf32>, vector<16xf32>, vector<16xf32>, vector<16xf32>, vector<16xf32>, vector<16xf32>, vector<16xf32>, vector<16xf32>, vector<16xf32>, vector<16xf32>, vector<16xf32>)  : i32 {
          %get3A_662 = arith.index_cast %while3A_637 : i32 to index
          %get3A_663 = tpu.vector_load %arg9[%get3A_662] {strides = array<i32>} : memref<32xf32, #tpu.memory_space<vmem>>, vector<16xf32>,
          %get3A_664 = vector.shape_cast %get3A_663 : vector<16xf32> to vector<16xf32>
          %slice3A_665 = vector.extract_strided_slice %get3A_664 {offsets = [0], sizes = [1], strides = [1]} : vector<16xf32> to vector<1xf32>
          %squeeze3A_666 = vector.extract %slice3A_665[0] : f32 from vector<1xf32>
          %add3A_667 = arith.addi %add3A_537, %while3A_637 : i32
          %sub3A_668 = arith.subi %add3A_667, %multiple_of3A_115 : i32
          %add3A_669 = arith.addi %select_n3A_180, %sub3A_668 : i32
          %get3A_670 = arith.index_cast %add3A_669 : i32 to index
          %get3A_671 = arith.constant 0 : index
          %get3A_672 = tpu.vector_load %arg6[%get3A_670, %get3A_671] {strides = array<i32>} : memref<256x128xf32, #tpu.memory_space<vmem>>, vector<1x16xf32>,
          %get3A_673 = vector.shape_cast %get3A_672 : vector<1x16xf32> to vector<16xf32>
          %add3A_674 = arith.addf %while3A_638, %get3A_673 : vector<16xf32>
          %mul3A_675 = vector.broadcast %squeeze3A_666 : f32 to vector<16xf32>
          %mul3A_676 = arith.mulf %mul3A_675, %get3A_673 : vector<16xf32>
          %add3A_677 = arith.addf %while3A_646, %mul3A_676 : vector<16xf32>
          %max3A_678 = arith.maximumf %while3A_654, %get3A_673 : vector<16xf32>
          %get3A_679 = arith.index_cast %add3A_669 : i32 to index
          %get3A_680 = arith.constant 16 : index
          %get3A_681 = tpu.vector_load %arg6[%get3A_679, %get3A_680] {strides = array<i32>} : memref<256x128xf32, #tpu.memory_space<vmem>>, vector<1x16xf32>,
          %get3A_682 = vector.shape_cast %get3A_681 : vector<1x16xf32> to vector<16xf32>
          %add3A_683 = arith.addf %while3A_639, %get3A_682 : vector<16xf32>
          %mul3A_684 = vector.broadcast %squeeze3A_666 : f32 to vector<16xf32>
          %mul3A_685 = arith.mulf %mul3A_684, %get3A_682 : vector<16xf32>
          %add3A_686 = arith.addf %while3A_647, %mul3A_685 : vector<16xf32>
          %max3A_687 = arith.maximumf %while3A_655, %get3A_682 : vector<16xf32>
          %get3A_688 = arith.index_cast %add3A_669 : i32 to index
          %get3A_689 = arith.constant 32 : index
          %get3A_690 = tpu.vector_load %arg6[%get3A_688, %get3A_689] {strides = array<i32>} : memref<256x128xf32, #tpu.memory_space<vmem>>, vector<1x16xf32>,
          %get3A_691 = vector.shape_cast %get3A_690 : vector<1x16xf32> to vector<16xf32>
          %add3A_692 = arith.addf %while3A_640, %get3A_691 : vector<16xf32>
          %mul3A_693 = vector.broadcast %squeeze3A_666 : f32 to vector<16xf32>
          %mul3A_694 = arith.mulf %mul3A_693, %get3A_691 : vector<16xf32>
          %add3A_695 = arith.addf %while3A_648, %mul3A_694 : vector<16xf32>
          %max3A_696 = arith.maximumf %while3A_656, %get3A_691 : vector<16xf32>
          %get3A_697 = arith.index_cast %add3A_669 : i32 to index
          %get3A_698 = arith.constant 48 : index
          %get3A_699 = tpu.vector_load %arg6[%get3A_697, %get3A_698] {strides = array<i32>} : memref<256x128xf32, #tpu.memory_space<vmem>>, vector<1x16xf32>,
          %get3A_700 = vector.shape_cast %get3A_699 : vector<1x16xf32> to vector<16xf32>
          %add3A_701 = arith.addf %while3A_641, %get3A_700 : vector<16xf32>
          %mul3A_702 = vector.broadcast %squeeze3A_666 : f32 to vector<16xf32>
          %mul3A_703 = arith.mulf %mul3A_702, %get3A_700 : vector<16xf32>
          %add3A_704 = arith.addf %while3A_649, %mul3A_703 : vector<16xf32>
          %max3A_705 = arith.maximumf %while3A_657, %get3A_700 : vector<16xf32>
          %get3A_706 = arith.index_cast %add3A_669 : i32 to index
          %get3A_707 = arith.constant 64 : index
          %get3A_708 = tpu.vector_load %arg6[%get3A_706, %get3A_707] {strides = array<i32>} : memref<256x128xf32, #tpu.memory_space<vmem>>, vector<1x16xf32>,
          %get3A_709 = vector.shape_cast %get3A_708 : vector<1x16xf32> to vector<16xf32>
          %add3A_710 = arith.addf %while3A_642, %get3A_709 : vector<16xf32>
          %mul3A_711 = vector.broadcast %squeeze3A_666 : f32 to vector<16xf32>
          %mul3A_712 = arith.mulf %mul3A_711, %get3A_709 : vector<16xf32>
          %add3A_713 = arith.addf %while3A_650, %mul3A_712 : vector<16xf32>
          %max3A_714 = arith.maximumf %while3A_658, %get3A_709 : vector<16xf32>
          %get3A_715 = arith.index_cast %add3A_669 : i32 to index
          %get3A_716 = arith.constant 80 : index
          %get3A_717 = tpu.vector_load %arg6[%get3A_715, %get3A_716] {strides = array<i32>} : memref<256x128xf32, #tpu.memory_space<vmem>>, vector<1x16xf32>,
          %get3A_718 = vector.shape_cast %get3A_717 : vector<1x16xf32> to vector<16xf32>
          %add3A_719 = arith.addf %while3A_643, %get3A_718 : vector<16xf32>
          %mul3A_720 = vector.broadcast %squeeze3A_666 : f32 to vector<16xf32>
          %mul3A_721 = arith.mulf %mul3A_720, %get3A_718 : vector<16xf32>
          %add3A_722 = arith.addf %while3A_651, %mul3A_721 : vector<16xf32>
          %max3A_723 = arith.maximumf %while3A_659, %get3A_718 : vector<16xf32>
          %get3A_724 = arith.index_cast %add3A_669 : i32 to index
          %get3A_725 = arith.constant 96 : index
          %get3A_726 = tpu.vector_load %arg6[%get3A_724, %get3A_725] {strides = array<i32>} : memref<256x128xf32, #tpu.memory_space<vmem>>, vector<1x16xf32>,
          %get3A_727 = vector.shape_cast %get3A_726 : vector<1x16xf32> to vector<16xf32>
          %add3A_728 = arith.addf %while3A_644, %get3A_727 : vector<16xf32>
          %mul3A_729 = vector.broadcast %squeeze3A_666 : f32 to vector<16xf32>
          %mul3A_730 = arith.mulf %mul3A_729, %get3A_727 : vector<16xf32>
          %add3A_731 = arith.addf %while3A_652, %mul3A_730 : vector<16xf32>
          %max3A_732 = arith.maximumf %while3A_660, %get3A_727 : vector<16xf32>
          %get3A_733 = arith.index_cast %add3A_669 : i32 to index
          %get3A_734 = arith.constant 112 : index
          %get3A_735 = tpu.vector_load %arg6[%get3A_733, %get3A_734] {strides = array<i32>} : memref<256x128xf32, #tpu.memory_space<vmem>>, vector<1x16xf32>,
          %get3A_736 = vector.shape_cast %get3A_735 : vector<1x16xf32> to vector<16xf32>
          %add3A_737 = arith.addf %while3A_645, %get3A_736 : vector<16xf32>
          %mul3A_738 = vector.broadcast %squeeze3A_666 : f32 to vector<16xf32>
          %mul3A_739 = arith.mulf %mul3A_738, %get3A_736 : vector<16xf32>
          %add3A_740 = arith.addf %while3A_653, %mul3A_739 : vector<16xf32>
          %max3A_741 = arith.maximumf %while3A_661, %get3A_736 : vector<16xf32>
          scf.yield %add3A_674, %add3A_683, %add3A_692, %add3A_701, %add3A_710, %add3A_719, %add3A_728, %add3A_737, %add3A_677, %add3A_686, %add3A_695, %add3A_704, %add3A_713, %add3A_722, %add3A_731, %add3A_740, %max3A_678, %max3A_687, %max3A_696, %max3A_705, %max3A_714, %max3A_723, %max3A_732, %max3A_741 : vector<16xf32>, vector<16xf32>, vector<16xf32>, vector<16xf32>, vector<16xf32>, vector<16xf32>, vector<16xf32>, vector<16xf32>, vector<16xf32>, vector<16xf32>, vector<16xf32>, vector<16xf32>, vector<16xf32>, vector<16xf32>, vector<16xf32>, vector<16xf32>, vector<16xf32>, vector<16xf32>, vector<16xf32>, vector<16xf32>, vector<16xf32>, vector<16xf32>, vector<16xf32>, vector<16xf32>
        }
        %while3A_635 = arith.constant 1 : i32
        %while3A_636:24 = scf.for %while3A_637 = %while3A_632 to %while3A_628 step %while3A_635 iter_args(%while3A_638 = %while3A_634#0, %while3A_639 = %while3A_634#1, %while3A_640 = %while3A_634#2, %while3A_641 = %while3A_634#3, %while3A_642 = %while3A_634#4, %while3A_643 = %while3A_634#5, %while3A_644 = %while3A_634#6, %while3A_645 = %while3A_634#7, %while3A_646 = %while3A_634#8, %while3A_647 = %while3A_634#9, %while3A_648 = %while3A_634#10, %while3A_649 = %while3A_634#11, %while3A_650 = %while3A_634#12, %while3A_651 = %while3A_634#13, %while3A_652 = %while3A_634#14, %while3A_653 = %while3A_634#15, %while3A_654 = %while3A_634#16, %while3A_655 = %while3A_634#17, %while3A_656 = %while3A_634#18, %while3A_657 = %while3A_634#19, %while3A_658 = %while3A_634#20, %while3A_659 = %while3A_634#21, %while3A_660 = %while3A_634#22, %while3A_661 = %while3A_634#23) -> (vector<16xf32>, vector<16xf32>, vector<16xf32>, vector<16xf32>, vector<16xf32>, vector<16xf32>, vector<16xf32>, vector<16xf32>, vector<16xf32>, vector<16xf32>, vector<16xf32>, vector<16xf32>, vector<16xf32>, vector<16xf32>, vector<16xf32>, vector<16xf32>, vector<16xf32>, vector<16xf32>, vector<16xf32>, vector<16xf32>, vector<16xf32>, vector<16xf32>, vector<16xf32>, vector<16xf32>)  : i32 {
          %get3A_662 = arith.index_cast %while3A_637 : i32 to index
          %get3A_663 = tpu.vector_load %arg9[%get3A_662] {strides = array<i32>} : memref<32xf32, #tpu.memory_space<vmem>>, vector<16xf32>,
          %get3A_664 = vector.shape_cast %get3A_663 : vector<16xf32> to vector<16xf32>
          %slice3A_665 = vector.extract_strided_slice %get3A_664 {offsets = [0], sizes = [1], strides = [1]} : vector<16xf32> to vector<1xf32>
          %squeeze3A_666 = vector.extract %slice3A_665[0] : f32 from vector<1xf32>
          %add3A_667 = arith.addi %add3A_537, %while3A_637 : i32
          %sub3A_668 = arith.subi %add3A_667, %multiple_of3A_115 : i32
          %add3A_669 = arith.addi %select_n3A_180, %sub3A_668 : i32
          %get3A_670 = arith.index_cast %add3A_669 : i32 to index
          %get3A_671 = arith.constant 0 : index
          %get3A_672 = tpu.vector_load %arg6[%get3A_670, %get3A_671] {strides = array<i32>} : memref<256x128xf32, #tpu.memory_space<vmem>>, vector<1x16xf32>,
          %get3A_673 = vector.shape_cast %get3A_672 : vector<1x16xf32> to vector<16xf32>
          %add3A_674 = arith.addf %while3A_638, %get3A_673 : vector<16xf32>
          %mul3A_675 = vector.broadcast %squeeze3A_666 : f32 to vector<16xf32>
          %mul3A_676 = arith.mulf %mul3A_675, %get3A_673 : vector<16xf32>
          %add3A_677 = arith.addf %while3A_646, %mul3A_676 : vector<16xf32>
          %max3A_678 = arith.maximumf %while3A_654, %get3A_673 : vector<16xf32>
          %get3A_679 = arith.index_cast %add3A_669 : i32 to index
          %get3A_680 = arith.constant 16 : index
          %get3A_681 = tpu.vector_load %arg6[%get3A_679, %get3A_680] {strides = array<i32>} : memref<256x128xf32, #tpu.memory_space<vmem>>, vector<1x16xf32>,
          %get3A_682 = vector.shape_cast %get3A_681 : vector<1x16xf32> to vector<16xf32>
          %add3A_683 = arith.addf %while3A_639, %get3A_682 : vector<16xf32>
          %mul3A_684 = vector.broadcast %squeeze3A_666 : f32 to vector<16xf32>
          %mul3A_685 = arith.mulf %mul3A_684, %get3A_682 : vector<16xf32>
          %add3A_686 = arith.addf %while3A_647, %mul3A_685 : vector<16xf32>
          %max3A_687 = arith.maximumf %while3A_655, %get3A_682 : vector<16xf32>
          %get3A_688 = arith.index_cast %add3A_669 : i32 to index
          %get3A_689 = arith.constant 32 : index
          %get3A_690 = tpu.vector_load %arg6[%get3A_688, %get3A_689] {strides = array<i32>} : memref<256x128xf32, #tpu.memory_space<vmem>>, vector<1x16xf32>,
          %get3A_691 = vector.shape_cast %get3A_690 : vector<1x16xf32> to vector<16xf32>
          %add3A_692 = arith.addf %while3A_640, %get3A_691 : vector<16xf32>
          %mul3A_693 = vector.broadcast %squeeze3A_666 : f32 to vector<16xf32>
          %mul3A_694 = arith.mulf %mul3A_693, %get3A_691 : vector<16xf32>
          %add3A_695 = arith.addf %while3A_648, %mul3A_694 : vector<16xf32>
          %max3A_696 = arith.maximumf %while3A_656, %get3A_691 : vector<16xf32>
          %get3A_697 = arith.index_cast %add3A_669 : i32 to index
          %get3A_698 = arith.constant 48 : index
          %get3A_699 = tpu.vector_load %arg6[%get3A_697, %get3A_698] {strides = array<i32>} : memref<256x128xf32, #tpu.memory_space<vmem>>, vector<1x16xf32>,
          %get3A_700 = vector.shape_cast %get3A_699 : vector<1x16xf32> to vector<16xf32>
          %add3A_701 = arith.addf %while3A_641, %get3A_700 : vector<16xf32>
          %mul3A_702 = vector.broadcast %squeeze3A_666 : f32 to vector<16xf32>
          %mul3A_703 = arith.mulf %mul3A_702, %get3A_700 : vector<16xf32>
          %add3A_704 = arith.addf %while3A_649, %mul3A_703 : vector<16xf32>
          %max3A_705 = arith.maximumf %while3A_657, %get3A_700 : vector<16xf32>
          %get3A_706 = arith.index_cast %add3A_669 : i32 to index
          %get3A_707 = arith.constant 64 : index
          %get3A_708 = tpu.vector_load %arg6[%get3A_706, %get3A_707] {strides = array<i32>} : memref<256x128xf32, #tpu.memory_space<vmem>>, vector<1x16xf32>,
          %get3A_709 = vector.shape_cast %get3A_708 : vector<1x16xf32> to vector<16xf32>
          %add3A_710 = arith.addf %while3A_642, %get3A_709 : vector<16xf32>
          %mul3A_711 = vector.broadcast %squeeze3A_666 : f32 to vector<16xf32>
          %mul3A_712 = arith.mulf %mul3A_711, %get3A_709 : vector<16xf32>
          %add3A_713 = arith.addf %while3A_650, %mul3A_712 : vector<16xf32>
          %max3A_714 = arith.maximumf %while3A_658, %get3A_709 : vector<16xf32>
          %get3A_715 = arith.index_cast %add3A_669 : i32 to index
          %get3A_716 = arith.constant 80 : index
          %get3A_717 = tpu.vector_load %arg6[%get3A_715, %get3A_716] {strides = array<i32>} : memref<256x128xf32, #tpu.memory_space<vmem>>, vector<1x16xf32>,
          %get3A_718 = vector.shape_cast %get3A_717 : vector<1x16xf32> to vector<16xf32>
          %add3A_719 = arith.addf %while3A_643, %get3A_718 : vector<16xf32>
          %mul3A_720 = vector.broadcast %squeeze3A_666 : f32 to vector<16xf32>
          %mul3A_721 = arith.mulf %mul3A_720, %get3A_718 : vector<16xf32>
          %add3A_722 = arith.addf %while3A_651, %mul3A_721 : vector<16xf32>
          %max3A_723 = arith.maximumf %while3A_659, %get3A_718 : vector<16xf32>
          %get3A_724 = arith.index_cast %add3A_669 : i32 to index
          %get3A_725 = arith.constant 96 : index
          %get3A_726 = tpu.vector_load %arg6[%get3A_724, %get3A_725] {strides = array<i32>} : memref<256x128xf32, #tpu.memory_space<vmem>>, vector<1x16xf32>,
          %get3A_727 = vector.shape_cast %get3A_726 : vector<1x16xf32> to vector<16xf32>
          %add3A_728 = arith.addf %while3A_644, %get3A_727 : vector<16xf32>
          %mul3A_729 = vector.broadcast %squeeze3A_666 : f32 to vector<16xf32>
          %mul3A_730 = arith.mulf %mul3A_729, %get3A_727 : vector<16xf32>
          %add3A_731 = arith.addf %while3A_652, %mul3A_730 : vector<16xf32>
          %max3A_732 = arith.maximumf %while3A_660, %get3A_727 : vector<16xf32>
          %get3A_733 = arith.index_cast %add3A_669 : i32 to index
          %get3A_734 = arith.constant 112 : index
          %get3A_735 = tpu.vector_load %arg6[%get3A_733, %get3A_734] {strides = array<i32>} : memref<256x128xf32, #tpu.memory_space<vmem>>, vector<1x16xf32>,
          %get3A_736 = vector.shape_cast %get3A_735 : vector<1x16xf32> to vector<16xf32>
          %add3A_737 = arith.addf %while3A_645, %get3A_736 : vector<16xf32>
          %mul3A_738 = vector.broadcast %squeeze3A_666 : f32 to vector<16xf32>
          %mul3A_739 = arith.mulf %mul3A_738, %get3A_736 : vector<16xf32>
          %add3A_740 = arith.addf %while3A_653, %mul3A_739 : vector<16xf32>
          %max3A_741 = arith.maximumf %while3A_661, %get3A_736 : vector<16xf32>
          scf.yield %add3A_674, %add3A_683, %add3A_692, %add3A_701, %add3A_710, %add3A_719, %add3A_728, %add3A_737, %add3A_677, %add3A_686, %add3A_695, %add3A_704, %add3A_713, %add3A_722, %add3A_731, %add3A_740, %max3A_678, %max3A_687, %max3A_696, %max3A_705, %max3A_714, %max3A_723, %max3A_732, %max3A_741 : vector<16xf32>, vector<16xf32>, vector<16xf32>, vector<16xf32>, vector<16xf32>, vector<16xf32>, vector<16xf32>, vector<16xf32>, vector<16xf32>, vector<16xf32>, vector<16xf32>, vector<16xf32>, vector<16xf32>, vector<16xf32>, vector<16xf32>, vector<16xf32>, vector<16xf32>, vector<16xf32>, vector<16xf32>, vector<16xf32>, vector<16xf32>, vector<16xf32>, vector<16xf32>, vector<16xf32>
        }
        scf.yield %while3A_636#0, %while3A_636#1, %while3A_636#2, %while3A_636#3, %while3A_636#4, %while3A_636#5, %while3A_636#6, %while3A_636#7, %while3A_636#8, %while3A_636#9, %while3A_636#10, %while3A_636#11, %while3A_636#12, %while3A_636#13, %while3A_636#14, %while3A_636#15, %while3A_636#16, %while3A_636#17, %while3A_636#18, %while3A_636#19, %while3A_636#20, %while3A_636#21, %while3A_636#22, %while3A_636#23, %add3A_615, %max3A_598 : vector<16xf32>, vector<16xf32>, vector<16xf32>, vector<16xf32>, vector<16xf32>, vector<16xf32>, vector<16xf32>, vector<16xf32>, vector<16xf32>, vector<16xf32>, vector<16xf32>, vector<16xf32>, vector<16xf32>, vector<16xf32>, vector<16xf32>, vector<16xf32>, vector<16xf32>, vector<16xf32>, vector<16xf32>, vector<16xf32>, vector<16xf32>, vector<16xf32>, vector<16xf32>, vector<16xf32>, vector<16xf32>, f32
      }
      %while3A_223 = arith.constant 1 : i32
      %while3A_224:26 = scf.for %while3A_508 = %while3A_220 to %while3A_216 step %while3A_223 iter_args(%while3A_509 = %while3A_222#0, %while3A_510 = %while3A_222#1, %while3A_511 = %while3A_222#2, %while3A_512 = %while3A_222#3, %while3A_513 = %while3A_222#4, %while3A_514 = %while3A_222#5, %while3A_515 = %while3A_222#6, %while3A_516 = %while3A_222#7, %while3A_517 = %while3A_222#8, %while3A_518 = %while3A_222#9, %while3A_519 = %while3A_222#10, %while3A_520 = %while3A_222#11, %while3A_521 = %while3A_222#12, %while3A_522 = %while3A_222#13, %while3A_523 = %while3A_222#14, %while3A_524 = %while3A_222#15, %while3A_525 = %while3A_222#16, %while3A_526 = %while3A_222#17, %while3A_527 = %while3A_222#18, %while3A_528 = %while3A_222#19, %while3A_529 = %while3A_222#20, %while3A_530 = %while3A_222#21, %while3A_531 = %while3A_222#22, %while3A_532 = %while3A_222#23, %while3A_533 = %while3A_222#24, %while3A_534 = %while3A_222#25) -> (vector<16xf32>, vector<16xf32>, vector<16xf32>, vector<16xf32>, vector<16xf32>, vector<16xf32>, vector<16xf32>, vector<16xf32>, vector<16xf32>, vector<16xf32>, vector<16xf32>, vector<16xf32>, vector<16xf32>, vector<16xf32>, vector<16xf32>, vector<16xf32>, vector<16xf32>, vector<16xf32>, vector<16xf32>, vector<16xf32>, vector<16xf32>, vector<16xf32>, vector<16xf32>, vector<16xf32>, vector<16xf32>, f32)  : i32 {
        %mul3A_535 = arith.constant 16 : i32
        %mul3A_536 = arith.muli %mul3A_535, %while3A_508 : i32
        %add3A_537 = arith.addi %squeeze3A_83, %mul3A_536 : i32
        %mul3A_538 = arith.constant 16 : i32
        %mul3A_539 = arith.muli %mul3A_538, %while3A_508 : i32
        %sub3A_540 = arith.subi %sub3A_187, %mul3A_539 : i32
        %sub3A_541 = arith.subi %add3A_537, %multiple_of3A_142 : i32
        %add3A_542 = arith.addi %select_n3A_183, %sub3A_541 : i32
        %get3A_543 = arith.index_cast %add3A_542 : i32 to index
        %get3A_544 = tpu.vector_load %arg7[%get3A_543] {strides = array<i32>} : memref<320xf32, #tpu.memory_space<vmem>>, vector<16xf32>,
        %get3A_545 = vector.shape_cast %get3A_544 : vector<16xf32> to vector<16xf32>
        %lt3A_546 = vector.broadcast %sub3A_540 : i32 to vector<16xi32>
        %lt3A_547 = arith.cmpi slt, %iota3A, %lt3A_546 : vector<16xi32>
        %jit3A_548 = arith.constant 0xFF800000 : f32
        %broadcast_in_dim3A_549 = vector.broadcast %jit3A_548 : f32 to vector<16xf32>
        %select_n3A_550 = arith.select %lt3A_547, %get3A_545, %broadcast_in_dim3A_549 : vector<16xi1>, vector<16xf32>
        %slice3A_551 = vector.extract_strided_slice %select_n3A_550 {offsets = [0], sizes = [1], strides = [1]} : vector<16xf32> to vector<1xf32>
        %squeeze3A_552 = vector.extract %slice3A_551[0] : f32 from vector<1xf32>
        %slice3A_553 = vector.extract_strided_slice %select_n3A_550 {offsets = [1], sizes = [1], strides = [1]} : vector<16xf32> to vector<1xf32>
        %squeeze3A_554 = vector.extract %slice3A_553[0] : f32 from vector<1xf32>
        %max3A_555 = arith.maximumf %squeeze3A_552, %squeeze3A_554 : f32
        %slice3A_556 = vector.extract_strided_slice %select_n3A_550 {offsets = [2], sizes = [1], strides = [1]} : vector<16xf32> to vector<1xf32>
        %squeeze3A_557 = vector.extract %slice3A_556[0] : f32 from vector<1xf32>
        %max3A_558 = arith.maximumf %max3A_555, %squeeze3A_557 : f32
        %slice3A_559 = vector.extract_strided_slice %select_n3A_550 {offsets = [3], sizes = [1], strides = [1]} : vector<16xf32> to vector<1xf32>
        %squeeze3A_560 = vector.extract %slice3A_559[0] : f32 from vector<1xf32>
        %max3A_561 = arith.maximumf %max3A_558, %squeeze3A_560 : f32
        %slice3A_562 = vector.extract_strided_slice %select_n3A_550 {offsets = [4], sizes = [1], strides = [1]} : vector<16xf32> to vector<1xf32>
        %squeeze3A_563 = vector.extract %slice3A_562[0] : f32 from vector<1xf32>
        %max3A_564 = arith.maximumf %max3A_561, %squeeze3A_563 : f32
        %slice3A_565 = vector.extract_strided_slice %select_n3A_550 {offsets = [5], sizes = [1], strides = [1]} : vector<16xf32> to vector<1xf32>
        %squeeze3A_566 = vector.extract %slice3A_565[0] : f32 from vector<1xf32>
        %max3A_567 = arith.maximumf %max3A_564, %squeeze3A_566 : f32
        %slice3A_568 = vector.extract_strided_slice %select_n3A_550 {offsets = [6], sizes = [1], strides = [1]} : vector<16xf32> to vector<1xf32>
        %squeeze3A_569 = vector.extract %slice3A_568[0] : f32 from vector<1xf32>
        %max3A_570 = arith.maximumf %max3A_567, %squeeze3A_569 : f32
        %slice3A_571 = vector.extract_strided_slice %select_n3A_550 {offsets = [7], sizes = [1], strides = [1]} : vector<16xf32> to vector<1xf32>
        %squeeze3A_572 = vector.extract %slice3A_571[0] : f32 from vector<1xf32>
        %max3A_573 = arith.maximumf %max3A_570, %squeeze3A_572 : f32
        %slice3A_574 = vector.extract_strided_slice %select_n3A_550 {offsets = [8], sizes = [1], strides = [1]} : vector<16xf32> to vector<1xf32>
        %squeeze3A_575 = vector.extract %slice3A_574[0] : f32 from vector<1xf32>
        %max3A_576 = arith.maximumf %max3A_573, %squeeze3A_575 : f32
        %slice3A_577 = vector.extract_strided_slice %select_n3A_550 {offsets = [9], sizes = [1], strides = [1]} : vector<16xf32> to vector<1xf32>
        %squeeze3A_578 = vector.extract %slice3A_577[0] : f32 from vector<1xf32>
        %max3A_579 = arith.maximumf %max3A_576, %squeeze3A_578 : f32
        %slice3A_580 = vector.extract_strided_slice %select_n3A_550 {offsets = [10], sizes = [1], strides = [1]} : vector<16xf32> to vector<1xf32>
        %squeeze3A_581 = vector.extract %slice3A_580[0] : f32 from vector<1xf32>
        %max3A_582 = arith.maximumf %max3A_579, %squeeze3A_581 : f32
        %slice3A_583 = vector.extract_strided_slice %select_n3A_550 {offsets = [11], sizes = [1], strides = [1]} : vector<16xf32> to vector<1xf32>
        %squeeze3A_584 = vector.extract %slice3A_583[0] : f32 from vector<1xf32>
        %max3A_585 = arith.maximumf %max3A_582, %squeeze3A_584 : f32
        %slice3A_586 = vector.extract_strided_slice %select_n3A_550 {offsets = [12], sizes = [1], strides = [1]} : vector<16xf32> to vector<1xf32>
        %squeeze3A_587 = vector.extract %slice3A_586[0] : f32 from vector<1xf32>
        %max3A_588 = arith.maximumf %max3A_585, %squeeze3A_587 : f32
        %slice3A_589 = vector.extract_strided_slice %select_n3A_550 {offsets = [13], sizes = [1], strides = [1]} : vector<16xf32> to vector<1xf32>
        %squeeze3A_590 = vector.extract %slice3A_589[0] : f32 from vector<1xf32>
        %max3A_591 = arith.maximumf %max3A_588, %squeeze3A_590 : f32
        %slice3A_592 = vector.extract_strided_slice %select_n3A_550 {offsets = [14], sizes = [1], strides = [1]} : vector<16xf32> to vector<1xf32>
        %squeeze3A_593 = vector.extract %slice3A_592[0] : f32 from vector<1xf32>
        %max3A_594 = arith.maximumf %max3A_591, %squeeze3A_593 : f32
        %slice3A_595 = vector.extract_strided_slice %select_n3A_550 {offsets = [15], sizes = [1], strides = [1]} : vector<16xf32> to vector<1xf32>
        %squeeze3A_596 = vector.extract %slice3A_595[0] : f32 from vector<1xf32>
        %max3A_597 = arith.maximumf %max3A_594, %squeeze3A_596 : f32
        %max3A_598 = arith.maximumf %while3A_534, %max3A_597 : f32
        %sub3A_599 = arith.subf %while3A_534, %max3A_598 : f32
        %add3A_600 = vector.broadcast %sub3A_599 : f32 to vector<16xf32>
        %add3A_601 = arith.addf %broadcast_in_dim3A_3, %add3A_600 : vector<16xf32>
        %exp3A = math.exp %add3A_601 : vector<16xf32>
        %lt3A_602 = vector.broadcast %sub3A_540 : i32 to vector<16xi32>
        %lt3A_603 = arith.cmpi slt, %iota3A, %lt3A_602 : vector<16xi32>
        %sub3A_604 = vector.broadcast %max3A_598 : f32 to vector<16xf32>
        %sub3A_605 = arith.subf %get3A_545, %sub3A_604 : vector<16xf32>
        %exp3A_606 = math.exp %sub3A_605 : vector<16xf32>
        %jit3A_607 = arith.constant 0.000000e+00 : f32
        %broadcast_in_dim3A_608 = vector.broadcast %jit3A_607 : f32 to vector<16xf32>
        %select_n3A_609 = arith.select %lt3A_603, %exp3A_606, %broadcast_in_dim3A_608 : vector<16xi1>, vector<16xf32>
        %swap3A_610 = arith.constant 0 : index
        %swap3A_611 = tpu.vector_load %arg9[%swap3A_610] {strides = array<i32>} : memref<32xf32, #tpu.memory_space<vmem>>, vector<16xf32>,
        %swap3A_612 = vector.shape_cast %swap3A_611 : vector<16xf32> to vector<16xf32>
        %swap3A_613 = vector.shape_cast %select_n3A_609 : vector<16xf32> to vector<16xf32>
        tpu.vector_store %arg9[%swap3A_610], %swap3A_613 {strides = array<i32>} : memref<32xf32, #tpu.memory_space<vmem>>, vector<16xf32>,
        %mul3A_614 = arith.mulf %while3A_533, %exp3A : vector<16xf32>
        %add3A_615 = arith.addf %mul3A_614, %select_n3A_609 : vector<16xf32>
        %mul3A_616 = arith.mulf %while3A_517, %exp3A : vector<16xf32>
        %mul3A_617 = arith.mulf %while3A_518, %exp3A : vector<16xf32>
        %mul3A_618 = arith.mulf %while3A_519, %exp3A : vector<16xf32>
        %mul3A_619 = arith.mulf %while3A_520, %exp3A : vector<16xf32>
        %mul3A_620 = arith.mulf %while3A_521, %exp3A : vector<16xf32>
        %mul3A_621 = arith.mulf %while3A_522, %exp3A : vector<16xf32>
        %mul3A_622 = arith.mulf %while3A_523, %exp3A : vector<16xf32>
        %mul3A_623 = arith.mulf %while3A_524, %exp3A : vector<16xf32>
        %min3A_624 = arith.constant 16 : i32
        %min3A_625 = arith.minsi %min3A_624, %sub3A_540 : i32
        %while3A_626 = arith.constant 0 : i32
        %while3A_627 = arith.subi %min3A_625, %while3A_626 : i32
        %while3A_628 = arith.addi %while3A_626, %while3A_627 : i32
        %while3A_629 = arith.constant 1 : i32
        %while3A_630 = arith.divsi %while3A_627, %while3A_629 : i32
        %while3A_631 = arith.muli %while3A_630, %while3A_629 : i32
        %while3A_632 = arith.addi %while3A_626, %while3A_631 : i32
        %while3A_633 = arith.constant 1 : i32
        %while3A_634:24 = scf.for %while3A_637 = %while3A_626 to %while3A_632 step %while3A_633 iter_args(%while3A_638 = %while3A_509, %while3A_639 = %while3A_510, %while3A_640 = %while3A_511, %while3A_641 = %while3A_512, %while3A_642 = %while3A_513, %while3A_643 = %while3A_514, %while3A_644 = %while3A_515, %while3A_645 = %while3A_516, %while3A_646 = %mul3A_616, %while3A_647 = %mul3A_617, %while3A_648 = %mul3A_618, %while3A_649 = %mul3A_619, %while3A_650 = %mul3A_620, %while3A_651 = %mul3A_621, %while3A_652 = %mul3A_622, %while3A_653 = %mul3A_623, %while3A_654 = %while3A_525, %while3A_655 = %while3A_526, %while3A_656 = %while3A_527, %while3A_657 = %while3A_528, %while3A_658 = %while3A_529, %while3A_659 = %while3A_530, %while3A_660 = %while3A_531, %while3A_661 = %while3A_532) -> (vector<16xf32>, vector<16xf32>, vector<16xf32>, vector<16xf32>, vector<16xf32>, vector<16xf32>, vector<16xf32>, vector<16xf32>, vector<16xf32>, vector<16xf32>, vector<16xf32>, vector<16xf32>, vector<16xf32>, vector<16xf32>, vector<16xf32>, vector<16xf32>, vector<16xf32>, vector<16xf32>, vector<16xf32>, vector<16xf32>, vector<16xf32>, vector<16xf32>, vector<16xf32>, vector<16xf32>)  : i32 {
          %get3A_662 = arith.index_cast %while3A_637 : i32 to index
          %get3A_663 = tpu.vector_load %arg9[%get3A_662] {strides = array<i32>} : memref<32xf32, #tpu.memory_space<vmem>>, vector<16xf32>,
          %get3A_664 = vector.shape_cast %get3A_663 : vector<16xf32> to vector<16xf32>
          %slice3A_665 = vector.extract_strided_slice %get3A_664 {offsets = [0], sizes = [1], strides = [1]} : vector<16xf32> to vector<1xf32>
          %squeeze3A_666 = vector.extract %slice3A_665[0] : f32 from vector<1xf32>
          %add3A_667 = arith.addi %add3A_537, %while3A_637 : i32
          %sub3A_668 = arith.subi %add3A_667, %multiple_of3A_115 : i32
          %add3A_669 = arith.addi %select_n3A_180, %sub3A_668 : i32
          %get3A_670 = arith.index_cast %add3A_669 : i32 to index
          %get3A_671 = arith.constant 0 : index
          %get3A_672 = tpu.vector_load %arg6[%get3A_670, %get3A_671] {strides = array<i32>} : memref<256x128xf32, #tpu.memory_space<vmem>>, vector<1x16xf32>,
          %get3A_673 = vector.shape_cast %get3A_672 : vector<1x16xf32> to vector<16xf32>
          %add3A_674 = arith.addf %while3A_638, %get3A_673 : vector<16xf32>
          %mul3A_675 = vector.broadcast %squeeze3A_666 : f32 to vector<16xf32>
          %mul3A_676 = arith.mulf %mul3A_675, %get3A_673 : vector<16xf32>
          %add3A_677 = arith.addf %while3A_646, %mul3A_676 : vector<16xf32>
          %max3A_678 = arith.maximumf %while3A_654, %get3A_673 : vector<16xf32>
          %get3A_679 = arith.index_cast %add3A_669 : i32 to index
          %get3A_680 = arith.constant 16 : index
          %get3A_681 = tpu.vector_load %arg6[%get3A_679, %get3A_680] {strides = array<i32>} : memref<256x128xf32, #tpu.memory_space<vmem>>, vector<1x16xf32>,
          %get3A_682 = vector.shape_cast %get3A_681 : vector<1x16xf32> to vector<16xf32>
          %add3A_683 = arith.addf %while3A_639, %get3A_682 : vector<16xf32>
          %mul3A_684 = vector.broadcast %squeeze3A_666 : f32 to vector<16xf32>
          %mul3A_685 = arith.mulf %mul3A_684, %get3A_682 : vector<16xf32>
          %add3A_686 = arith.addf %while3A_647, %mul3A_685 : vector<16xf32>
          %max3A_687 = arith.maximumf %while3A_655, %get3A_682 : vector<16xf32>
          %get3A_688 = arith.index_cast %add3A_669 : i32 to index
          %get3A_689 = arith.constant 32 : index
          %get3A_690 = tpu.vector_load %arg6[%get3A_688, %get3A_689] {strides = array<i32>} : memref<256x128xf32, #tpu.memory_space<vmem>>, vector<1x16xf32>,
          %get3A_691 = vector.shape_cast %get3A_690 : vector<1x16xf32> to vector<16xf32>
          %add3A_692 = arith.addf %while3A_640, %get3A_691 : vector<16xf32>
          %mul3A_693 = vector.broadcast %squeeze3A_666 : f32 to vector<16xf32>
          %mul3A_694 = arith.mulf %mul3A_693, %get3A_691 : vector<16xf32>
          %add3A_695 = arith.addf %while3A_648, %mul3A_694 : vector<16xf32>
          %max3A_696 = arith.maximumf %while3A_656, %get3A_691 : vector<16xf32>
          %get3A_697 = arith.index_cast %add3A_669 : i32 to index
          %get3A_698 = arith.constant 48 : index
          %get3A_699 = tpu.vector_load %arg6[%get3A_697, %get3A_698] {strides = array<i32>} : memref<256x128xf32, #tpu.memory_space<vmem>>, vector<1x16xf32>,
          %get3A_700 = vector.shape_cast %get3A_699 : vector<1x16xf32> to vector<16xf32>
          %add3A_701 = arith.addf %while3A_641, %get3A_700 : vector<16xf32>
          %mul3A_702 = vector.broadcast %squeeze3A_666 : f32 to vector<16xf32>
          %mul3A_703 = arith.mulf %mul3A_702, %get3A_700 : vector<16xf32>
          %add3A_704 = arith.addf %while3A_649, %mul3A_703 : vector<16xf32>
          %max3A_705 = arith.maximumf %while3A_657, %get3A_700 : vector<16xf32>
          %get3A_706 = arith.index_cast %add3A_669 : i32 to index
          %get3A_707 = arith.constant 64 : index
          %get3A_708 = tpu.vector_load %arg6[%get3A_706, %get3A_707] {strides = array<i32>} : memref<256x128xf32, #tpu.memory_space<vmem>>, vector<1x16xf32>,
          %get3A_709 = vector.shape_cast %get3A_708 : vector<1x16xf32> to vector<16xf32>
          %add3A_710 = arith.addf %while3A_642, %get3A_709 : vector<16xf32>
          %mul3A_711 = vector.broadcast %squeeze3A_666 : f32 to vector<16xf32>
          %mul3A_712 = arith.mulf %mul3A_711, %get3A_709 : vector<16xf32>
          %add3A_713 = arith.addf %while3A_650, %mul3A_712 : vector<16xf32>
          %max3A_714 = arith.maximumf %while3A_658, %get3A_709 : vector<16xf32>
          %get3A_715 = arith.index_cast %add3A_669 : i32 to index
          %get3A_716 = arith.constant 80 : index
          %get3A_717 = tpu.vector_load %arg6[%get3A_715, %get3A_716] {strides = array<i32>} : memref<256x128xf32, #tpu.memory_space<vmem>>, vector<1x16xf32>,
          %get3A_718 = vector.shape_cast %get3A_717 : vector<1x16xf32> to vector<16xf32>
          %add3A_719 = arith.addf %while3A_643, %get3A_718 : vector<16xf32>
          %mul3A_720 = vector.broadcast %squeeze3A_666 : f32 to vector<16xf32>
          %mul3A_721 = arith.mulf %mul3A_720, %get3A_718 : vector<16xf32>
          %add3A_722 = arith.addf %while3A_651, %mul3A_721 : vector<16xf32>
          %max3A_723 = arith.maximumf %while3A_659, %get3A_718 : vector<16xf32>
          %get3A_724 = arith.index_cast %add3A_669 : i32 to index
          %get3A_725 = arith.constant 96 : index
          %get3A_726 = tpu.vector_load %arg6[%get3A_724, %get3A_725] {strides = array<i32>} : memref<256x128xf32, #tpu.memory_space<vmem>>, vector<1x16xf32>,
          %get3A_727 = vector.shape_cast %get3A_726 : vector<1x16xf32> to vector<16xf32>
          %add3A_728 = arith.addf %while3A_644, %get3A_727 : vector<16xf32>
          %mul3A_729 = vector.broadcast %squeeze3A_666 : f32 to vector<16xf32>
          %mul3A_730 = arith.mulf %mul3A_729, %get3A_727 : vector<16xf32>
          %add3A_731 = arith.addf %while3A_652, %mul3A_730 : vector<16xf32>
          %max3A_732 = arith.maximumf %while3A_660, %get3A_727 : vector<16xf32>
          %get3A_733 = arith.index_cast %add3A_669 : i32 to index
          %get3A_734 = arith.constant 112 : index
          %get3A_735 = tpu.vector_load %arg6[%get3A_733, %get3A_734] {strides = array<i32>} : memref<256x128xf32, #tpu.memory_space<vmem>>, vector<1x16xf32>,
          %get3A_736 = vector.shape_cast %get3A_735 : vector<1x16xf32> to vector<16xf32>
          %add3A_737 = arith.addf %while3A_645, %get3A_736 : vector<16xf32>
          %mul3A_738 = vector.broadcast %squeeze3A_666 : f32 to vector<16xf32>
          %mul3A_739 = arith.mulf %mul3A_738, %get3A_736 : vector<16xf32>
          %add3A_740 = arith.addf %while3A_653, %mul3A_739 : vector<16xf32>
          %max3A_741 = arith.maximumf %while3A_661, %get3A_736 : vector<16xf32>
          scf.yield %add3A_674, %add3A_683, %add3A_692, %add3A_701, %add3A_710, %add3A_719, %add3A_728, %add3A_737, %add3A_677, %add3A_686, %add3A_695, %add3A_704, %add3A_713, %add3A_722, %add3A_731, %add3A_740, %max3A_678, %max3A_687, %max3A_696, %max3A_705, %max3A_714, %max3A_723, %max3A_732, %max3A_741 : vector<16xf32>, vector<16xf32>, vector<16xf32>, vector<16xf32>, vector<16xf32>, vector<16xf32>, vector<16xf32>, vector<16xf32>, vector<16xf32>, vector<16xf32>, vector<16xf32>, vector<16xf32>, vector<16xf32>, vector<16xf32>, vector<16xf32>, vector<16xf32>, vector<16xf32>, vector<16xf32>, vector<16xf32>, vector<16xf32>, vector<16xf32>, vector<16xf32>, vector<16xf32>, vector<16xf32>
        }
        %while3A_635 = arith.constant 1 : i32
        %while3A_636:24 = scf.for %while3A_637 = %while3A_632 to %while3A_628 step %while3A_635 iter_args(%while3A_638 = %while3A_634#0, %while3A_639 = %while3A_634#1, %while3A_640 = %while3A_634#2, %while3A_641 = %while3A_634#3, %while3A_642 = %while3A_634#4, %while3A_643 = %while3A_634#5, %while3A_644 = %while3A_634#6, %while3A_645 = %while3A_634#7, %while3A_646 = %while3A_634#8, %while3A_647 = %while3A_634#9, %while3A_648 = %while3A_634#10, %while3A_649 = %while3A_634#11, %while3A_650 = %while3A_634#12, %while3A_651 = %while3A_634#13, %while3A_652 = %while3A_634#14, %while3A_653 = %while3A_634#15, %while3A_654 = %while3A_634#16, %while3A_655 = %while3A_634#17, %while3A_656 = %while3A_634#18, %while3A_657 = %while3A_634#19, %while3A_658 = %while3A_634#20, %while3A_659 = %while3A_634#21, %while3A_660 = %while3A_634#22, %while3A_661 = %while3A_634#23) -> (vector<16xf32>, vector<16xf32>, vector<16xf32>, vector<16xf32>, vector<16xf32>, vector<16xf32>, vector<16xf32>, vector<16xf32>, vector<16xf32>, vector<16xf32>, vector<16xf32>, vector<16xf32>, vector<16xf32>, vector<16xf32>, vector<16xf32>, vector<16xf32>, vector<16xf32>, vector<16xf32>, vector<16xf32>, vector<16xf32>, vector<16xf32>, vector<16xf32>, vector<16xf32>, vector<16xf32>)  : i32 {
          %get3A_662 = arith.index_cast %while3A_637 : i32 to index
          %get3A_663 = tpu.vector_load %arg9[%get3A_662] {strides = array<i32>} : memref<32xf32, #tpu.memory_space<vmem>>, vector<16xf32>,
          %get3A_664 = vector.shape_cast %get3A_663 : vector<16xf32> to vector<16xf32>
          %slice3A_665 = vector.extract_strided_slice %get3A_664 {offsets = [0], sizes = [1], strides = [1]} : vector<16xf32> to vector<1xf32>
          %squeeze3A_666 = vector.extract %slice3A_665[0] : f32 from vector<1xf32>
          %add3A_667 = arith.addi %add3A_537, %while3A_637 : i32
          %sub3A_668 = arith.subi %add3A_667, %multiple_of3A_115 : i32
          %add3A_669 = arith.addi %select_n3A_180, %sub3A_668 : i32
          %get3A_670 = arith.index_cast %add3A_669 : i32 to index
          %get3A_671 = arith.constant 0 : index
          %get3A_672 = tpu.vector_load %arg6[%get3A_670, %get3A_671] {strides = array<i32>} : memref<256x128xf32, #tpu.memory_space<vmem>>, vector<1x16xf32>,
          %get3A_673 = vector.shape_cast %get3A_672 : vector<1x16xf32> to vector<16xf32>
          %add3A_674 = arith.addf %while3A_638, %get3A_673 : vector<16xf32>
          %mul3A_675 = vector.broadcast %squeeze3A_666 : f32 to vector<16xf32>
          %mul3A_676 = arith.mulf %mul3A_675, %get3A_673 : vector<16xf32>
          %add3A_677 = arith.addf %while3A_646, %mul3A_676 : vector<16xf32>
          %max3A_678 = arith.maximumf %while3A_654, %get3A_673 : vector<16xf32>
          %get3A_679 = arith.index_cast %add3A_669 : i32 to index
          %get3A_680 = arith.constant 16 : index
          %get3A_681 = tpu.vector_load %arg6[%get3A_679, %get3A_680] {strides = array<i32>} : memref<256x128xf32, #tpu.memory_space<vmem>>, vector<1x16xf32>,
          %get3A_682 = vector.shape_cast %get3A_681 : vector<1x16xf32> to vector<16xf32>
          %add3A_683 = arith.addf %while3A_639, %get3A_682 : vector<16xf32>
          %mul3A_684 = vector.broadcast %squeeze3A_666 : f32 to vector<16xf32>
          %mul3A_685 = arith.mulf %mul3A_684, %get3A_682 : vector<16xf32>
          %add3A_686 = arith.addf %while3A_647, %mul3A_685 : vector<16xf32>
          %max3A_687 = arith.maximumf %while3A_655, %get3A_682 : vector<16xf32>
          %get3A_688 = arith.index_cast %add3A_669 : i32 to index
          %get3A_689 = arith.constant 32 : index
          %get3A_690 = tpu.vector_load %arg6[%get3A_688, %get3A_689] {strides = array<i32>} : memref<256x128xf32, #tpu.memory_space<vmem>>, vector<1x16xf32>,
          %get3A_691 = vector.shape_cast %get3A_690 : vector<1x16xf32> to vector<16xf32>
          %add3A_692 = arith.addf %while3A_640, %get3A_691 : vector<16xf32>
          %mul3A_693 = vector.broadcast %squeeze3A_666 : f32 to vector<16xf32>
          %mul3A_694 = arith.mulf %mul3A_693, %get3A_691 : vector<16xf32>
          %add3A_695 = arith.addf %while3A_648, %mul3A_694 : vector<16xf32>
          %max3A_696 = arith.maximumf %while3A_656, %get3A_691 : vector<16xf32>
          %get3A_697 = arith.index_cast %add3A_669 : i32 to index
          %get3A_698 = arith.constant 48 : index
          %get3A_699 = tpu.vector_load %arg6[%get3A_697, %get3A_698] {strides = array<i32>} : memref<256x128xf32, #tpu.memory_space<vmem>>, vector<1x16xf32>,
          %get3A_700 = vector.shape_cast %get3A_699 : vector<1x16xf32> to vector<16xf32>
          %add3A_701 = arith.addf %while3A_641, %get3A_700 : vector<16xf32>
          %mul3A_702 = vector.broadcast %squeeze3A_666 : f32 to vector<16xf32>
          %mul3A_703 = arith.mulf %mul3A_702, %get3A_700 : vector<16xf32>
          %add3A_704 = arith.addf %while3A_649, %mul3A_703 : vector<16xf32>
          %max3A_705 = arith.maximumf %while3A_657, %get3A_700 : vector<16xf32>
          %get3A_706 = arith.index_cast %add3A_669 : i32 to index
          %get3A_707 = arith.constant 64 : index
          %get3A_708 = tpu.vector_load %arg6[%get3A_706, %get3A_707] {strides = array<i32>} : memref<256x128xf32, #tpu.memory_space<vmem>>, vector<1x16xf32>,
          %get3A_709 = vector.shape_cast %get3A_708 : vector<1x16xf32> to vector<16xf32>
          %add3A_710 = arith.addf %while3A_642, %get3A_709 : vector<16xf32>
          %mul3A_711 = vector.broadcast %squeeze3A_666 : f32 to vector<16xf32>
          %mul3A_712 = arith.mulf %mul3A_711, %get3A_709 : vector<16xf32>
          %add3A_713 = arith.addf %while3A_650, %mul3A_712 : vector<16xf32>
          %max3A_714 = arith.maximumf %while3A_658, %get3A_709 : vector<16xf32>
          %get3A_715 = arith.index_cast %add3A_669 : i32 to index
          %get3A_716 = arith.constant 80 : index
          %get3A_717 = tpu.vector_load %arg6[%get3A_715, %get3A_716] {strides = array<i32>} : memref<256x128xf32, #tpu.memory_space<vmem>>, vector<1x16xf32>,
          %get3A_718 = vector.shape_cast %get3A_717 : vector<1x16xf32> to vector<16xf32>
          %add3A_719 = arith.addf %while3A_643, %get3A_718 : vector<16xf32>
          %mul3A_720 = vector.broadcast %squeeze3A_666 : f32 to vector<16xf32>
          %mul3A_721 = arith.mulf %mul3A_720, %get3A_718 : vector<16xf32>
          %add3A_722 = arith.addf %while3A_651, %mul3A_721 : vector<16xf32>
          %max3A_723 = arith.maximumf %while3A_659, %get3A_718 : vector<16xf32>
          %get3A_724 = arith.index_cast %add3A_669 : i32 to index
          %get3A_725 = arith.constant 96 : index
          %get3A_726 = tpu.vector_load %arg6[%get3A_724, %get3A_725] {strides = array<i32>} : memref<256x128xf32, #tpu.memory_space<vmem>>, vector<1x16xf32>,
          %get3A_727 = vector.shape_cast %get3A_726 : vector<1x16xf32> to vector<16xf32>
          %add3A_728 = arith.addf %while3A_644, %get3A_727 : vector<16xf32>
          %mul3A_729 = vector.broadcast %squeeze3A_666 : f32 to vector<16xf32>
          %mul3A_730 = arith.mulf %mul3A_729, %get3A_727 : vector<16xf32>
          %add3A_731 = arith.addf %while3A_652, %mul3A_730 : vector<16xf32>
          %max3A_732 = arith.maximumf %while3A_660, %get3A_727 : vector<16xf32>
          %get3A_733 = arith.index_cast %add3A_669 : i32 to index
          %get3A_734 = arith.constant 112 : index
          %get3A_735 = tpu.vector_load %arg6[%get3A_733, %get3A_734] {strides = array<i32>} : memref<256x128xf32, #tpu.memory_space<vmem>>, vector<1x16xf32>,
          %get3A_736 = vector.shape_cast %get3A_735 : vector<1x16xf32> to vector<16xf32>
          %add3A_737 = arith.addf %while3A_645, %get3A_736 : vector<16xf32>
          %mul3A_738 = vector.broadcast %squeeze3A_666 : f32 to vector<16xf32>
          %mul3A_739 = arith.mulf %mul3A_738, %get3A_736 : vector<16xf32>
          %add3A_740 = arith.addf %while3A_653, %mul3A_739 : vector<16xf32>
          %max3A_741 = arith.maximumf %while3A_661, %get3A_736 : vector<16xf32>
          scf.yield %add3A_674, %add3A_683, %add3A_692, %add3A_701, %add3A_710, %add3A_719, %add3A_728, %add3A_737, %add3A_677, %add3A_686, %add3A_695, %add3A_704, %add3A_713, %add3A_722, %add3A_731, %add3A_740, %max3A_678, %max3A_687, %max3A_696, %max3A_705, %max3A_714, %max3A_723, %max3A_732, %max3A_741 : vector<16xf32>, vector<16xf32>, vector<16xf32>, vector<16xf32>, vector<16xf32>, vector<16xf32>, vector<16xf32>, vector<16xf32>, vector<16xf32>, vector<16xf32>, vector<16xf32>, vector<16xf32>, vector<16xf32>, vector<16xf32>, vector<16xf32>, vector<16xf32>, vector<16xf32>, vector<16xf32>, vector<16xf32>, vector<16xf32>, vector<16xf32>, vector<16xf32>, vector<16xf32>, vector<16xf32>
        }
        scf.yield %while3A_636#0, %while3A_636#1, %while3A_636#2, %while3A_636#3, %while3A_636#4, %while3A_636#5, %while3A_636#6, %while3A_636#7, %while3A_636#8, %while3A_636#9, %while3A_636#10, %while3A_636#11, %while3A_636#12, %while3A_636#13, %while3A_636#14, %while3A_636#15, %while3A_636#16, %while3A_636#17, %while3A_636#18, %while3A_636#19, %while3A_636#20, %while3A_636#21, %while3A_636#22, %while3A_636#23, %add3A_615, %max3A_598 : vector<16xf32>, vector<16xf32>, vector<16xf32>, vector<16xf32>, vector<16xf32>, vector<16xf32>, vector<16xf32>, vector<16xf32>, vector<16xf32>, vector<16xf32>, vector<16xf32>, vector<16xf32>, vector<16xf32>, vector<16xf32>, vector<16xf32>, vector<16xf32>, vector<16xf32>, vector<16xf32>, vector<16xf32>, vector<16xf32>, vector<16xf32>, vector<16xf32>, vector<16xf32>, vector<16xf32>, vector<16xf32>, f32
      }
      %sub3A_225 = arith.subi %squeeze3A_85, %min3A_186 : i32
      %add3A_226 = arith.constant 127 : i32
      %add3A_227 = arith.addi %sub3A_225, %add3A_226 : i32
      %jit3A_228 = arith.constant 128 : i32
      %div3A_229 = arith.divsi %add3A_227, %jit3A_228 : i32
      %sign3A_230 = arith.constant 0 : i32
      %sign3A_231 = arith.cmpi sgt, %add3A_227, %sign3A_230 : i32
      %sign3A_232 = arith.extui %sign3A_231 : i1 to i32
      %sign3A_233 = arith.constant 0 : i32
      %sign3A_234 = arith.cmpi slt, %add3A_227, %sign3A_233 : i32
      %sign3A_235 = arith.extui %sign3A_234 : i1 to i32
      %sign3A_236 = arith.subi %sign3A_232, %sign3A_235 : i32
      %sign3A_237 = arith.constant 0 : i32
      %sign3A_238 = arith.cmpi sgt, %jit3A_228, %sign3A_237 : i32
      %sign3A_239 = arith.extui %sign3A_238 : i1 to i32
      %sign3A_240 = arith.constant 0 : i32
      %sign3A_241 = arith.cmpi slt, %jit3A_228, %sign3A_240 : i32
      %sign3A_242 = arith.extui %sign3A_241 : i1 to i32
      %sign3A_243 = arith.subi %sign3A_239, %sign3A_242 : i32
      %ne3A_244 = arith.cmpi ne, %sign3A_236, %sign3A_243 : i32
      %rem3A_245 = arith.remsi %add3A_227, %jit3A_228 : i32
      %ne3A_246 = arith.constant 0 : i32
      %ne3A_247 = arith.cmpi ne, %rem3A_245, %ne3A_246 : i32
      %and3A_248 = arith.andi %ne3A_244, %ne3A_247 : i1
      %sub3A_249 = arith.constant 1 : i32
      %sub3A_250 = arith.subi %div3A_229, %sub3A_249 : i32
      %select_n3A_251 = arith.select %and3A_248, %sub3A_250, %div3A_229 : i32
      %while3A_252 = arith.constant 0 : i32
      %while3A_253 = arith.subi %select_n3A_251, %while3A_252 : i32
      %while3A_254 = arith.addi %while3A_252, %while3A_253 : i32
      %while3A_255 = arith.constant 1 : i32
      %while3A_256 = arith.divsi %while3A_253, %while3A_255 : i32
      %while3A_257 = arith.muli %while3A_256, %while3A_255 : i32
      %while3A_258 = arith.addi %while3A_252, %while3A_257 : i32
      %while3A_259 = arith.constant 1 : i32
      %while3A_260:26 = scf.for %while3A_508 = %while3A_252 to %while3A_258 step %while3A_259 iter_args(%while3A_509 = %while3A_224#0, %while3A_510 = %while3A_224#1, %while3A_511 = %while3A_224#2, %while3A_512 = %while3A_224#3, %while3A_513 = %while3A_224#4, %while3A_514 = %while3A_224#5, %while3A_515 = %while3A_224#6, %while3A_516 = %while3A_224#7, %while3A_517 = %while3A_224#8, %while3A_518 = %while3A_224#9, %while3A_519 = %while3A_224#10, %while3A_520 = %while3A_224#11, %while3A_521 = %while3A_224#12, %while3A_522 = %while3A_224#13, %while3A_523 = %while3A_224#14, %while3A_524 = %while3A_224#15, %while3A_525 = %while3A_224#16, %while3A_526 = %while3A_224#17, %while3A_527 = %while3A_224#18, %while3A_528 = %while3A_224#19, %while3A_529 = %while3A_224#20, %while3A_530 = %while3A_224#21, %while3A_531 = %while3A_224#22, %while3A_532 = %while3A_224#23, %while3A_533 = %while3A_224#24, %while3A_534 = %while3A_224#25) -> (vector<16xf32>, vector<16xf32>, vector<16xf32>, vector<16xf32>, vector<16xf32>, vector<16xf32>, vector<16xf32>, vector<16xf32>, vector<16xf32>, vector<16xf32>, vector<16xf32>, vector<16xf32>, vector<16xf32>, vector<16xf32>, vector<16xf32>, vector<16xf32>, vector<16xf32>, vector<16xf32>, vector<16xf32>, vector<16xf32>, vector<16xf32>, vector<16xf32>, vector<16xf32>, vector<16xf32>, vector<16xf32>, f32)  : i32 {
        %add3A_535 = arith.constant 128 : i32
        %add3A_536 = arith.addi %multiple_of3A_115, %add3A_535 : i32
        %mul3A_537 = arith.constant 128 : i32
        %mul3A_538 = arith.muli %while3A_508, %mul3A_537 : i32
        %add3A_539 = arith.addi %add3A_536, %mul3A_538 : i32
        %min3A_540 = arith.constant 99872 : i32
        %min3A_541 = arith.minsi %add3A_539, %min3A_540 : i32
        %multiple_of3A_542 = tpu.assume_multiple %min3A_541, 8 : i32
        %jit3A_543 = arith.constant 16 : i32
        %div3A_544 = arith.divsi %multiple_of3A_542, %jit3A_543 : i32
        %sign3A_545 = arith.constant 0 : i32
        %sign3A_546 = arith.cmpi sgt, %multiple_of3A_542, %sign3A_545 : i32
        %sign3A_547 = arith.extui %sign3A_546 : i1 to i32
        %sign3A_548 = arith.constant 0 : i32
        %sign3A_549 = arith.cmpi slt, %multiple_of3A_542, %sign3A_548 : i32
        %sign3A_550 = arith.extui %sign3A_549 : i1 to i32
        %sign3A_551 = arith.subi %sign3A_547, %sign3A_550 : i32
        %sign3A_552 = arith.constant 0 : i32
        %sign3A_553 = arith.cmpi sgt, %jit3A_543, %sign3A_552 : i32
        %sign3A_554 = arith.extui %sign3A_553 : i1 to i32
        %sign3A_555 = arith.constant 0 : i32
        %sign3A_556 = arith.cmpi slt, %jit3A_543, %sign3A_555 : i32
        %sign3A_557 = arith.extui %sign3A_556 : i1 to i32
        %sign3A_558 = arith.subi %sign3A_554, %sign3A_557 : i32
        %ne3A_559 = arith.cmpi ne, %sign3A_551, %sign3A_558 : i32
        %rem3A_560 = arith.remsi %multiple_of3A_542, %jit3A_543 : i32
        %ne3A_561 = arith.constant 0 : i32
        %ne3A_562 = arith.cmpi ne, %rem3A_560, %ne3A_561 : i32
        %and3A_563 = arith.andi %ne3A_559, %ne3A_562 : i1
        %sub3A_564 = arith.constant 1 : i32
        %sub3A_565 = arith.subi %div3A_544, %sub3A_564 : i32
        %select_n3A_566 = arith.select %and3A_563, %sub3A_565, %div3A_544 : i32
        %mul3A_567 = arith.constant 16 : i32
        %mul3A_568 = arith.muli %select_n3A_566, %mul3A_567 : i32
        %multiple_of3A_569 = tpu.assume_multiple %mul3A_568, 16 : i32
        "tpu.region"() ({
          %run_scoped3A = tpu.sem_alloc : memref<!tpu.dma_semaphore, #tpu.memory_space<semaphore_mem>>
          %dma_start3A_611 = arith.constant 0 : i32
          %dma_start3A_612 = tpu.memref_slice %arg6[%select_n3A_180, %dma_start3A_611] : memref<256x128xf32, #tpu.memory_space<vmem>> -> memref<128x128xf32, #tpu.memory_space<vmem>>
          %dma_start3A_613 = arith.constant 0 : i32
          %dma_start3A_614 = tpu.memref_slice %arg2[%multiple_of3A_542, %dma_start3A_613] : memref<100000x128xf32, #tpu.memory_space<hbm>> -> memref<128x128xf32, #tpu.memory_space<hbm>>
          %dma_start3A_615 = arith.constant 0 : i32
          %dma_start3A_616 = tpu.memref_slice %arg6[%select_n3A_180, %dma_start3A_615] : memref<256x128xf32, #tpu.memory_space<vmem>> -> memref<128x128xf32, #tpu.memory_space<vmem>>
          %dma_start3A_617 = arith.constant 0 : i32
          %dma_start3A_618 = tpu.memref_slice %arg2[%multiple_of3A_542, %dma_start3A_617] : memref<100000x128xf32, #tpu.memory_space<hbm>> -> memref<128x128xf32, #tpu.memory_space<hbm>>
          tpu.enqueue_dma source(%dma_start3A_618 : memref<128x128xf32, #tpu.memory_space<hbm>>) target(%dma_start3A_616 : memref<128x128xf32, #tpu.memory_space<vmem>>) target_semaphore(%run_scoped3A : memref<!tpu.dma_semaphore, #tpu.memory_space<semaphore_mem>>)
          %dma_wait3A = arith.constant 0 : i32
          %dma_wait3A_619 = tpu.memref_slice %arg6[%select_n3A_180, %dma_wait3A] : memref<256x128xf32, #tpu.memory_space<vmem>> -> memref<128x128xf32, #tpu.memory_space<vmem>>
          %dma_wait3A_620 = arith.constant 0 : i32
          %dma_wait3A_621 = tpu.memref_slice %arg2[%multiple_of3A_542, %dma_wait3A_620] : memref<100000x128xf32, #tpu.memory_space<hbm>> -> memref<128x128xf32, #tpu.memory_space<hbm>>
          %dma_wait3A_622 = arith.constant 0 : i32
          %dma_wait3A_623 = tpu.memref_slice %arg6[%select_n3A_180, %dma_wait3A_622] : memref<256x128xf32, #tpu.memory_space<vmem>> -> memref<128x128xf32, #tpu.memory_space<vmem>>
          %dma_wait3A_624 = arith.constant 0 : i32
          %dma_wait3A_625 = tpu.memref_slice %arg2[%multiple_of3A_542, %dma_wait3A_624] : memref<100000x128xf32, #tpu.memory_space<hbm>> -> memref<128x128xf32, #tpu.memory_space<hbm>>
          tpu.wait_dma2 semaphore(%run_scoped3A : memref<!tpu.dma_semaphore, #tpu.memory_space<semaphore_mem>>) src(%dma_wait3A_625 : memref<128x128xf32, #tpu.memory_space<hbm>>) dst(%dma_wait3A_623 : memref<128x128xf32, #tpu.memory_space<vmem>>)
          tpu.yield
        }) : () -> ()
        "tpu.region"() ({
          %run_scoped3A = tpu.sem_alloc : memref<!tpu.dma_semaphore, #tpu.memory_space<semaphore_mem>>
          %dma_start3A_611 = tpu.memref_slice %arg7[%select_n3A_183] : memref<320xf32, #tpu.memory_space<vmem>> -> memref<160xf32, #tpu.memory_space<vmem>>
          %dma_start3A_612 = tpu.memref_slice %arg3[%multiple_of3A_569] : memref<100320xf32, #tpu.memory_space<hbm>> -> memref<160xf32, #tpu.memory_space<hbm>>
          %dma_start3A_613 = tpu.memref_slice %arg7[%select_n3A_183] : memref<320xf32, #tpu.memory_space<vmem>> -> memref<160xf32, #tpu.memory_space<vmem>>
          %dma_start3A_614 = tpu.memref_slice %arg3[%multiple_of3A_569] : memref<100320xf32, #tpu.memory_space<hbm>> -> memref<160xf32, #tpu.memory_space<hbm>>
          tpu.enqueue_dma source(%dma_start3A_614 : memref<160xf32, #tpu.memory_space<hbm>>) target(%dma_start3A_613 : memref<160xf32, #tpu.memory_space<vmem>>) target_semaphore(%run_scoped3A : memref<!tpu.dma_semaphore, #tpu.memory_space<semaphore_mem>>)
          %dma_wait3A = tpu.memref_slice %arg7[%select_n3A_183] : memref<320xf32, #tpu.memory_space<vmem>> -> memref<160xf32, #tpu.memory_space<vmem>>
          %dma_wait3A_615 = tpu.memref_slice %arg3[%multiple_of3A_569] : memref<100320xf32, #tpu.memory_space<hbm>> -> memref<160xf32, #tpu.memory_space<hbm>>
          %dma_wait3A_616 = tpu.memref_slice %arg7[%select_n3A_183] : memref<320xf32, #tpu.memory_space<vmem>> -> memref<160xf32, #tpu.memory_space<vmem>>
          %dma_wait3A_617 = tpu.memref_slice %arg3[%multiple_of3A_569] : memref<100320xf32, #tpu.memory_space<hbm>> -> memref<160xf32, #tpu.memory_space<hbm>>
          tpu.wait_dma2 semaphore(%run_scoped3A : memref<!tpu.dma_semaphore, #tpu.memory_space<semaphore_mem>>) src(%dma_wait3A_617 : memref<160xf32, #tpu.memory_space<hbm>>) dst(%dma_wait3A_616 : memref<160xf32, #tpu.memory_space<vmem>>)
          tpu.yield
        }) : () -> ()
        %add3A_570 = arith.constant 128 : i32
        %add3A_571 = arith.addi %add3A_539, %add3A_570 : i32
        %min3A_572 = arith.minsi %add3A_571, %squeeze3A_85 : i32
        %sub3A_573 = arith.subi %min3A_572, %add3A_539 : i32
        %add3A_574 = arith.constant 15 : i32
        %add3A_575 = arith.addi %sub3A_573, %add3A_574 : i32
        %jit3A_576 = arith.constant 16 : i32
        %div3A_577 = arith.divsi %add3A_575, %jit3A_576 : i32
        %sign3A_578 = arith.constant 0 : i32
        %sign3A_579 = arith.cmpi sgt, %add3A_575, %sign3A_578 : i32
        %sign3A_580 = arith.extui %sign3A_579 : i1 to i32
        %sign3A_581 = arith.constant 0 : i32
        %sign3A_582 = arith.cmpi slt, %add3A_575, %sign3A_581 : i32
        %sign3A_583 = arith.extui %sign3A_582 : i1 to i32
        %sign3A_584 = arith.subi %sign3A_580, %sign3A_583 : i32
        %sign3A_585 = arith.constant 0 : i32
        %sign3A_586 = arith.cmpi sgt, %jit3A_576, %sign3A_585 : i32
        %sign3A_587 = arith.extui %sign3A_586 : i1 to i32
        %sign3A_588 = arith.constant 0 : i32
        %sign3A_589 = arith.cmpi slt, %jit3A_576, %sign3A_588 : i32
        %sign3A_590 = arith.extui %sign3A_589 : i1 to i32
        %sign3A_591 = arith.subi %sign3A_587, %sign3A_590 : i32
        %ne3A_592 = arith.cmpi ne, %sign3A_584, %sign3A_591 : i32
        %rem3A_593 = arith.remsi %add3A_575, %jit3A_576 : i32
        %ne3A_594 = arith.constant 0 : i32
        %ne3A_595 = arith.cmpi ne, %rem3A_593, %ne3A_594 : i32
        %and3A_596 = arith.andi %ne3A_592, %ne3A_595 : i1
        %sub3A_597 = arith.constant 1 : i32
        %sub3A_598 = arith.subi %div3A_577, %sub3A_597 : i32
        %select_n3A_599 = arith.select %and3A_596, %sub3A_598, %div3A_577 : i32
        %while3A_600 = arith.constant 0 : i32
        %while3A_601 = arith.subi %select_n3A_599, %while3A_600 : i32
        %while3A_602 = arith.addi %while3A_600, %while3A_601 : i32
        %while3A_603 = arith.constant 1 : i32
        %while3A_604 = arith.divsi %while3A_601, %while3A_603 : i32
        %while3A_605 = arith.muli %while3A_604, %while3A_603 : i32
        %while3A_606 = arith.addi %while3A_600, %while3A_605 : i32
        %while3A_607 = arith.constant 1 : i32
        %while3A_608:26 = scf.for %while3A_611 = %while3A_600 to %while3A_606 step %while3A_607 iter_args(%while3A_612 = %while3A_509, %while3A_613 = %while3A_510, %while3A_614 = %while3A_511, %while3A_615 = %while3A_512, %while3A_616 = %while3A_513, %while3A_617 = %while3A_514, %while3A_618 = %while3A_515, %while3A_619 = %while3A_516, %while3A_620 = %while3A_517, %while3A_621 = %while3A_518, %while3A_622 = %while3A_519, %while3A_623 = %while3A_520, %while3A_624 = %while3A_521, %while3A_625 = %while3A_522, %while3A_626 = %while3A_523, %while3A_627 = %while3A_524, %while3A_628 = %while3A_525, %while3A_629 = %while3A_526, %while3A_630 = %while3A_527, %while3A_631 = %while3A_528, %while3A_632 = %while3A_529, %while3A_633 = %while3A_530, %while3A_634 = %while3A_531, %while3A_635 = %while3A_532, %while3A_636 = %while3A_533, %while3A_637 = %while3A_534) -> (vector<16xf32>, vector<16xf32>, vector<16xf32>, vector<16xf32>, vector<16xf32>, vector<16xf32>, vector<16xf32>, vector<16xf32>, vector<16xf32>, vector<16xf32>, vector<16xf32>, vector<16xf32>, vector<16xf32>, vector<16xf32>, vector<16xf32>, vector<16xf32>, vector<16xf32>, vector<16xf32>, vector<16xf32>, vector<16xf32>, vector<16xf32>, vector<16xf32>, vector<16xf32>, vector<16xf32>, vector<16xf32>, f32)  : i32 {
          %mul3A_638 = arith.constant 16 : i32
          %mul3A_639 = arith.muli %mul3A_638, %while3A_611 : i32
          %add3A_640 = arith.addi %add3A_539, %mul3A_639 : i32
          %mul3A_641 = arith.constant 16 : i32
          %mul3A_642 = arith.muli %mul3A_641, %while3A_611 : i32
          %sub3A_643 = arith.subi %sub3A_573, %mul3A_642 : i32
          %sub3A_644 = arith.subi %add3A_640, %multiple_of3A_569 : i32
          %add3A_645 = arith.addi %select_n3A_183, %sub3A_644 : i32
          %get3A_646 = arith.index_cast %add3A_645 : i32 to index
          %get3A_647 = tpu.vector_load %arg7[%get3A_646] {strides = array<i32>} : memref<320xf32, #tpu.memory_space<vmem>>, vector<16xf32>,
          %get3A_648 = vector.shape_cast %get3A_647 : vector<16xf32> to vector<16xf32>
          %lt3A_649 = vector.broadcast %sub3A_643 : i32 to vector<16xi32>
          %lt3A_650 = arith.cmpi slt, %iota3A, %lt3A_649 : vector<16xi32>
          %jit3A_651 = arith.constant 0xFF800000 : f32
          %broadcast_in_dim3A_652 = vector.broadcast %jit3A_651 : f32 to vector<16xf32>
          %select_n3A_653 = arith.select %lt3A_650, %get3A_648, %broadcast_in_dim3A_652 : vector<16xi1>, vector<16xf32>
          %slice3A_654 = vector.extract_strided_slice %select_n3A_653 {offsets = [0], sizes = [1], strides = [1]} : vector<16xf32> to vector<1xf32>
          %squeeze3A_655 = vector.extract %slice3A_654[0] : f32 from vector<1xf32>
          %slice3A_656 = vector.extract_strided_slice %select_n3A_653 {offsets = [1], sizes = [1], strides = [1]} : vector<16xf32> to vector<1xf32>
          %squeeze3A_657 = vector.extract %slice3A_656[0] : f32 from vector<1xf32>
          %max3A_658 = arith.maximumf %squeeze3A_655, %squeeze3A_657 : f32
          %slice3A_659 = vector.extract_strided_slice %select_n3A_653 {offsets = [2], sizes = [1], strides = [1]} : vector<16xf32> to vector<1xf32>
          %squeeze3A_660 = vector.extract %slice3A_659[0] : f32 from vector<1xf32>
          %max3A_661 = arith.maximumf %max3A_658, %squeeze3A_660 : f32
          %slice3A_662 = vector.extract_strided_slice %select_n3A_653 {offsets = [3], sizes = [1], strides = [1]} : vector<16xf32> to vector<1xf32>
          %squeeze3A_663 = vector.extract %slice3A_662[0] : f32 from vector<1xf32>
          %max3A_664 = arith.maximumf %max3A_661, %squeeze3A_663 : f32
          %slice3A_665 = vector.extract_strided_slice %select_n3A_653 {offsets = [4], sizes = [1], strides = [1]} : vector<16xf32> to vector<1xf32>
          %squeeze3A_666 = vector.extract %slice3A_665[0] : f32 from vector<1xf32>
          %max3A_667 = arith.maximumf %max3A_664, %squeeze3A_666 : f32
          %slice3A_668 = vector.extract_strided_slice %select_n3A_653 {offsets = [5], sizes = [1], strides = [1]} : vector<16xf32> to vector<1xf32>
          %squeeze3A_669 = vector.extract %slice3A_668[0] : f32 from vector<1xf32>
          %max3A_670 = arith.maximumf %max3A_667, %squeeze3A_669 : f32
          %slice3A_671 = vector.extract_strided_slice %select_n3A_653 {offsets = [6], sizes = [1], strides = [1]} : vector<16xf32> to vector<1xf32>
          %squeeze3A_672 = vector.extract %slice3A_671[0] : f32 from vector<1xf32>
          %max3A_673 = arith.maximumf %max3A_670, %squeeze3A_672 : f32
          %slice3A_674 = vector.extract_strided_slice %select_n3A_653 {offsets = [7], sizes = [1], strides = [1]} : vector<16xf32> to vector<1xf32>
          %squeeze3A_675 = vector.extract %slice3A_674[0] : f32 from vector<1xf32>
          %max3A_676 = arith.maximumf %max3A_673, %squeeze3A_675 : f32
          %slice3A_677 = vector.extract_strided_slice %select_n3A_653 {offsets = [8], sizes = [1], strides = [1]} : vector<16xf32> to vector<1xf32>
          %squeeze3A_678 = vector.extract %slice3A_677[0] : f32 from vector<1xf32>
          %max3A_679 = arith.maximumf %max3A_676, %squeeze3A_678 : f32
          %slice3A_680 = vector.extract_strided_slice %select_n3A_653 {offsets = [9], sizes = [1], strides = [1]} : vector<16xf32> to vector<1xf32>
          %squeeze3A_681 = vector.extract %slice3A_680[0] : f32 from vector<1xf32>
          %max3A_682 = arith.maximumf %max3A_679, %squeeze3A_681 : f32
          %slice3A_683 = vector.extract_strided_slice %select_n3A_653 {offsets = [10], sizes = [1], strides = [1]} : vector<16xf32> to vector<1xf32>
          %squeeze3A_684 = vector.extract %slice3A_683[0] : f32 from vector<1xf32>
          %max3A_685 = arith.maximumf %max3A_682, %squeeze3A_684 : f32
          %slice3A_686 = vector.extract_strided_slice %select_n3A_653 {offsets = [11], sizes = [1], strides = [1]} : vector<16xf32> to vector<1xf32>
          %squeeze3A_687 = vector.extract %slice3A_686[0] : f32 from vector<1xf32>
          %max3A_688 = arith.maximumf %max3A_685, %squeeze3A_687 : f32
          %slice3A_689 = vector.extract_strided_slice %select_n3A_653 {offsets = [12], sizes = [1], strides = [1]} : vector<16xf32> to vector<1xf32>
          %squeeze3A_690 = vector.extract %slice3A_689[0] : f32 from vector<1xf32>
          %max3A_691 = arith.maximumf %max3A_688, %squeeze3A_690 : f32
          %slice3A_692 = vector.extract_strided_slice %select_n3A_653 {offsets = [13], sizes = [1], strides = [1]} : vector<16xf32> to vector<1xf32>
          %squeeze3A_693 = vector.extract %slice3A_692[0] : f32 from vector<1xf32>
          %max3A_694 = arith.maximumf %max3A_691, %squeeze3A_693 : f32
          %slice3A_695 = vector.extract_strided_slice %select_n3A_653 {offsets = [14], sizes = [1], strides = [1]} : vector<16xf32> to vector<1xf32>
          %squeeze3A_696 = vector.extract %slice3A_695[0] : f32 from vector<1xf32>
          %max3A_697 = arith.maximumf %max3A_694, %squeeze3A_696 : f32
          %slice3A_698 = vector.extract_strided_slice %select_n3A_653 {offsets = [15], sizes = [1], strides = [1]} : vector<16xf32> to vector<1xf32>
          %squeeze3A_699 = vector.extract %slice3A_698[0] : f32 from vector<1xf32>
          %max3A_700 = arith.maximumf %max3A_697, %squeeze3A_699 : f32
          %max3A_701 = arith.maximumf %while3A_637, %max3A_700 : f32
          %sub3A_702 = arith.subf %while3A_637, %max3A_701 : f32
          %add3A_703 = vector.broadcast %sub3A_702 : f32 to vector<16xf32>
          %add3A_704 = arith.addf %broadcast_in_dim3A_3, %add3A_703 : vector<16xf32>
          %exp3A = math.exp %add3A_704 : vector<16xf32>
          %lt3A_705 = vector.broadcast %sub3A_643 : i32 to vector<16xi32>
          %lt3A_706 = arith.cmpi slt, %iota3A, %lt3A_705 : vector<16xi32>
          %sub3A_707 = vector.broadcast %max3A_701 : f32 to vector<16xf32>
          %sub3A_708 = arith.subf %get3A_648, %sub3A_707 : vector<16xf32>
          %exp3A_709 = math.exp %sub3A_708 : vector<16xf32>
          %jit3A_710 = arith.constant 0.000000e+00 : f32
          %broadcast_in_dim3A_711 = vector.broadcast %jit3A_710 : f32 to vector<16xf32>
          %select_n3A_712 = arith.select %lt3A_706, %exp3A_709, %broadcast_in_dim3A_711 : vector<16xi1>, vector<16xf32>
          %swap3A_713 = arith.constant 0 : index
          %swap3A_714 = tpu.vector_load %arg9[%swap3A_713] {strides = array<i32>} : memref<32xf32, #tpu.memory_space<vmem>>, vector<16xf32>,
          %swap3A_715 = vector.shape_cast %swap3A_714 : vector<16xf32> to vector<16xf32>
          %swap3A_716 = vector.shape_cast %select_n3A_712 : vector<16xf32> to vector<16xf32>
          tpu.vector_store %arg9[%swap3A_713], %swap3A_716 {strides = array<i32>} : memref<32xf32, #tpu.memory_space<vmem>>, vector<16xf32>,
          %mul3A_717 = arith.mulf %while3A_636, %exp3A : vector<16xf32>
          %add3A_718 = arith.addf %mul3A_717, %select_n3A_712 : vector<16xf32>
          %mul3A_719 = arith.mulf %while3A_620, %exp3A : vector<16xf32>
          %mul3A_720 = arith.mulf %while3A_621, %exp3A : vector<16xf32>
          %mul3A_721 = arith.mulf %while3A_622, %exp3A : vector<16xf32>
          %mul3A_722 = arith.mulf %while3A_623, %exp3A : vector<16xf32>
          %mul3A_723 = arith.mulf %while3A_624, %exp3A : vector<16xf32>
          %mul3A_724 = arith.mulf %while3A_625, %exp3A : vector<16xf32>
          %mul3A_725 = arith.mulf %while3A_626, %exp3A : vector<16xf32>
          %mul3A_726 = arith.mulf %while3A_627, %exp3A : vector<16xf32>
          %min3A_727 = arith.constant 16 : i32
          %min3A_728 = arith.minsi %min3A_727, %sub3A_643 : i32
          %while3A_729 = arith.constant 0 : i32
          %while3A_730 = arith.subi %min3A_728, %while3A_729 : i32
          %while3A_731 = arith.addi %while3A_729, %while3A_730 : i32
          %while3A_732 = arith.constant 1 : i32
          %while3A_733 = arith.divsi %while3A_730, %while3A_732 : i32
          %while3A_734 = arith.muli %while3A_733, %while3A_732 : i32
          %while3A_735 = arith.addi %while3A_729, %while3A_734 : i32
          %while3A_736 = arith.constant 1 : i32
          %while3A_737:24 = scf.for %while3A_740 = %while3A_729 to %while3A_735 step %while3A_736 iter_args(%while3A_741 = %while3A_612, %while3A_742 = %while3A_613, %while3A_743 = %while3A_614, %while3A_744 = %while3A_615, %while3A_745 = %while3A_616, %while3A_746 = %while3A_617, %while3A_747 = %while3A_618, %while3A_748 = %while3A_619, %while3A_749 = %mul3A_719, %while3A_750 = %mul3A_720, %while3A_751 = %mul3A_721, %while3A_752 = %mul3A_722, %while3A_753 = %mul3A_723, %while3A_754 = %mul3A_724, %while3A_755 = %mul3A_725, %while3A_756 = %mul3A_726, %while3A_757 = %while3A_628, %while3A_758 = %while3A_629, %while3A_759 = %while3A_630, %while3A_760 = %while3A_631, %while3A_761 = %while3A_632, %while3A_762 = %while3A_633, %while3A_763 = %while3A_634, %while3A_764 = %while3A_635) -> (vector<16xf32>, vector<16xf32>, vector<16xf32>, vector<16xf32>, vector<16xf32>, vector<16xf32>, vector<16xf32>, vector<16xf32>, vector<16xf32>, vector<16xf32>, vector<16xf32>, vector<16xf32>, vector<16xf32>, vector<16xf32>, vector<16xf32>, vector<16xf32>, vector<16xf32>, vector<16xf32>, vector<16xf32>, vector<16xf32>, vector<16xf32>, vector<16xf32>, vector<16xf32>, vector<16xf32>)  : i32 {
            %get3A_765 = arith.index_cast %while3A_740 : i32 to index
            %get3A_766 = tpu.vector_load %arg9[%get3A_765] {strides = array<i32>} : memref<32xf32, #tpu.memory_space<vmem>>, vector<16xf32>,
            %get3A_767 = vector.shape_cast %get3A_766 : vector<16xf32> to vector<16xf32>
            %slice3A_768 = vector.extract_strided_slice %get3A_767 {offsets = [0], sizes = [1], strides = [1]} : vector<16xf32> to vector<1xf32>
            %squeeze3A_769 = vector.extract %slice3A_768[0] : f32 from vector<1xf32>
            %add3A_770 = arith.addi %add3A_640, %while3A_740 : i32
            %sub3A_771 = arith.subi %add3A_770, %multiple_of3A_542 : i32
            %add3A_772 = arith.addi %select_n3A_180, %sub3A_771 : i32
            %get3A_773 = arith.index_cast %add3A_772 : i32 to index
            %get3A_774 = arith.constant 0 : index
            %get3A_775 = tpu.vector_load %arg6[%get3A_773, %get3A_774] {strides = array<i32>} : memref<256x128xf32, #tpu.memory_space<vmem>>, vector<1x16xf32>,
            %get3A_776 = vector.shape_cast %get3A_775 : vector<1x16xf32> to vector<16xf32>
            %add3A_777 = arith.addf %while3A_741, %get3A_776 : vector<16xf32>
            %mul3A_778 = vector.broadcast %squeeze3A_769 : f32 to vector<16xf32>
            %mul3A_779 = arith.mulf %mul3A_778, %get3A_776 : vector<16xf32>
            %add3A_780 = arith.addf %while3A_749, %mul3A_779 : vector<16xf32>
            %max3A_781 = arith.maximumf %while3A_757, %get3A_776 : vector<16xf32>
            %get3A_782 = arith.index_cast %add3A_772 : i32 to index
            %get3A_783 = arith.constant 16 : index
            %get3A_784 = tpu.vector_load %arg6[%get3A_782, %get3A_783] {strides = array<i32>} : memref<256x128xf32, #tpu.memory_space<vmem>>, vector<1x16xf32>,
            %get3A_785 = vector.shape_cast %get3A_784 : vector<1x16xf32> to vector<16xf32>
            %add3A_786 = arith.addf %while3A_742, %get3A_785 : vector<16xf32>
            %mul3A_787 = vector.broadcast %squeeze3A_769 : f32 to vector<16xf32>
            %mul3A_788 = arith.mulf %mul3A_787, %get3A_785 : vector<16xf32>
            %add3A_789 = arith.addf %while3A_750, %mul3A_788 : vector<16xf32>
            %max3A_790 = arith.maximumf %while3A_758, %get3A_785 : vector<16xf32>
            %get3A_791 = arith.index_cast %add3A_772 : i32 to index
            %get3A_792 = arith.constant 32 : index
            %get3A_793 = tpu.vector_load %arg6[%get3A_791, %get3A_792] {strides = array<i32>} : memref<256x128xf32, #tpu.memory_space<vmem>>, vector<1x16xf32>,
            %get3A_794 = vector.shape_cast %get3A_793 : vector<1x16xf32> to vector<16xf32>
            %add3A_795 = arith.addf %while3A_743, %get3A_794 : vector<16xf32>
            %mul3A_796 = vector.broadcast %squeeze3A_769 : f32 to vector<16xf32>
            %mul3A_797 = arith.mulf %mul3A_796, %get3A_794 : vector<16xf32>
            %add3A_798 = arith.addf %while3A_751, %mul3A_797 : vector<16xf32>
            %max3A_799 = arith.maximumf %while3A_759, %get3A_794 : vector<16xf32>
            %get3A_800 = arith.index_cast %add3A_772 : i32 to index
            %get3A_801 = arith.constant 48 : index
            %get3A_802 = tpu.vector_load %arg6[%get3A_800, %get3A_801] {strides = array<i32>} : memref<256x128xf32, #tpu.memory_space<vmem>>, vector<1x16xf32>,
            %get3A_803 = vector.shape_cast %get3A_802 : vector<1x16xf32> to vector<16xf32>
            %add3A_804 = arith.addf %while3A_744, %get3A_803 : vector<16xf32>
            %mul3A_805 = vector.broadcast %squeeze3A_769 : f32 to vector<16xf32>
            %mul3A_806 = arith.mulf %mul3A_805, %get3A_803 : vector<16xf32>
            %add3A_807 = arith.addf %while3A_752, %mul3A_806 : vector<16xf32>
            %max3A_808 = arith.maximumf %while3A_760, %get3A_803 : vector<16xf32>
            %get3A_809 = arith.index_cast %add3A_772 : i32 to index
            %get3A_810 = arith.constant 64 : index
            %get3A_811 = tpu.vector_load %arg6[%get3A_809, %get3A_810] {strides = array<i32>} : memref<256x128xf32, #tpu.memory_space<vmem>>, vector<1x16xf32>,
            %get3A_812 = vector.shape_cast %get3A_811 : vector<1x16xf32> to vector<16xf32>
            %add3A_813 = arith.addf %while3A_745, %get3A_812 : vector<16xf32>
            %mul3A_814 = vector.broadcast %squeeze3A_769 : f32 to vector<16xf32>
            %mul3A_815 = arith.mulf %mul3A_814, %get3A_812 : vector<16xf32>
            %add3A_816 = arith.addf %while3A_753, %mul3A_815 : vector<16xf32>
            %max3A_817 = arith.maximumf %while3A_761, %get3A_812 : vector<16xf32>
            %get3A_818 = arith.index_cast %add3A_772 : i32 to index
            %get3A_819 = arith.constant 80 : index
            %get3A_820 = tpu.vector_load %arg6[%get3A_818, %get3A_819] {strides = array<i32>} : memref<256x128xf32, #tpu.memory_space<vmem>>, vector<1x16xf32>,
            %get3A_821 = vector.shape_cast %get3A_820 : vector<1x16xf32> to vector<16xf32>
            %add3A_822 = arith.addf %while3A_746, %get3A_821 : vector<16xf32>
            %mul3A_823 = vector.broadcast %squeeze3A_769 : f32 to vector<16xf32>
            %mul3A_824 = arith.mulf %mul3A_823, %get3A_821 : vector<16xf32>
            %add3A_825 = arith.addf %while3A_754, %mul3A_824 : vector<16xf32>
            %max3A_826 = arith.maximumf %while3A_762, %get3A_821 : vector<16xf32>
            %get3A_827 = arith.index_cast %add3A_772 : i32 to index
            %get3A_828 = arith.constant 96 : index
            %get3A_829 = tpu.vector_load %arg6[%get3A_827, %get3A_828] {strides = array<i32>} : memref<256x128xf32, #tpu.memory_space<vmem>>, vector<1x16xf32>,
            %get3A_830 = vector.shape_cast %get3A_829 : vector<1x16xf32> to vector<16xf32>
            %add3A_831 = arith.addf %while3A_747, %get3A_830 : vector<16xf32>
            %mul3A_832 = vector.broadcast %squeeze3A_769 : f32 to vector<16xf32>
            %mul3A_833 = arith.mulf %mul3A_832, %get3A_830 : vector<16xf32>
            %add3A_834 = arith.addf %while3A_755, %mul3A_833 : vector<16xf32>
            %max3A_835 = arith.maximumf %while3A_763, %get3A_830 : vector<16xf32>
            %get3A_836 = arith.index_cast %add3A_772 : i32 to index
            %get3A_837 = arith.constant 112 : index
            %get3A_838 = tpu.vector_load %arg6[%get3A_836, %get3A_837] {strides = array<i32>} : memref<256x128xf32, #tpu.memory_space<vmem>>, vector<1x16xf32>,
            %get3A_839 = vector.shape_cast %get3A_838 : vector<1x16xf32> to vector<16xf32>
            %add3A_840 = arith.addf %while3A_748, %get3A_839 : vector<16xf32>
            %mul3A_841 = vector.broadcast %squeeze3A_769 : f32 to vector<16xf32>
            %mul3A_842 = arith.mulf %mul3A_841, %get3A_839 : vector<16xf32>
            %add3A_843 = arith.addf %while3A_756, %mul3A_842 : vector<16xf32>
            %max3A_844 = arith.maximumf %while3A_764, %get3A_839 : vector<16xf32>
            scf.yield %add3A_777, %add3A_786, %add3A_795, %add3A_804, %add3A_813, %add3A_822, %add3A_831, %add3A_840, %add3A_780, %add3A_789, %add3A_798, %add3A_807, %add3A_816, %add3A_825, %add3A_834, %add3A_843, %max3A_781, %max3A_790, %max3A_799, %max3A_808, %max3A_817, %max3A_826, %max3A_835, %max3A_844 : vector<16xf32>, vector<16xf32>, vector<16xf32>, vector<16xf32>, vector<16xf32>, vector<16xf32>, vector<16xf32>, vector<16xf32>, vector<16xf32>, vector<16xf32>, vector<16xf32>, vector<16xf32>, vector<16xf32>, vector<16xf32>, vector<16xf32>, vector<16xf32>, vector<16xf32>, vector<16xf32>, vector<16xf32>, vector<16xf32>, vector<16xf32>, vector<16xf32>, vector<16xf32>, vector<16xf32>
          }
          %while3A_738 = arith.constant 1 : i32
          %while3A_739:24 = scf.for %while3A_740 = %while3A_735 to %while3A_731 step %while3A_738 iter_args(%while3A_741 = %while3A_737#0, %while3A_742 = %while3A_737#1, %while3A_743 = %while3A_737#2, %while3A_744 = %while3A_737#3, %while3A_745 = %while3A_737#4, %while3A_746 = %while3A_737#5, %while3A_747 = %while3A_737#6, %while3A_748 = %while3A_737#7, %while3A_749 = %while3A_737#8, %while3A_750 = %while3A_737#9, %while3A_751 = %while3A_737#10, %while3A_752 = %while3A_737#11, %while3A_753 = %while3A_737#12, %while3A_754 = %while3A_737#13, %while3A_755 = %while3A_737#14, %while3A_756 = %while3A_737#15, %while3A_757 = %while3A_737#16, %while3A_758 = %while3A_737#17, %while3A_759 = %while3A_737#18, %while3A_760 = %while3A_737#19, %while3A_761 = %while3A_737#20, %while3A_762 = %while3A_737#21, %while3A_763 = %while3A_737#22, %while3A_764 = %while3A_737#23) -> (vector<16xf32>, vector<16xf32>, vector<16xf32>, vector<16xf32>, vector<16xf32>, vector<16xf32>, vector<16xf32>, vector<16xf32>, vector<16xf32>, vector<16xf32>, vector<16xf32>, vector<16xf32>, vector<16xf32>, vector<16xf32>, vector<16xf32>, vector<16xf32>, vector<16xf32>, vector<16xf32>, vector<16xf32>, vector<16xf32>, vector<16xf32>, vector<16xf32>, vector<16xf32>, vector<16xf32>)  : i32 {
            %get3A_765 = arith.index_cast %while3A_740 : i32 to index
            %get3A_766 = tpu.vector_load %arg9[%get3A_765] {strides = array<i32>} : memref<32xf32, #tpu.memory_space<vmem>>, vector<16xf32>,
            %get3A_767 = vector.shape_cast %get3A_766 : vector<16xf32> to vector<16xf32>
            %slice3A_768 = vector.extract_strided_slice %get3A_767 {offsets = [0], sizes = [1], strides = [1]} : vector<16xf32> to vector<1xf32>
            %squeeze3A_769 = vector.extract %slice3A_768[0] : f32 from vector<1xf32>
            %add3A_770 = arith.addi %add3A_640, %while3A_740 : i32
            %sub3A_771 = arith.subi %add3A_770, %multiple_of3A_542 : i32
            %add3A_772 = arith.addi %select_n3A_180, %sub3A_771 : i32
            %get3A_773 = arith.index_cast %add3A_772 : i32 to index
            %get3A_774 = arith.constant 0 : index
            %get3A_775 = tpu.vector_load %arg6[%get3A_773, %get3A_774] {strides = array<i32>} : memref<256x128xf32, #tpu.memory_space<vmem>>, vector<1x16xf32>,
            %get3A_776 = vector.shape_cast %get3A_775 : vector<1x16xf32> to vector<16xf32>
            %add3A_777 = arith.addf %while3A_741, %get3A_776 : vector<16xf32>
            %mul3A_778 = vector.broadcast %squeeze3A_769 : f32 to vector<16xf32>
            %mul3A_779 = arith.mulf %mul3A_778, %get3A_776 : vector<16xf32>
            %add3A_780 = arith.addf %while3A_749, %mul3A_779 : vector<16xf32>
            %max3A_781 = arith.maximumf %while3A_757, %get3A_776 : vector<16xf32>
            %get3A_782 = arith.index_cast %add3A_772 : i32 to index
            %get3A_783 = arith.constant 16 : index
            %get3A_784 = tpu.vector_load %arg6[%get3A_782, %get3A_783] {strides = array<i32>} : memref<256x128xf32, #tpu.memory_space<vmem>>, vector<1x16xf32>,
            %get3A_785 = vector.shape_cast %get3A_784 : vector<1x16xf32> to vector<16xf32>
            %add3A_786 = arith.addf %while3A_742, %get3A_785 : vector<16xf32>
            %mul3A_787 = vector.broadcast %squeeze3A_769 : f32 to vector<16xf32>
            %mul3A_788 = arith.mulf %mul3A_787, %get3A_785 : vector<16xf32>
            %add3A_789 = arith.addf %while3A_750, %mul3A_788 : vector<16xf32>
            %max3A_790 = arith.maximumf %while3A_758, %get3A_785 : vector<16xf32>
            %get3A_791 = arith.index_cast %add3A_772 : i32 to index
            %get3A_792 = arith.constant 32 : index
            %get3A_793 = tpu.vector_load %arg6[%get3A_791, %get3A_792] {strides = array<i32>} : memref<256x128xf32, #tpu.memory_space<vmem>>, vector<1x16xf32>,
            %get3A_794 = vector.shape_cast %get3A_793 : vector<1x16xf32> to vector<16xf32>
            %add3A_795 = arith.addf %while3A_743, %get3A_794 : vector<16xf32>
            %mul3A_796 = vector.broadcast %squeeze3A_769 : f32 to vector<16xf32>
            %mul3A_797 = arith.mulf %mul3A_796, %get3A_794 : vector<16xf32>
            %add3A_798 = arith.addf %while3A_751, %mul3A_797 : vector<16xf32>
            %max3A_799 = arith.maximumf %while3A_759, %get3A_794 : vector<16xf32>
            %get3A_800 = arith.index_cast %add3A_772 : i32 to index
            %get3A_801 = arith.constant 48 : index
            %get3A_802 = tpu.vector_load %arg6[%get3A_800, %get3A_801] {strides = array<i32>} : memref<256x128xf32, #tpu.memory_space<vmem>>, vector<1x16xf32>,
            %get3A_803 = vector.shape_cast %get3A_802 : vector<1x16xf32> to vector<16xf32>
            %add3A_804 = arith.addf %while3A_744, %get3A_803 : vector<16xf32>
            %mul3A_805 = vector.broadcast %squeeze3A_769 : f32 to vector<16xf32>
            %mul3A_806 = arith.mulf %mul3A_805, %get3A_803 : vector<16xf32>
            %add3A_807 = arith.addf %while3A_752, %mul3A_806 : vector<16xf32>
            %max3A_808 = arith.maximumf %while3A_760, %get3A_803 : vector<16xf32>
            %get3A_809 = arith.index_cast %add3A_772 : i32 to index
            %get3A_810 = arith.constant 64 : index
            %get3A_811 = tpu.vector_load %arg6[%get3A_809, %get3A_810] {strides = array<i32>} : memref<256x128xf32, #tpu.memory_space<vmem>>, vector<1x16xf32>,
            %get3A_812 = vector.shape_cast %get3A_811 : vector<1x16xf32> to vector<16xf32>
            %add3A_813 = arith.addf %while3A_745, %get3A_812 : vector<16xf32>
            %mul3A_814 = vector.broadcast %squeeze3A_769 : f32 to vector<16xf32>
            %mul3A_815 = arith.mulf %mul3A_814, %get3A_812 : vector<16xf32>
            %add3A_816 = arith.addf %while3A_753, %mul3A_815 : vector<16xf32>
            %max3A_817 = arith.maximumf %while3A_761, %get3A_812 : vector<16xf32>
            %get3A_818 = arith.index_cast %add3A_772 : i32 to index
            %get3A_819 = arith.constant 80 : index
            %get3A_820 = tpu.vector_load %arg6[%get3A_818, %get3A_819] {strides = array<i32>} : memref<256x128xf32, #tpu.memory_space<vmem>>, vector<1x16xf32>,
            %get3A_821 = vector.shape_cast %get3A_820 : vector<1x16xf32> to vector<16xf32>
            %add3A_822 = arith.addf %while3A_746, %get3A_821 : vector<16xf32>
            %mul3A_823 = vector.broadcast %squeeze3A_769 : f32 to vector<16xf32>
            %mul3A_824 = arith.mulf %mul3A_823, %get3A_821 : vector<16xf32>
            %add3A_825 = arith.addf %while3A_754, %mul3A_824 : vector<16xf32>
            %max3A_826 = arith.maximumf %while3A_762, %get3A_821 : vector<16xf32>
            %get3A_827 = arith.index_cast %add3A_772 : i32 to index
            %get3A_828 = arith.constant 96 : index
            %get3A_829 = tpu.vector_load %arg6[%get3A_827, %get3A_828] {strides = array<i32>} : memref<256x128xf32, #tpu.memory_space<vmem>>, vector<1x16xf32>,
            %get3A_830 = vector.shape_cast %get3A_829 : vector<1x16xf32> to vector<16xf32>
            %add3A_831 = arith.addf %while3A_747, %get3A_830 : vector<16xf32>
            %mul3A_832 = vector.broadcast %squeeze3A_769 : f32 to vector<16xf32>
            %mul3A_833 = arith.mulf %mul3A_832, %get3A_830 : vector<16xf32>
            %add3A_834 = arith.addf %while3A_755, %mul3A_833 : vector<16xf32>
            %max3A_835 = arith.maximumf %while3A_763, %get3A_830 : vector<16xf32>
            %get3A_836 = arith.index_cast %add3A_772 : i32 to index
            %get3A_837 = arith.constant 112 : index
            %get3A_838 = tpu.vector_load %arg6[%get3A_836, %get3A_837] {strides = array<i32>} : memref<256x128xf32, #tpu.memory_space<vmem>>, vector<1x16xf32>,
            %get3A_839 = vector.shape_cast %get3A_838 : vector<1x16xf32> to vector<16xf32>
            %add3A_840 = arith.addf %while3A_748, %get3A_839 : vector<16xf32>
            %mul3A_841 = vector.broadcast %squeeze3A_769 : f32 to vector<16xf32>
            %mul3A_842 = arith.mulf %mul3A_841, %get3A_839 : vector<16xf32>
            %add3A_843 = arith.addf %while3A_756, %mul3A_842 : vector<16xf32>
            %max3A_844 = arith.maximumf %while3A_764, %get3A_839 : vector<16xf32>
            scf.yield %add3A_777, %add3A_786, %add3A_795, %add3A_804, %add3A_813, %add3A_822, %add3A_831, %add3A_840, %add3A_780, %add3A_789, %add3A_798, %add3A_807, %add3A_816, %add3A_825, %add3A_834, %add3A_843, %max3A_781, %max3A_790, %max3A_799, %max3A_808, %max3A_817, %max3A_826, %max3A_835, %max3A_844 : vector<16xf32>, vector<16xf32>, vector<16xf32>, vector<16xf32>, vector<16xf32>, vector<16xf32>, vector<16xf32>, vector<16xf32>, vector<16xf32>, vector<16xf32>, vector<16xf32>, vector<16xf32>, vector<16xf32>, vector<16xf32>, vector<16xf32>, vector<16xf32>, vector<16xf32>, vector<16xf32>, vector<16xf32>, vector<16xf32>, vector<16xf32>, vector<16xf32>, vector<16xf32>, vector<16xf32>
          }
          scf.yield %while3A_739#0, %while3A_739#1, %while3A_739#2, %while3A_739#3, %while3A_739#4, %while3A_739#5, %while3A_739#6, %while3A_739#7, %while3A_739#8, %while3A_739#9, %while3A_739#10, %while3A_739#11, %while3A_739#12, %while3A_739#13, %while3A_739#14, %while3A_739#15, %while3A_739#16, %while3A_739#17, %while3A_739#18, %while3A_739#19, %while3A_739#20, %while3A_739#21, %while3A_739#22, %while3A_739#23, %add3A_718, %max3A_701 : vector<16xf32>, vector<16xf32>, vector<16xf32>, vector<16xf32>, vector<16xf32>, vector<16xf32>, vector<16xf32>, vector<16xf32>, vector<16xf32>, vector<16xf32>, vector<16xf32>, vector<16xf32>, vector<16xf32>, vector<16xf32>, vector<16xf32>, vector<16xf32>, vector<16xf32>, vector<16xf32>, vector<16xf32>, vector<16xf32>, vector<16xf32>, vector<16xf32>, vector<16xf32>, vector<16xf32>, vector<16xf32>, f32
        }
        %while3A_609 = arith.constant 1 : i32
        %while3A_610:26 = scf.for %while3A_611 = %while3A_606 to %while3A_602 step %while3A_609 iter_args(%while3A_612 = %while3A_608#0, %while3A_613 = %while3A_608#1, %while3A_614 = %while3A_608#2, %while3A_615 = %while3A_608#3, %while3A_616 = %while3A_608#4, %while3A_617 = %while3A_608#5, %while3A_618 = %while3A_608#6, %while3A_619 = %while3A_608#7, %while3A_620 = %while3A_608#8, %while3A_621 = %while3A_608#9, %while3A_622 = %while3A_608#10, %while3A_623 = %while3A_608#11, %while3A_624 = %while3A_608#12, %while3A_625 = %while3A_608#13, %while3A_626 = %while3A_608#14, %while3A_627 = %while3A_608#15, %while3A_628 = %while3A_608#16, %while3A_629 = %while3A_608#17, %while3A_630 = %while3A_608#18, %while3A_631 = %while3A_608#19, %while3A_632 = %while3A_608#20, %while3A_633 = %while3A_608#21, %while3A_634 = %while3A_608#22, %while3A_635 = %while3A_608#23, %while3A_636 = %while3A_608#24, %while3A_637 = %while3A_608#25) -> (vector<16xf32>, vector<16xf32>, vector<16xf32>, vector<16xf32>, vector<16xf32>, vector<16xf32>, vector<16xf32>, vector<16xf32>, vector<16xf32>, vector<16xf32>, vector<16xf32>, vector<16xf32>, vector<16xf32>, vector<16xf32>, vector<16xf32>, vector<16xf32>, vector<16xf32>, vector<16xf32>, vector<16xf32>, vector<16xf32>, vector<16xf32>, vector<16xf32>, vector<16xf32>, vector<16xf32>, vector<16xf32>, f32)  : i32 {
          %mul3A_638 = arith.constant 16 : i32
          %mul3A_639 = arith.muli %mul3A_638, %while3A_611 : i32
          %add3A_640 = arith.addi %add3A_539, %mul3A_639 : i32
          %mul3A_641 = arith.constant 16 : i32
          %mul3A_642 = arith.muli %mul3A_641, %while3A_611 : i32
          %sub3A_643 = arith.subi %sub3A_573, %mul3A_642 : i32
          %sub3A_644 = arith.subi %add3A_640, %multiple_of3A_569 : i32
          %add3A_645 = arith.addi %select_n3A_183, %sub3A_644 : i32
          %get3A_646 = arith.index_cast %add3A_645 : i32 to index
          %get3A_647 = tpu.vector_load %arg7[%get3A_646] {strides = array<i32>} : memref<320xf32, #tpu.memory_space<vmem>>, vector<16xf32>,
          %get3A_648 = vector.shape_cast %get3A_647 : vector<16xf32> to vector<16xf32>
          %lt3A_649 = vector.broadcast %sub3A_643 : i32 to vector<16xi32>
          %lt3A_650 = arith.cmpi slt, %iota3A, %lt3A_649 : vector<16xi32>
          %jit3A_651 = arith.constant 0xFF800000 : f32
          %broadcast_in_dim3A_652 = vector.broadcast %jit3A_651 : f32 to vector<16xf32>
          %select_n3A_653 = arith.select %lt3A_650, %get3A_648, %broadcast_in_dim3A_652 : vector<16xi1>, vector<16xf32>
          %slice3A_654 = vector.extract_strided_slice %select_n3A_653 {offsets = [0], sizes = [1], strides = [1]} : vector<16xf32> to vector<1xf32>
          %squeeze3A_655 = vector.extract %slice3A_654[0] : f32 from vector<1xf32>
          %slice3A_656 = vector.extract_strided_slice %select_n3A_653 {offsets = [1], sizes = [1], strides = [1]} : vector<16xf32> to vector<1xf32>
          %squeeze3A_657 = vector.extract %slice3A_656[0] : f32 from vector<1xf32>
          %max3A_658 = arith.maximumf %squeeze3A_655, %squeeze3A_657 : f32
          %slice3A_659 = vector.extract_strided_slice %select_n3A_653 {offsets = [2], sizes = [1], strides = [1]} : vector<16xf32> to vector<1xf32>
          %squeeze3A_660 = vector.extract %slice3A_659[0] : f32 from vector<1xf32>
          %max3A_661 = arith.maximumf %max3A_658, %squeeze3A_660 : f32
          %slice3A_662 = vector.extract_strided_slice %select_n3A_653 {offsets = [3], sizes = [1], strides = [1]} : vector<16xf32> to vector<1xf32>
          %squeeze3A_663 = vector.extract %slice3A_662[0] : f32 from vector<1xf32>
          %max3A_664 = arith.maximumf %max3A_661, %squeeze3A_663 : f32
          %slice3A_665 = vector.extract_strided_slice %select_n3A_653 {offsets = [4], sizes = [1], strides = [1]} : vector<16xf32> to vector<1xf32>
          %squeeze3A_666 = vector.extract %slice3A_665[0] : f32 from vector<1xf32>
          %max3A_667 = arith.maximumf %max3A_664, %squeeze3A_666 : f32
          %slice3A_668 = vector.extract_strided_slice %select_n3A_653 {offsets = [5], sizes = [1], strides = [1]} : vector<16xf32> to vector<1xf32>
          %squeeze3A_669 = vector.extract %slice3A_668[0] : f32 from vector<1xf32>
          %max3A_670 = arith.maximumf %max3A_667, %squeeze3A_669 : f32
          %slice3A_671 = vector.extract_strided_slice %select_n3A_653 {offsets = [6], sizes = [1], strides = [1]} : vector<16xf32> to vector<1xf32>
          %squeeze3A_672 = vector.extract %slice3A_671[0] : f32 from vector<1xf32>
          %max3A_673 = arith.maximumf %max3A_670, %squeeze3A_672 : f32
          %slice3A_674 = vector.extract_strided_slice %select_n3A_653 {offsets = [7], sizes = [1], strides = [1]} : vector<16xf32> to vector<1xf32>
          %squeeze3A_675 = vector.extract %slice3A_674[0] : f32 from vector<1xf32>
          %max3A_676 = arith.maximumf %max3A_673, %squeeze3A_675 : f32
          %slice3A_677 = vector.extract_strided_slice %select_n3A_653 {offsets = [8], sizes = [1], strides = [1]} : vector<16xf32> to vector<1xf32>
          %squeeze3A_678 = vector.extract %slice3A_677[0] : f32 from vector<1xf32>
          %max3A_679 = arith.maximumf %max3A_676, %squeeze3A_678 : f32
          %slice3A_680 = vector.extract_strided_slice %select_n3A_653 {offsets = [9], sizes = [1], strides = [1]} : vector<16xf32> to vector<1xf32>
          %squeeze3A_681 = vector.extract %slice3A_680[0] : f32 from vector<1xf32>
          %max3A_682 = arith.maximumf %max3A_679, %squeeze3A_681 : f32
          %slice3A_683 = vector.extract_strided_slice %select_n3A_653 {offsets = [10], sizes = [1], strides = [1]} : vector<16xf32> to vector<1xf32>
          %squeeze3A_684 = vector.extract %slice3A_683[0] : f32 from vector<1xf32>
          %max3A_685 = arith.maximumf %max3A_682, %squeeze3A_684 : f32
          %slice3A_686 = vector.extract_strided_slice %select_n3A_653 {offsets = [11], sizes = [1], strides = [1]} : vector<16xf32> to vector<1xf32>
          %squeeze3A_687 = vector.extract %slice3A_686[0] : f32 from vector<1xf32>
          %max3A_688 = arith.maximumf %max3A_685, %squeeze3A_687 : f32
          %slice3A_689 = vector.extract_strided_slice %select_n3A_653 {offsets = [12], sizes = [1], strides = [1]} : vector<16xf32> to vector<1xf32>
          %squeeze3A_690 = vector.extract %slice3A_689[0] : f32 from vector<1xf32>
          %max3A_691 = arith.maximumf %max3A_688, %squeeze3A_690 : f32
          %slice3A_692 = vector.extract_strided_slice %select_n3A_653 {offsets = [13], sizes = [1], strides = [1]} : vector<16xf32> to vector<1xf32>
          %squeeze3A_693 = vector.extract %slice3A_692[0] : f32 from vector<1xf32>
          %max3A_694 = arith.maximumf %max3A_691, %squeeze3A_693 : f32
          %slice3A_695 = vector.extract_strided_slice %select_n3A_653 {offsets = [14], sizes = [1], strides = [1]} : vector<16xf32> to vector<1xf32>
          %squeeze3A_696 = vector.extract %slice3A_695[0] : f32 from vector<1xf32>
          %max3A_697 = arith.maximumf %max3A_694, %squeeze3A_696 : f32
          %slice3A_698 = vector.extract_strided_slice %select_n3A_653 {offsets = [15], sizes = [1], strides = [1]} : vector<16xf32> to vector<1xf32>
          %squeeze3A_699 = vector.extract %slice3A_698[0] : f32 from vector<1xf32>
          %max3A_700 = arith.maximumf %max3A_697, %squeeze3A_699 : f32
          %max3A_701 = arith.maximumf %while3A_637, %max3A_700 : f32
          %sub3A_702 = arith.subf %while3A_637, %max3A_701 : f32
          %add3A_703 = vector.broadcast %sub3A_702 : f32 to vector<16xf32>
          %add3A_704 = arith.addf %broadcast_in_dim3A_3, %add3A_703 : vector<16xf32>
          %exp3A = math.exp %add3A_704 : vector<16xf32>
          %lt3A_705 = vector.broadcast %sub3A_643 : i32 to vector<16xi32>
          %lt3A_706 = arith.cmpi slt, %iota3A, %lt3A_705 : vector<16xi32>
          %sub3A_707 = vector.broadcast %max3A_701 : f32 to vector<16xf32>
          %sub3A_708 = arith.subf %get3A_648, %sub3A_707 : vector<16xf32>
          %exp3A_709 = math.exp %sub3A_708 : vector<16xf32>
          %jit3A_710 = arith.constant 0.000000e+00 : f32
          %broadcast_in_dim3A_711 = vector.broadcast %jit3A_710 : f32 to vector<16xf32>
          %select_n3A_712 = arith.select %lt3A_706, %exp3A_709, %broadcast_in_dim3A_711 : vector<16xi1>, vector<16xf32>
          %swap3A_713 = arith.constant 0 : index
          %swap3A_714 = tpu.vector_load %arg9[%swap3A_713] {strides = array<i32>} : memref<32xf32, #tpu.memory_space<vmem>>, vector<16xf32>,
          %swap3A_715 = vector.shape_cast %swap3A_714 : vector<16xf32> to vector<16xf32>
          %swap3A_716 = vector.shape_cast %select_n3A_712 : vector<16xf32> to vector<16xf32>
          tpu.vector_store %arg9[%swap3A_713], %swap3A_716 {strides = array<i32>} : memref<32xf32, #tpu.memory_space<vmem>>, vector<16xf32>,
          %mul3A_717 = arith.mulf %while3A_636, %exp3A : vector<16xf32>
          %add3A_718 = arith.addf %mul3A_717, %select_n3A_712 : vector<16xf32>
          %mul3A_719 = arith.mulf %while3A_620, %exp3A : vector<16xf32>
          %mul3A_720 = arith.mulf %while3A_621, %exp3A : vector<16xf32>
          %mul3A_721 = arith.mulf %while3A_622, %exp3A : vector<16xf32>
          %mul3A_722 = arith.mulf %while3A_623, %exp3A : vector<16xf32>
          %mul3A_723 = arith.mulf %while3A_624, %exp3A : vector<16xf32>
          %mul3A_724 = arith.mulf %while3A_625, %exp3A : vector<16xf32>
          %mul3A_725 = arith.mulf %while3A_626, %exp3A : vector<16xf32>
          %mul3A_726 = arith.mulf %while3A_627, %exp3A : vector<16xf32>
          %min3A_727 = arith.constant 16 : i32
          %min3A_728 = arith.minsi %min3A_727, %sub3A_643 : i32
          %while3A_729 = arith.constant 0 : i32
          %while3A_730 = arith.subi %min3A_728, %while3A_729 : i32
          %while3A_731 = arith.addi %while3A_729, %while3A_730 : i32
          %while3A_732 = arith.constant 1 : i32
          %while3A_733 = arith.divsi %while3A_730, %while3A_732 : i32
          %while3A_734 = arith.muli %while3A_733, %while3A_732 : i32
          %while3A_735 = arith.addi %while3A_729, %while3A_734 : i32
          %while3A_736 = arith.constant 1 : i32
          %while3A_737:24 = scf.for %while3A_740 = %while3A_729 to %while3A_735 step %while3A_736 iter_args(%while3A_741 = %while3A_612, %while3A_742 = %while3A_613, %while3A_743 = %while3A_614, %while3A_744 = %while3A_615, %while3A_745 = %while3A_616, %while3A_746 = %while3A_617, %while3A_747 = %while3A_618, %while3A_748 = %while3A_619, %while3A_749 = %mul3A_719, %while3A_750 = %mul3A_720, %while3A_751 = %mul3A_721, %while3A_752 = %mul3A_722, %while3A_753 = %mul3A_723, %while3A_754 = %mul3A_724, %while3A_755 = %mul3A_725, %while3A_756 = %mul3A_726, %while3A_757 = %while3A_628, %while3A_758 = %while3A_629, %while3A_759 = %while3A_630, %while3A_760 = %while3A_631, %while3A_761 = %while3A_632, %while3A_762 = %while3A_633, %while3A_763 = %while3A_634, %while3A_764 = %while3A_635) -> (vector<16xf32>, vector<16xf32>, vector<16xf32>, vector<16xf32>, vector<16xf32>, vector<16xf32>, vector<16xf32>, vector<16xf32>, vector<16xf32>, vector<16xf32>, vector<16xf32>, vector<16xf32>, vector<16xf32>, vector<16xf32>, vector<16xf32>, vector<16xf32>, vector<16xf32>, vector<16xf32>, vector<16xf32>, vector<16xf32>, vector<16xf32>, vector<16xf32>, vector<16xf32>, vector<16xf32>)  : i32 {
            %get3A_765 = arith.index_cast %while3A_740 : i32 to index
            %get3A_766 = tpu.vector_load %arg9[%get3A_765] {strides = array<i32>} : memref<32xf32, #tpu.memory_space<vmem>>, vector<16xf32>,
            %get3A_767 = vector.shape_cast %get3A_766 : vector<16xf32> to vector<16xf32>
            %slice3A_768 = vector.extract_strided_slice %get3A_767 {offsets = [0], sizes = [1], strides = [1]} : vector<16xf32> to vector<1xf32>
            %squeeze3A_769 = vector.extract %slice3A_768[0] : f32 from vector<1xf32>
            %add3A_770 = arith.addi %add3A_640, %while3A_740 : i32
            %sub3A_771 = arith.subi %add3A_770, %multiple_of3A_542 : i32
            %add3A_772 = arith.addi %select_n3A_180, %sub3A_771 : i32
            %get3A_773 = arith.index_cast %add3A_772 : i32 to index
            %get3A_774 = arith.constant 0 : index
            %get3A_775 = tpu.vector_load %arg6[%get3A_773, %get3A_774] {strides = array<i32>} : memref<256x128xf32, #tpu.memory_space<vmem>>, vector<1x16xf32>,
            %get3A_776 = vector.shape_cast %get3A_775 : vector<1x16xf32> to vector<16xf32>
            %add3A_777 = arith.addf %while3A_741, %get3A_776 : vector<16xf32>
            %mul3A_778 = vector.broadcast %squeeze3A_769 : f32 to vector<16xf32>
            %mul3A_779 = arith.mulf %mul3A_778, %get3A_776 : vector<16xf32>
            %add3A_780 = arith.addf %while3A_749, %mul3A_779 : vector<16xf32>
            %max3A_781 = arith.maximumf %while3A_757, %get3A_776 : vector<16xf32>
            %get3A_782 = arith.index_cast %add3A_772 : i32 to index
            %get3A_783 = arith.constant 16 : index
            %get3A_784 = tpu.vector_load %arg6[%get3A_782, %get3A_783] {strides = array<i32>} : memref<256x128xf32, #tpu.memory_space<vmem>>, vector<1x16xf32>,
            %get3A_785 = vector.shape_cast %get3A_784 : vector<1x16xf32> to vector<16xf32>
            %add3A_786 = arith.addf %while3A_742, %get3A_785 : vector<16xf32>
            %mul3A_787 = vector.broadcast %squeeze3A_769 : f32 to vector<16xf32>
            %mul3A_788 = arith.mulf %mul3A_787, %get3A_785 : vector<16xf32>
            %add3A_789 = arith.addf %while3A_750, %mul3A_788 : vector<16xf32>
            %max3A_790 = arith.maximumf %while3A_758, %get3A_785 : vector<16xf32>
            %get3A_791 = arith.index_cast %add3A_772 : i32 to index
            %get3A_792 = arith.constant 32 : index
            %get3A_793 = tpu.vector_load %arg6[%get3A_791, %get3A_792] {strides = array<i32>} : memref<256x128xf32, #tpu.memory_space<vmem>>, vector<1x16xf32>,
            %get3A_794 = vector.shape_cast %get3A_793 : vector<1x16xf32> to vector<16xf32>
            %add3A_795 = arith.addf %while3A_743, %get3A_794 : vector<16xf32>
            %mul3A_796 = vector.broadcast %squeeze3A_769 : f32 to vector<16xf32>
            %mul3A_797 = arith.mulf %mul3A_796, %get3A_794 : vector<16xf32>
            %add3A_798 = arith.addf %while3A_751, %mul3A_797 : vector<16xf32>
            %max3A_799 = arith.maximumf %while3A_759, %get3A_794 : vector<16xf32>
            %get3A_800 = arith.index_cast %add3A_772 : i32 to index
            %get3A_801 = arith.constant 48 : index
            %get3A_802 = tpu.vector_load %arg6[%get3A_800, %get3A_801] {strides = array<i32>} : memref<256x128xf32, #tpu.memory_space<vmem>>, vector<1x16xf32>,
            %get3A_803 = vector.shape_cast %get3A_802 : vector<1x16xf32> to vector<16xf32>
            %add3A_804 = arith.addf %while3A_744, %get3A_803 : vector<16xf32>
            %mul3A_805 = vector.broadcast %squeeze3A_769 : f32 to vector<16xf32>
            %mul3A_806 = arith.mulf %mul3A_805, %get3A_803 : vector<16xf32>
            %add3A_807 = arith.addf %while3A_752, %mul3A_806 : vector<16xf32>
            %max3A_808 = arith.maximumf %while3A_760, %get3A_803 : vector<16xf32>
            %get3A_809 = arith.index_cast %add3A_772 : i32 to index
            %get3A_810 = arith.constant 64 : index
            %get3A_811 = tpu.vector_load %arg6[%get3A_809, %get3A_810] {strides = array<i32>} : memref<256x128xf32, #tpu.memory_space<vmem>>, vector<1x16xf32>,
            %get3A_812 = vector.shape_cast %get3A_811 : vector<1x16xf32> to vector<16xf32>
            %add3A_813 = arith.addf %while3A_745, %get3A_812 : vector<16xf32>
            %mul3A_814 = vector.broadcast %squeeze3A_769 : f32 to vector<16xf32>
            %mul3A_815 = arith.mulf %mul3A_814, %get3A_812 : vector<16xf32>
            %add3A_816 = arith.addf %while3A_753, %mul3A_815 : vector<16xf32>
            %max3A_817 = arith.maximumf %while3A_761, %get3A_812 : vector<16xf32>
            %get3A_818 = arith.index_cast %add3A_772 : i32 to index
            %get3A_819 = arith.constant 80 : index
            %get3A_820 = tpu.vector_load %arg6[%get3A_818, %get3A_819] {strides = array<i32>} : memref<256x128xf32, #tpu.memory_space<vmem>>, vector<1x16xf32>,
            %get3A_821 = vector.shape_cast %get3A_820 : vector<1x16xf32> to vector<16xf32>
            %add3A_822 = arith.addf %while3A_746, %get3A_821 : vector<16xf32>
            %mul3A_823 = vector.broadcast %squeeze3A_769 : f32 to vector<16xf32>
            %mul3A_824 = arith.mulf %mul3A_823, %get3A_821 : vector<16xf32>
            %add3A_825 = arith.addf %while3A_754, %mul3A_824 : vector<16xf32>
            %max3A_826 = arith.maximumf %while3A_762, %get3A_821 : vector<16xf32>
            %get3A_827 = arith.index_cast %add3A_772 : i32 to index
            %get3A_828 = arith.constant 96 : index
            %get3A_829 = tpu.vector_load %arg6[%get3A_827, %get3A_828] {strides = array<i32>} : memref<256x128xf32, #tpu.memory_space<vmem>>, vector<1x16xf32>,
            %get3A_830 = vector.shape_cast %get3A_829 : vector<1x16xf32> to vector<16xf32>
            %add3A_831 = arith.addf %while3A_747, %get3A_830 : vector<16xf32>
            %mul3A_832 = vector.broadcast %squeeze3A_769 : f32 to vector<16xf32>
            %mul3A_833 = arith.mulf %mul3A_832, %get3A_830 : vector<16xf32>
            %add3A_834 = arith.addf %while3A_755, %mul3A_833 : vector<16xf32>
            %max3A_835 = arith.maximumf %while3A_763, %get3A_830 : vector<16xf32>
            %get3A_836 = arith.index_cast %add3A_772 : i32 to index
            %get3A_837 = arith.constant 112 : index
            %get3A_838 = tpu.vector_load %arg6[%get3A_836, %get3A_837] {strides = array<i32>} : memref<256x128xf32, #tpu.memory_space<vmem>>, vector<1x16xf32>,
            %get3A_839 = vector.shape_cast %get3A_838 : vector<1x16xf32> to vector<16xf32>
            %add3A_840 = arith.addf %while3A_748, %get3A_839 : vector<16xf32>
            %mul3A_841 = vector.broadcast %squeeze3A_769 : f32 to vector<16xf32>
            %mul3A_842 = arith.mulf %mul3A_841, %get3A_839 : vector<16xf32>
            %add3A_843 = arith.addf %while3A_756, %mul3A_842 : vector<16xf32>
            %max3A_844 = arith.maximumf %while3A_764, %get3A_839 : vector<16xf32>
            scf.yield %add3A_777, %add3A_786, %add3A_795, %add3A_804, %add3A_813, %add3A_822, %add3A_831, %add3A_840, %add3A_780, %add3A_789, %add3A_798, %add3A_807, %add3A_816, %add3A_825, %add3A_834, %add3A_843, %max3A_781, %max3A_790, %max3A_799, %max3A_808, %max3A_817, %max3A_826, %max3A_835, %max3A_844 : vector<16xf32>, vector<16xf32>, vector<16xf32>, vector<16xf32>, vector<16xf32>, vector<16xf32>, vector<16xf32>, vector<16xf32>, vector<16xf32>, vector<16xf32>, vector<16xf32>, vector<16xf32>, vector<16xf32>, vector<16xf32>, vector<16xf32>, vector<16xf32>, vector<16xf32>, vector<16xf32>, vector<16xf32>, vector<16xf32>, vector<16xf32>, vector<16xf32>, vector<16xf32>, vector<16xf32>
          }
          %while3A_738 = arith.constant 1 : i32
          %while3A_739:24 = scf.for %while3A_740 = %while3A_735 to %while3A_731 step %while3A_738 iter_args(%while3A_741 = %while3A_737#0, %while3A_742 = %while3A_737#1, %while3A_743 = %while3A_737#2, %while3A_744 = %while3A_737#3, %while3A_745 = %while3A_737#4, %while3A_746 = %while3A_737#5, %while3A_747 = %while3A_737#6, %while3A_748 = %while3A_737#7, %while3A_749 = %while3A_737#8, %while3A_750 = %while3A_737#9, %while3A_751 = %while3A_737#10, %while3A_752 = %while3A_737#11, %while3A_753 = %while3A_737#12, %while3A_754 = %while3A_737#13, %while3A_755 = %while3A_737#14, %while3A_756 = %while3A_737#15, %while3A_757 = %while3A_737#16, %while3A_758 = %while3A_737#17, %while3A_759 = %while3A_737#18, %while3A_760 = %while3A_737#19, %while3A_761 = %while3A_737#20, %while3A_762 = %while3A_737#21, %while3A_763 = %while3A_737#22, %while3A_764 = %while3A_737#23) -> (vector<16xf32>, vector<16xf32>, vector<16xf32>, vector<16xf32>, vector<16xf32>, vector<16xf32>, vector<16xf32>, vector<16xf32>, vector<16xf32>, vector<16xf32>, vector<16xf32>, vector<16xf32>, vector<16xf32>, vector<16xf32>, vector<16xf32>, vector<16xf32>, vector<16xf32>, vector<16xf32>, vector<16xf32>, vector<16xf32>, vector<16xf32>, vector<16xf32>, vector<16xf32>, vector<16xf32>)  : i32 {
            %get3A_765 = arith.index_cast %while3A_740 : i32 to index
            %get3A_766 = tpu.vector_load %arg9[%get3A_765] {strides = array<i32>} : memref<32xf32, #tpu.memory_space<vmem>>, vector<16xf32>,
            %get3A_767 = vector.shape_cast %get3A_766 : vector<16xf32> to vector<16xf32>
            %slice3A_768 = vector.extract_strided_slice %get3A_767 {offsets = [0], sizes = [1], strides = [1]} : vector<16xf32> to vector<1xf32>
            %squeeze3A_769 = vector.extract %slice3A_768[0] : f32 from vector<1xf32>
            %add3A_770 = arith.addi %add3A_640, %while3A_740 : i32
            %sub3A_771 = arith.subi %add3A_770, %multiple_of3A_542 : i32
            %add3A_772 = arith.addi %select_n3A_180, %sub3A_771 : i32
            %get3A_773 = arith.index_cast %add3A_772 : i32 to index
            %get3A_774 = arith.constant 0 : index
            %get3A_775 = tpu.vector_load %arg6[%get3A_773, %get3A_774] {strides = array<i32>} : memref<256x128xf32, #tpu.memory_space<vmem>>, vector<1x16xf32>,
            %get3A_776 = vector.shape_cast %get3A_775 : vector<1x16xf32> to vector<16xf32>
            %add3A_777 = arith.addf %while3A_741, %get3A_776 : vector<16xf32>
            %mul3A_778 = vector.broadcast %squeeze3A_769 : f32 to vector<16xf32>
            %mul3A_779 = arith.mulf %mul3A_778, %get3A_776 : vector<16xf32>
            %add3A_780 = arith.addf %while3A_749, %mul3A_779 : vector<16xf32>
            %max3A_781 = arith.maximumf %while3A_757, %get3A_776 : vector<16xf32>
            %get3A_782 = arith.index_cast %add3A_772 : i32 to index
            %get3A_783 = arith.constant 16 : index
            %get3A_784 = tpu.vector_load %arg6[%get3A_782, %get3A_783] {strides = array<i32>} : memref<256x128xf32, #tpu.memory_space<vmem>>, vector<1x16xf32>,
            %get3A_785 = vector.shape_cast %get3A_784 : vector<1x16xf32> to vector<16xf32>
            %add3A_786 = arith.addf %while3A_742, %get3A_785 : vector<16xf32>
            %mul3A_787 = vector.broadcast %squeeze3A_769 : f32 to vector<16xf32>
            %mul3A_788 = arith.mulf %mul3A_787, %get3A_785 : vector<16xf32>
            %add3A_789 = arith.addf %while3A_750, %mul3A_788 : vector<16xf32>
            %max3A_790 = arith.maximumf %while3A_758, %get3A_785 : vector<16xf32>
            %get3A_791 = arith.index_cast %add3A_772 : i32 to index
            %get3A_792 = arith.constant 32 : index
            %get3A_793 = tpu.vector_load %arg6[%get3A_791, %get3A_792] {strides = array<i32>} : memref<256x128xf32, #tpu.memory_space<vmem>>, vector<1x16xf32>,
            %get3A_794 = vector.shape_cast %get3A_793 : vector<1x16xf32> to vector<16xf32>
            %add3A_795 = arith.addf %while3A_743, %get3A_794 : vector<16xf32>
            %mul3A_796 = vector.broadcast %squeeze3A_769 : f32 to vector<16xf32>
            %mul3A_797 = arith.mulf %mul3A_796, %get3A_794 : vector<16xf32>
            %add3A_798 = arith.addf %while3A_751, %mul3A_797 : vector<16xf32>
            %max3A_799 = arith.maximumf %while3A_759, %get3A_794 : vector<16xf32>
            %get3A_800 = arith.index_cast %add3A_772 : i32 to index
            %get3A_801 = arith.constant 48 : index
            %get3A_802 = tpu.vector_load %arg6[%get3A_800, %get3A_801] {strides = array<i32>} : memref<256x128xf32, #tpu.memory_space<vmem>>, vector<1x16xf32>,
            %get3A_803 = vector.shape_cast %get3A_802 : vector<1x16xf32> to vector<16xf32>
            %add3A_804 = arith.addf %while3A_744, %get3A_803 : vector<16xf32>
            %mul3A_805 = vector.broadcast %squeeze3A_769 : f32 to vector<16xf32>
            %mul3A_806 = arith.mulf %mul3A_805, %get3A_803 : vector<16xf32>
            %add3A_807 = arith.addf %while3A_752, %mul3A_806 : vector<16xf32>
            %max3A_808 = arith.maximumf %while3A_760, %get3A_803 : vector<16xf32>
            %get3A_809 = arith.index_cast %add3A_772 : i32 to index
            %get3A_810 = arith.constant 64 : index
            %get3A_811 = tpu.vector_load %arg6[%get3A_809, %get3A_810] {strides = array<i32>} : memref<256x128xf32, #tpu.memory_space<vmem>>, vector<1x16xf32>,
            %get3A_812 = vector.shape_cast %get3A_811 : vector<1x16xf32> to vector<16xf32>
            %add3A_813 = arith.addf %while3A_745, %get3A_812 : vector<16xf32>
            %mul3A_814 = vector.broadcast %squeeze3A_769 : f32 to vector<16xf32>
            %mul3A_815 = arith.mulf %mul3A_814, %get3A_812 : vector<16xf32>
            %add3A_816 = arith.addf %while3A_753, %mul3A_815 : vector<16xf32>
            %max3A_817 = arith.maximumf %while3A_761, %get3A_812 : vector<16xf32>
            %get3A_818 = arith.index_cast %add3A_772 : i32 to index
            %get3A_819 = arith.constant 80 : index
            %get3A_820 = tpu.vector_load %arg6[%get3A_818, %get3A_819] {strides = array<i32>} : memref<256x128xf32, #tpu.memory_space<vmem>>, vector<1x16xf32>,
            %get3A_821 = vector.shape_cast %get3A_820 : vector<1x16xf32> to vector<16xf32>
            %add3A_822 = arith.addf %while3A_746, %get3A_821 : vector<16xf32>
            %mul3A_823 = vector.broadcast %squeeze3A_769 : f32 to vector<16xf32>
            %mul3A_824 = arith.mulf %mul3A_823, %get3A_821 : vector<16xf32>
            %add3A_825 = arith.addf %while3A_754, %mul3A_824 : vector<16xf32>
            %max3A_826 = arith.maximumf %while3A_762, %get3A_821 : vector<16xf32>
            %get3A_827 = arith.index_cast %add3A_772 : i32 to index
            %get3A_828 = arith.constant 96 : index
            %get3A_829 = tpu.vector_load %arg6[%get3A_827, %get3A_828] {strides = array<i32>} : memref<256x128xf32, #tpu.memory_space<vmem>>, vector<1x16xf32>,
            %get3A_830 = vector.shape_cast %get3A_829 : vector<1x16xf32> to vector<16xf32>
            %add3A_831 = arith.addf %while3A_747, %get3A_830 : vector<16xf32>
            %mul3A_832 = vector.broadcast %squeeze3A_769 : f32 to vector<16xf32>
            %mul3A_833 = arith.mulf %mul3A_832, %get3A_830 : vector<16xf32>
            %add3A_834 = arith.addf %while3A_755, %mul3A_833 : vector<16xf32>
            %max3A_835 = arith.maximumf %while3A_763, %get3A_830 : vector<16xf32>
            %get3A_836 = arith.index_cast %add3A_772 : i32 to index
            %get3A_837 = arith.constant 112 : index
            %get3A_838 = tpu.vector_load %arg6[%get3A_836, %get3A_837] {strides = array<i32>} : memref<256x128xf32, #tpu.memory_space<vmem>>, vector<1x16xf32>,
            %get3A_839 = vector.shape_cast %get3A_838 : vector<1x16xf32> to vector<16xf32>
            %add3A_840 = arith.addf %while3A_748, %get3A_839 : vector<16xf32>
            %mul3A_841 = vector.broadcast %squeeze3A_769 : f32 to vector<16xf32>
            %mul3A_842 = arith.mulf %mul3A_841, %get3A_839 : vector<16xf32>
            %add3A_843 = arith.addf %while3A_756, %mul3A_842 : vector<16xf32>
            %max3A_844 = arith.maximumf %while3A_764, %get3A_839 : vector<16xf32>
            scf.yield %add3A_777, %add3A_786, %add3A_795, %add3A_804, %add3A_813, %add3A_822, %add3A_831, %add3A_840, %add3A_780, %add3A_789, %add3A_798, %add3A_807, %add3A_816, %add3A_825, %add3A_834, %add3A_843, %max3A_781, %max3A_790, %max3A_799, %max3A_808, %max3A_817, %max3A_826, %max3A_835, %max3A_844 : vector<16xf32>, vector<16xf32>, vector<16xf32>, vector<16xf32>, vector<16xf32>, vector<16xf32>, vector<16xf32>, vector<16xf32>, vector<16xf32>, vector<16xf32>, vector<16xf32>, vector<16xf32>, vector<16xf32>, vector<16xf32>, vector<16xf32>, vector<16xf32>, vector<16xf32>, vector<16xf32>, vector<16xf32>, vector<16xf32>, vector<16xf32>, vector<16xf32>, vector<16xf32>, vector<16xf32>
          }
          scf.yield %while3A_739#0, %while3A_739#1, %while3A_739#2, %while3A_739#3, %while3A_739#4, %while3A_739#5, %while3A_739#6, %while3A_739#7, %while3A_739#8, %while3A_739#9, %while3A_739#10, %while3A_739#11, %while3A_739#12, %while3A_739#13, %while3A_739#14, %while3A_739#15, %while3A_739#16, %while3A_739#17, %while3A_739#18, %while3A_739#19, %while3A_739#20, %while3A_739#21, %while3A_739#22, %while3A_739#23, %add3A_718, %max3A_701 : vector<16xf32>, vector<16xf32>, vector<16xf32>, vector<16xf32>, vector<16xf32>, vector<16xf32>, vector<16xf32>, vector<16xf32>, vector<16xf32>, vector<16xf32>, vector<16xf32>, vector<16xf32>, vector<16xf32>, vector<16xf32>, vector<16xf32>, vector<16xf32>, vector<16xf32>, vector<16xf32>, vector<16xf32>, vector<16xf32>, vector<16xf32>, vector<16xf32>, vector<16xf32>, vector<16xf32>, vector<16xf32>, f32
        }
        scf.yield %while3A_610#0, %while3A_610#1, %while3A_610#2, %while3A_610#3, %while3A_610#4, %while3A_610#5, %while3A_610#6, %while3A_610#7, %while3A_610#8, %while3A_610#9, %while3A_610#10, %while3A_610#11, %while3A_610#12, %while3A_610#13, %while3A_610#14, %while3A_610#15, %while3A_610#16, %while3A_610#17, %while3A_610#18, %while3A_610#19, %while3A_610#20, %while3A_610#21, %while3A_610#22, %while3A_610#23, %while3A_610#24, %while3A_610#25 : vector<16xf32>, vector<16xf32>, vector<16xf32>, vector<16xf32>, vector<16xf32>, vector<16xf32>, vector<16xf32>, vector<16xf32>, vector<16xf32>, vector<16xf32>, vector<16xf32>, vector<16xf32>, vector<16xf32>, vector<16xf32>, vector<16xf32>, vector<16xf32>, vector<16xf32>, vector<16xf32>, vector<16xf32>, vector<16xf32>, vector<16xf32>, vector<16xf32>, vector<16xf32>, vector<16xf32>, vector<16xf32>, f32
      }
      %while3A_261 = arith.constant 1 : i32
      %while3A_262:26 = scf.for %while3A_508 = %while3A_258 to %while3A_254 step %while3A_261 iter_args(%while3A_509 = %while3A_260#0, %while3A_510 = %while3A_260#1, %while3A_511 = %while3A_260#2, %while3A_512 = %while3A_260#3, %while3A_513 = %while3A_260#4, %while3A_514 = %while3A_260#5, %while3A_515 = %while3A_260#6, %while3A_516 = %while3A_260#7, %while3A_517 = %while3A_260#8, %while3A_518 = %while3A_260#9, %while3A_519 = %while3A_260#10, %while3A_520 = %while3A_260#11, %while3A_521 = %while3A_260#12, %while3A_522 = %while3A_260#13, %while3A_523 = %while3A_260#14, %while3A_524 = %while3A_260#15, %while3A_525 = %while3A_260#16, %while3A_526 = %while3A_260#17, %while3A_527 = %while3A_260#18, %while3A_528 = %while3A_260#19, %while3A_529 = %while3A_260#20, %while3A_530 = %while3A_260#21, %while3A_531 = %while3A_260#22, %while3A_532 = %while3A_260#23, %while3A_533 = %while3A_260#24, %while3A_534 = %while3A_260#25) -> (vector<16xf32>, vector<16xf32>, vector<16xf32>, vector<16xf32>, vector<16xf32>, vector<16xf32>, vector<16xf32>, vector<16xf32>, vector<16xf32>, vector<16xf32>, vector<16xf32>, vector<16xf32>, vector<16xf32>, vector<16xf32>, vector<16xf32>, vector<16xf32>, vector<16xf32>, vector<16xf32>, vector<16xf32>, vector<16xf32>, vector<16xf32>, vector<16xf32>, vector<16xf32>, vector<16xf32>, vector<16xf32>, f32)  : i32 {
        %add3A_535 = arith.constant 128 : i32
        %add3A_536 = arith.addi %multiple_of3A_115, %add3A_535 : i32
        %mul3A_537 = arith.constant 128 : i32
        %mul3A_538 = arith.muli %while3A_508, %mul3A_537 : i32
        %add3A_539 = arith.addi %add3A_536, %mul3A_538 : i32
        %min3A_540 = arith.constant 99872 : i32
        %min3A_541 = arith.minsi %add3A_539, %min3A_540 : i32
        %multiple_of3A_542 = tpu.assume_multiple %min3A_541, 8 : i32
        %jit3A_543 = arith.constant 16 : i32
        %div3A_544 = arith.divsi %multiple_of3A_542, %jit3A_543 : i32
        %sign3A_545 = arith.constant 0 : i32
        %sign3A_546 = arith.cmpi sgt, %multiple_of3A_542, %sign3A_545 : i32
        %sign3A_547 = arith.extui %sign3A_546 : i1 to i32
        %sign3A_548 = arith.constant 0 : i32
        %sign3A_549 = arith.cmpi slt, %multiple_of3A_542, %sign3A_548 : i32
        %sign3A_550 = arith.extui %sign3A_549 : i1 to i32
        %sign3A_551 = arith.subi %sign3A_547, %sign3A_550 : i32
        %sign3A_552 = arith.constant 0 : i32
        %sign3A_553 = arith.cmpi sgt, %jit3A_543, %sign3A_552 : i32
        %sign3A_554 = arith.extui %sign3A_553 : i1 to i32
        %sign3A_555 = arith.constant 0 : i32
        %sign3A_556 = arith.cmpi slt, %jit3A_543, %sign3A_555 : i32
        %sign3A_557 = arith.extui %sign3A_556 : i1 to i32
        %sign3A_558 = arith.subi %sign3A_554, %sign3A_557 : i32
        %ne3A_559 = arith.cmpi ne, %sign3A_551, %sign3A_558 : i32
        %rem3A_560 = arith.remsi %multiple_of3A_542, %jit3A_543 : i32
        %ne3A_561 = arith.constant 0 : i32
        %ne3A_562 = arith.cmpi ne, %rem3A_560, %ne3A_561 : i32
        %and3A_563 = arith.andi %ne3A_559, %ne3A_562 : i1
        %sub3A_564 = arith.constant 1 : i32
        %sub3A_565 = arith.subi %div3A_544, %sub3A_564 : i32
        %select_n3A_566 = arith.select %and3A_563, %sub3A_565, %div3A_544 : i32
        %mul3A_567 = arith.constant 16 : i32
        %mul3A_568 = arith.muli %select_n3A_566, %mul3A_567 : i32
        %multiple_of3A_569 = tpu.assume_multiple %mul3A_568, 16 : i32
        "tpu.region"() ({
          %run_scoped3A = tpu.sem_alloc : memref<!tpu.dma_semaphore, #tpu.memory_space<semaphore_mem>>
          %dma_start3A_611 = arith.constant 0 : i32
          %dma_start3A_612 = tpu.memref_slice %arg6[%select_n3A_180, %dma_start3A_611] : memref<256x128xf32, #tpu.memory_space<vmem>> -> memref<128x128xf32, #tpu.memory_space<vmem>>
          %dma_start3A_613 = arith.constant 0 : i32
          %dma_start3A_614 = tpu.memref_slice %arg2[%multiple_of3A_542, %dma_start3A_613] : memref<100000x128xf32, #tpu.memory_space<hbm>> -> memref<128x128xf32, #tpu.memory_space<hbm>>
          %dma_start3A_615 = arith.constant 0 : i32
          %dma_start3A_616 = tpu.memref_slice %arg6[%select_n3A_180, %dma_start3A_615] : memref<256x128xf32, #tpu.memory_space<vmem>> -> memref<128x128xf32, #tpu.memory_space<vmem>>
          %dma_start3A_617 = arith.constant 0 : i32
          %dma_start3A_618 = tpu.memref_slice %arg2[%multiple_of3A_542, %dma_start3A_617] : memref<100000x128xf32, #tpu.memory_space<hbm>> -> memref<128x128xf32, #tpu.memory_space<hbm>>
          tpu.enqueue_dma source(%dma_start3A_618 : memref<128x128xf32, #tpu.memory_space<hbm>>) target(%dma_start3A_616 : memref<128x128xf32, #tpu.memory_space<vmem>>) target_semaphore(%run_scoped3A : memref<!tpu.dma_semaphore, #tpu.memory_space<semaphore_mem>>)
          %dma_wait3A = arith.constant 0 : i32
          %dma_wait3A_619 = tpu.memref_slice %arg6[%select_n3A_180, %dma_wait3A] : memref<256x128xf32, #tpu.memory_space<vmem>> -> memref<128x128xf32, #tpu.memory_space<vmem>>
          %dma_wait3A_620 = arith.constant 0 : i32
          %dma_wait3A_621 = tpu.memref_slice %arg2[%multiple_of3A_542, %dma_wait3A_620] : memref<100000x128xf32, #tpu.memory_space<hbm>> -> memref<128x128xf32, #tpu.memory_space<hbm>>
          %dma_wait3A_622 = arith.constant 0 : i32
          %dma_wait3A_623 = tpu.memref_slice %arg6[%select_n3A_180, %dma_wait3A_622] : memref<256x128xf32, #tpu.memory_space<vmem>> -> memref<128x128xf32, #tpu.memory_space<vmem>>
          %dma_wait3A_624 = arith.constant 0 : i32
          %dma_wait3A_625 = tpu.memref_slice %arg2[%multiple_of3A_542, %dma_wait3A_624] : memref<100000x128xf32, #tpu.memory_space<hbm>> -> memref<128x128xf32, #tpu.memory_space<hbm>>
          tpu.wait_dma2 semaphore(%run_scoped3A : memref<!tpu.dma_semaphore, #tpu.memory_space<semaphore_mem>>) src(%dma_wait3A_625 : memref<128x128xf32, #tpu.memory_space<hbm>>) dst(%dma_wait3A_623 : memref<128x128xf32, #tpu.memory_space<vmem>>)
          tpu.yield
        }) : () -> ()
        "tpu.region"() ({
          %run_scoped3A = tpu.sem_alloc : memref<!tpu.dma_semaphore, #tpu.memory_space<semaphore_mem>>
          %dma_start3A_611 = tpu.memref_slice %arg7[%select_n3A_183] : memref<320xf32, #tpu.memory_space<vmem>> -> memref<160xf32, #tpu.memory_space<vmem>>
          %dma_start3A_612 = tpu.memref_slice %arg3[%multiple_of3A_569] : memref<100320xf32, #tpu.memory_space<hbm>> -> memref<160xf32, #tpu.memory_space<hbm>>
          %dma_start3A_613 = tpu.memref_slice %arg7[%select_n3A_183] : memref<320xf32, #tpu.memory_space<vmem>> -> memref<160xf32, #tpu.memory_space<vmem>>
          %dma_start3A_614 = tpu.memref_slice %arg3[%multiple_of3A_569] : memref<100320xf32, #tpu.memory_space<hbm>> -> memref<160xf32, #tpu.memory_space<hbm>>
          tpu.enqueue_dma source(%dma_start3A_614 : memref<160xf32, #tpu.memory_space<hbm>>) target(%dma_start3A_613 : memref<160xf32, #tpu.memory_space<vmem>>) target_semaphore(%run_scoped3A : memref<!tpu.dma_semaphore, #tpu.memory_space<semaphore_mem>>)
          %dma_wait3A = tpu.memref_slice %arg7[%select_n3A_183] : memref<320xf32, #tpu.memory_space<vmem>> -> memref<160xf32, #tpu.memory_space<vmem>>
          %dma_wait3A_615 = tpu.memref_slice %arg3[%multiple_of3A_569] : memref<100320xf32, #tpu.memory_space<hbm>> -> memref<160xf32, #tpu.memory_space<hbm>>
          %dma_wait3A_616 = tpu.memref_slice %arg7[%select_n3A_183] : memref<320xf32, #tpu.memory_space<vmem>> -> memref<160xf32, #tpu.memory_space<vmem>>
          %dma_wait3A_617 = tpu.memref_slice %arg3[%multiple_of3A_569] : memref<100320xf32, #tpu.memory_space<hbm>> -> memref<160xf32, #tpu.memory_space<hbm>>
          tpu.wait_dma2 semaphore(%run_scoped3A : memref<!tpu.dma_semaphore, #tpu.memory_space<semaphore_mem>>) src(%dma_wait3A_617 : memref<160xf32, #tpu.memory_space<hbm>>) dst(%dma_wait3A_616 : memref<160xf32, #tpu.memory_space<vmem>>)
          tpu.yield
        }) : () -> ()
        %add3A_570 = arith.constant 128 : i32
        %add3A_571 = arith.addi %add3A_539, %add3A_570 : i32
        %min3A_572 = arith.minsi %add3A_571, %squeeze3A_85 : i32
        %sub3A_573 = arith.subi %min3A_572, %add3A_539 : i32
        %add3A_574 = arith.constant 15 : i32
        %add3A_575 = arith.addi %sub3A_573, %add3A_574 : i32
        %jit3A_576 = arith.constant 16 : i32
        %div3A_577 = arith.divsi %add3A_575, %jit3A_576 : i32
        %sign3A_578 = arith.constant 0 : i32
        %sign3A_579 = arith.cmpi sgt, %add3A_575, %sign3A_578 : i32
        %sign3A_580 = arith.extui %sign3A_579 : i1 to i32
        %sign3A_581 = arith.constant 0 : i32
        %sign3A_582 = arith.cmpi slt, %add3A_575, %sign3A_581 : i32
        %sign3A_583 = arith.extui %sign3A_582 : i1 to i32
        %sign3A_584 = arith.subi %sign3A_580, %sign3A_583 : i32
        %sign3A_585 = arith.constant 0 : i32
        %sign3A_586 = arith.cmpi sgt, %jit3A_576, %sign3A_585 : i32
        %sign3A_587 = arith.extui %sign3A_586 : i1 to i32
        %sign3A_588 = arith.constant 0 : i32
        %sign3A_589 = arith.cmpi slt, %jit3A_576, %sign3A_588 : i32
        %sign3A_590 = arith.extui %sign3A_589 : i1 to i32
        %sign3A_591 = arith.subi %sign3A_587, %sign3A_590 : i32
        %ne3A_592 = arith.cmpi ne, %sign3A_584, %sign3A_591 : i32
        %rem3A_593 = arith.remsi %add3A_575, %jit3A_576 : i32
        %ne3A_594 = arith.constant 0 : i32
        %ne3A_595 = arith.cmpi ne, %rem3A_593, %ne3A_594 : i32
        %and3A_596 = arith.andi %ne3A_592, %ne3A_595 : i1
        %sub3A_597 = arith.constant 1 : i32
        %sub3A_598 = arith.subi %div3A_577, %sub3A_597 : i32
        %select_n3A_599 = arith.select %and3A_596, %sub3A_598, %div3A_577 : i32
        %while3A_600 = arith.constant 0 : i32
        %while3A_601 = arith.subi %select_n3A_599, %while3A_600 : i32
        %while3A_602 = arith.addi %while3A_600, %while3A_601 : i32
        %while3A_603 = arith.constant 1 : i32
        %while3A_604 = arith.divsi %while3A_601, %while3A_603 : i32
        %while3A_605 = arith.muli %while3A_604, %while3A_603 : i32
        %while3A_606 = arith.addi %while3A_600, %while3A_605 : i32
        %while3A_607 = arith.constant 1 : i32
        %while3A_608:26 = scf.for %while3A_611 = %while3A_600 to %while3A_606 step %while3A_607 iter_args(%while3A_612 = %while3A_509, %while3A_613 = %while3A_510, %while3A_614 = %while3A_511, %while3A_615 = %while3A_512, %while3A_616 = %while3A_513, %while3A_617 = %while3A_514, %while3A_618 = %while3A_515, %while3A_619 = %while3A_516, %while3A_620 = %while3A_517, %while3A_621 = %while3A_518, %while3A_622 = %while3A_519, %while3A_623 = %while3A_520, %while3A_624 = %while3A_521, %while3A_625 = %while3A_522, %while3A_626 = %while3A_523, %while3A_627 = %while3A_524, %while3A_628 = %while3A_525, %while3A_629 = %while3A_526, %while3A_630 = %while3A_527, %while3A_631 = %while3A_528, %while3A_632 = %while3A_529, %while3A_633 = %while3A_530, %while3A_634 = %while3A_531, %while3A_635 = %while3A_532, %while3A_636 = %while3A_533, %while3A_637 = %while3A_534) -> (vector<16xf32>, vector<16xf32>, vector<16xf32>, vector<16xf32>, vector<16xf32>, vector<16xf32>, vector<16xf32>, vector<16xf32>, vector<16xf32>, vector<16xf32>, vector<16xf32>, vector<16xf32>, vector<16xf32>, vector<16xf32>, vector<16xf32>, vector<16xf32>, vector<16xf32>, vector<16xf32>, vector<16xf32>, vector<16xf32>, vector<16xf32>, vector<16xf32>, vector<16xf32>, vector<16xf32>, vector<16xf32>, f32)  : i32 {
          %mul3A_638 = arith.constant 16 : i32
          %mul3A_639 = arith.muli %mul3A_638, %while3A_611 : i32
          %add3A_640 = arith.addi %add3A_539, %mul3A_639 : i32
          %mul3A_641 = arith.constant 16 : i32
          %mul3A_642 = arith.muli %mul3A_641, %while3A_611 : i32
          %sub3A_643 = arith.subi %sub3A_573, %mul3A_642 : i32
          %sub3A_644 = arith.subi %add3A_640, %multiple_of3A_569 : i32
          %add3A_645 = arith.addi %select_n3A_183, %sub3A_644 : i32
          %get3A_646 = arith.index_cast %add3A_645 : i32 to index
          %get3A_647 = tpu.vector_load %arg7[%get3A_646] {strides = array<i32>} : memref<320xf32, #tpu.memory_space<vmem>>, vector<16xf32>,
          %get3A_648 = vector.shape_cast %get3A_647 : vector<16xf32> to vector<16xf32>
          %lt3A_649 = vector.broadcast %sub3A_643 : i32 to vector<16xi32>
          %lt3A_650 = arith.cmpi slt, %iota3A, %lt3A_649 : vector<16xi32>
          %jit3A_651 = arith.constant 0xFF800000 : f32
          %broadcast_in_dim3A_652 = vector.broadcast %jit3A_651 : f32 to vector<16xf32>
          %select_n3A_653 = arith.select %lt3A_650, %get3A_648, %broadcast_in_dim3A_652 : vector<16xi1>, vector<16xf32>
          %slice3A_654 = vector.extract_strided_slice %select_n3A_653 {offsets = [0], sizes = [1], strides = [1]} : vector<16xf32> to vector<1xf32>
          %squeeze3A_655 = vector.extract %slice3A_654[0] : f32 from vector<1xf32>
          %slice3A_656 = vector.extract_strided_slice %select_n3A_653 {offsets = [1], sizes = [1], strides = [1]} : vector<16xf32> to vector<1xf32>
          %squeeze3A_657 = vector.extract %slice3A_656[0] : f32 from vector<1xf32>
          %max3A_658 = arith.maximumf %squeeze3A_655, %squeeze3A_657 : f32
          %slice3A_659 = vector.extract_strided_slice %select_n3A_653 {offsets = [2], sizes = [1], strides = [1]} : vector<16xf32> to vector<1xf32>
          %squeeze3A_660 = vector.extract %slice3A_659[0] : f32 from vector<1xf32>
          %max3A_661 = arith.maximumf %max3A_658, %squeeze3A_660 : f32
          %slice3A_662 = vector.extract_strided_slice %select_n3A_653 {offsets = [3], sizes = [1], strides = [1]} : vector<16xf32> to vector<1xf32>
          %squeeze3A_663 = vector.extract %slice3A_662[0] : f32 from vector<1xf32>
          %max3A_664 = arith.maximumf %max3A_661, %squeeze3A_663 : f32
          %slice3A_665 = vector.extract_strided_slice %select_n3A_653 {offsets = [4], sizes = [1], strides = [1]} : vector<16xf32> to vector<1xf32>
          %squeeze3A_666 = vector.extract %slice3A_665[0] : f32 from vector<1xf32>
          %max3A_667 = arith.maximumf %max3A_664, %squeeze3A_666 : f32
          %slice3A_668 = vector.extract_strided_slice %select_n3A_653 {offsets = [5], sizes = [1], strides = [1]} : vector<16xf32> to vector<1xf32>
          %squeeze3A_669 = vector.extract %slice3A_668[0] : f32 from vector<1xf32>
          %max3A_670 = arith.maximumf %max3A_667, %squeeze3A_669 : f32
          %slice3A_671 = vector.extract_strided_slice %select_n3A_653 {offsets = [6], sizes = [1], strides = [1]} : vector<16xf32> to vector<1xf32>
          %squeeze3A_672 = vector.extract %slice3A_671[0] : f32 from vector<1xf32>
          %max3A_673 = arith.maximumf %max3A_670, %squeeze3A_672 : f32
          %slice3A_674 = vector.extract_strided_slice %select_n3A_653 {offsets = [7], sizes = [1], strides = [1]} : vector<16xf32> to vector<1xf32>
          %squeeze3A_675 = vector.extract %slice3A_674[0] : f32 from vector<1xf32>
          %max3A_676 = arith.maximumf %max3A_673, %squeeze3A_675 : f32
          %slice3A_677 = vector.extract_strided_slice %select_n3A_653 {offsets = [8], sizes = [1], strides = [1]} : vector<16xf32> to vector<1xf32>
          %squeeze3A_678 = vector.extract %slice3A_677[0] : f32 from vector<1xf32>
          %max3A_679 = arith.maximumf %max3A_676, %squeeze3A_678 : f32
          %slice3A_680 = vector.extract_strided_slice %select_n3A_653 {offsets = [9], sizes = [1], strides = [1]} : vector<16xf32> to vector<1xf32>
          %squeeze3A_681 = vector.extract %slice3A_680[0] : f32 from vector<1xf32>
          %max3A_682 = arith.maximumf %max3A_679, %squeeze3A_681 : f32
          %slice3A_683 = vector.extract_strided_slice %select_n3A_653 {offsets = [10], sizes = [1], strides = [1]} : vector<16xf32> to vector<1xf32>
          %squeeze3A_684 = vector.extract %slice3A_683[0] : f32 from vector<1xf32>
          %max3A_685 = arith.maximumf %max3A_682, %squeeze3A_684 : f32
          %slice3A_686 = vector.extract_strided_slice %select_n3A_653 {offsets = [11], sizes = [1], strides = [1]} : vector<16xf32> to vector<1xf32>
          %squeeze3A_687 = vector.extract %slice3A_686[0] : f32 from vector<1xf32>
          %max3A_688 = arith.maximumf %max3A_685, %squeeze3A_687 : f32
          %slice3A_689 = vector.extract_strided_slice %select_n3A_653 {offsets = [12], sizes = [1], strides = [1]} : vector<16xf32> to vector<1xf32>
          %squeeze3A_690 = vector.extract %slice3A_689[0] : f32 from vector<1xf32>
          %max3A_691 = arith.maximumf %max3A_688, %squeeze3A_690 : f32
          %slice3A_692 = vector.extract_strided_slice %select_n3A_653 {offsets = [13], sizes = [1], strides = [1]} : vector<16xf32> to vector<1xf32>
          %squeeze3A_693 = vector.extract %slice3A_692[0] : f32 from vector<1xf32>
          %max3A_694 = arith.maximumf %max3A_691, %squeeze3A_693 : f32
          %slice3A_695 = vector.extract_strided_slice %select_n3A_653 {offsets = [14], sizes = [1], strides = [1]} : vector<16xf32> to vector<1xf32>
          %squeeze3A_696 = vector.extract %slice3A_695[0] : f32 from vector<1xf32>
          %max3A_697 = arith.maximumf %max3A_694, %squeeze3A_696 : f32
          %slice3A_698 = vector.extract_strided_slice %select_n3A_653 {offsets = [15], sizes = [1], strides = [1]} : vector<16xf32> to vector<1xf32>
          %squeeze3A_699 = vector.extract %slice3A_698[0] : f32 from vector<1xf32>
          %max3A_700 = arith.maximumf %max3A_697, %squeeze3A_699 : f32
          %max3A_701 = arith.maximumf %while3A_637, %max3A_700 : f32
          %sub3A_702 = arith.subf %while3A_637, %max3A_701 : f32
          %add3A_703 = vector.broadcast %sub3A_702 : f32 to vector<16xf32>
          %add3A_704 = arith.addf %broadcast_in_dim3A_3, %add3A_703 : vector<16xf32>
          %exp3A = math.exp %add3A_704 : vector<16xf32>
          %lt3A_705 = vector.broadcast %sub3A_643 : i32 to vector<16xi32>
          %lt3A_706 = arith.cmpi slt, %iota3A, %lt3A_705 : vector<16xi32>
          %sub3A_707 = vector.broadcast %max3A_701 : f32 to vector<16xf32>
          %sub3A_708 = arith.subf %get3A_648, %sub3A_707 : vector<16xf32>
          %exp3A_709 = math.exp %sub3A_708 : vector<16xf32>
          %jit3A_710 = arith.constant 0.000000e+00 : f32
          %broadcast_in_dim3A_711 = vector.broadcast %jit3A_710 : f32 to vector<16xf32>
          %select_n3A_712 = arith.select %lt3A_706, %exp3A_709, %broadcast_in_dim3A_711 : vector<16xi1>, vector<16xf32>
          %swap3A_713 = arith.constant 0 : index
          %swap3A_714 = tpu.vector_load %arg9[%swap3A_713] {strides = array<i32>} : memref<32xf32, #tpu.memory_space<vmem>>, vector<16xf32>,
          %swap3A_715 = vector.shape_cast %swap3A_714 : vector<16xf32> to vector<16xf32>
          %swap3A_716 = vector.shape_cast %select_n3A_712 : vector<16xf32> to vector<16xf32>
          tpu.vector_store %arg9[%swap3A_713], %swap3A_716 {strides = array<i32>} : memref<32xf32, #tpu.memory_space<vmem>>, vector<16xf32>,
          %mul3A_717 = arith.mulf %while3A_636, %exp3A : vector<16xf32>
          %add3A_718 = arith.addf %mul3A_717, %select_n3A_712 : vector<16xf32>
          %mul3A_719 = arith.mulf %while3A_620, %exp3A : vector<16xf32>
          %mul3A_720 = arith.mulf %while3A_621, %exp3A : vector<16xf32>
          %mul3A_721 = arith.mulf %while3A_622, %exp3A : vector<16xf32>
          %mul3A_722 = arith.mulf %while3A_623, %exp3A : vector<16xf32>
          %mul3A_723 = arith.mulf %while3A_624, %exp3A : vector<16xf32>
          %mul3A_724 = arith.mulf %while3A_625, %exp3A : vector<16xf32>
          %mul3A_725 = arith.mulf %while3A_626, %exp3A : vector<16xf32>
          %mul3A_726 = arith.mulf %while3A_627, %exp3A : vector<16xf32>
          %min3A_727 = arith.constant 16 : i32
          %min3A_728 = arith.minsi %min3A_727, %sub3A_643 : i32
          %while3A_729 = arith.constant 0 : i32
          %while3A_730 = arith.subi %min3A_728, %while3A_729 : i32
          %while3A_731 = arith.addi %while3A_729, %while3A_730 : i32
          %while3A_732 = arith.constant 1 : i32
          %while3A_733 = arith.divsi %while3A_730, %while3A_732 : i32
          %while3A_734 = arith.muli %while3A_733, %while3A_732 : i32
          %while3A_735 = arith.addi %while3A_729, %while3A_734 : i32
          %while3A_736 = arith.constant 1 : i32
          %while3A_737:24 = scf.for %while3A_740 = %while3A_729 to %while3A_735 step %while3A_736 iter_args(%while3A_741 = %while3A_612, %while3A_742 = %while3A_613, %while3A_743 = %while3A_614, %while3A_744 = %while3A_615, %while3A_745 = %while3A_616, %while3A_746 = %while3A_617, %while3A_747 = %while3A_618, %while3A_748 = %while3A_619, %while3A_749 = %mul3A_719, %while3A_750 = %mul3A_720, %while3A_751 = %mul3A_721, %while3A_752 = %mul3A_722, %while3A_753 = %mul3A_723, %while3A_754 = %mul3A_724, %while3A_755 = %mul3A_725, %while3A_756 = %mul3A_726, %while3A_757 = %while3A_628, %while3A_758 = %while3A_629, %while3A_759 = %while3A_630, %while3A_760 = %while3A_631, %while3A_761 = %while3A_632, %while3A_762 = %while3A_633, %while3A_763 = %while3A_634, %while3A_764 = %while3A_635) -> (vector<16xf32>, vector<16xf32>, vector<16xf32>, vector<16xf32>, vector<16xf32>, vector<16xf32>, vector<16xf32>, vector<16xf32>, vector<16xf32>, vector<16xf32>, vector<16xf32>, vector<16xf32>, vector<16xf32>, vector<16xf32>, vector<16xf32>, vector<16xf32>, vector<16xf32>, vector<16xf32>, vector<16xf32>, vector<16xf32>, vector<16xf32>, vector<16xf32>, vector<16xf32>, vector<16xf32>)  : i32 {
            %get3A_765 = arith.index_cast %while3A_740 : i32 to index
            %get3A_766 = tpu.vector_load %arg9[%get3A_765] {strides = array<i32>} : memref<32xf32, #tpu.memory_space<vmem>>, vector<16xf32>,
            %get3A_767 = vector.shape_cast %get3A_766 : vector<16xf32> to vector<16xf32>
            %slice3A_768 = vector.extract_strided_slice %get3A_767 {offsets = [0], sizes = [1], strides = [1]} : vector<16xf32> to vector<1xf32>
            %squeeze3A_769 = vector.extract %slice3A_768[0] : f32 from vector<1xf32>
            %add3A_770 = arith.addi %add3A_640, %while3A_740 : i32
            %sub3A_771 = arith.subi %add3A_770, %multiple_of3A_542 : i32
            %add3A_772 = arith.addi %select_n3A_180, %sub3A_771 : i32
            %get3A_773 = arith.index_cast %add3A_772 : i32 to index
            %get3A_774 = arith.constant 0 : index
            %get3A_775 = tpu.vector_load %arg6[%get3A_773, %get3A_774] {strides = array<i32>} : memref<256x128xf32, #tpu.memory_space<vmem>>, vector<1x16xf32>,
            %get3A_776 = vector.shape_cast %get3A_775 : vector<1x16xf32> to vector<16xf32>
            %add3A_777 = arith.addf %while3A_741, %get3A_776 : vector<16xf32>
            %mul3A_778 = vector.broadcast %squeeze3A_769 : f32 to vector<16xf32>
            %mul3A_779 = arith.mulf %mul3A_778, %get3A_776 : vector<16xf32>
            %add3A_780 = arith.addf %while3A_749, %mul3A_779 : vector<16xf32>
            %max3A_781 = arith.maximumf %while3A_757, %get3A_776 : vector<16xf32>
            %get3A_782 = arith.index_cast %add3A_772 : i32 to index
            %get3A_783 = arith.constant 16 : index
            %get3A_784 = tpu.vector_load %arg6[%get3A_782, %get3A_783] {strides = array<i32>} : memref<256x128xf32, #tpu.memory_space<vmem>>, vector<1x16xf32>,
            %get3A_785 = vector.shape_cast %get3A_784 : vector<1x16xf32> to vector<16xf32>
            %add3A_786 = arith.addf %while3A_742, %get3A_785 : vector<16xf32>
            %mul3A_787 = vector.broadcast %squeeze3A_769 : f32 to vector<16xf32>
            %mul3A_788 = arith.mulf %mul3A_787, %get3A_785 : vector<16xf32>
            %add3A_789 = arith.addf %while3A_750, %mul3A_788 : vector<16xf32>
            %max3A_790 = arith.maximumf %while3A_758, %get3A_785 : vector<16xf32>
            %get3A_791 = arith.index_cast %add3A_772 : i32 to index
            %get3A_792 = arith.constant 32 : index
            %get3A_793 = tpu.vector_load %arg6[%get3A_791, %get3A_792] {strides = array<i32>} : memref<256x128xf32, #tpu.memory_space<vmem>>, vector<1x16xf32>,
            %get3A_794 = vector.shape_cast %get3A_793 : vector<1x16xf32> to vector<16xf32>
            %add3A_795 = arith.addf %while3A_743, %get3A_794 : vector<16xf32>
            %mul3A_796 = vector.broadcast %squeeze3A_769 : f32 to vector<16xf32>
            %mul3A_797 = arith.mulf %mul3A_796, %get3A_794 : vector<16xf32>
            %add3A_798 = arith.addf %while3A_751, %mul3A_797 : vector<16xf32>
            %max3A_799 = arith.maximumf %while3A_759, %get3A_794 : vector<16xf32>
            %get3A_800 = arith.index_cast %add3A_772 : i32 to index
            %get3A_801 = arith.constant 48 : index
            %get3A_802 = tpu.vector_load %arg6[%get3A_800, %get3A_801] {strides = array<i32>} : memref<256x128xf32, #tpu.memory_space<vmem>>, vector<1x16xf32>,
            %get3A_803 = vector.shape_cast %get3A_802 : vector<1x16xf32> to vector<16xf32>
            %add3A_804 = arith.addf %while3A_744, %get3A_803 : vector<16xf32>
            %mul3A_805 = vector.broadcast %squeeze3A_769 : f32 to vector<16xf32>
            %mul3A_806 = arith.mulf %mul3A_805, %get3A_803 : vector<16xf32>
            %add3A_807 = arith.addf %while3A_752, %mul3A_806 : vector<16xf32>
            %max3A_808 = arith.maximumf %while3A_760, %get3A_803 : vector<16xf32>
            %get3A_809 = arith.index_cast %add3A_772 : i32 to index
            %get3A_810 = arith.constant 64 : index
            %get3A_811 = tpu.vector_load %arg6[%get3A_809, %get3A_810] {strides = array<i32>} : memref<256x128xf32, #tpu.memory_space<vmem>>, vector<1x16xf32>,
            %get3A_812 = vector.shape_cast %get3A_811 : vector<1x16xf32> to vector<16xf32>
            %add3A_813 = arith.addf %while3A_745, %get3A_812 : vector<16xf32>
            %mul3A_814 = vector.broadcast %squeeze3A_769 : f32 to vector<16xf32>
            %mul3A_815 = arith.mulf %mul3A_814, %get3A_812 : vector<16xf32>
            %add3A_816 = arith.addf %while3A_753, %mul3A_815 : vector<16xf32>
            %max3A_817 = arith.maximumf %while3A_761, %get3A_812 : vector<16xf32>
            %get3A_818 = arith.index_cast %add3A_772 : i32 to index
            %get3A_819 = arith.constant 80 : index
            %get3A_820 = tpu.vector_load %arg6[%get3A_818, %get3A_819] {strides = array<i32>} : memref<256x128xf32, #tpu.memory_space<vmem>>, vector<1x16xf32>,
            %get3A_821 = vector.shape_cast %get3A_820 : vector<1x16xf32> to vector<16xf32>
            %add3A_822 = arith.addf %while3A_746, %get3A_821 : vector<16xf32>
            %mul3A_823 = vector.broadcast %squeeze3A_769 : f32 to vector<16xf32>
            %mul3A_824 = arith.mulf %mul3A_823, %get3A_821 : vector<16xf32>
            %add3A_825 = arith.addf %while3A_754, %mul3A_824 : vector<16xf32>
            %max3A_826 = arith.maximumf %while3A_762, %get3A_821 : vector<16xf32>
            %get3A_827 = arith.index_cast %add3A_772 : i32 to index
            %get3A_828 = arith.constant 96 : index
            %get3A_829 = tpu.vector_load %arg6[%get3A_827, %get3A_828] {strides = array<i32>} : memref<256x128xf32, #tpu.memory_space<vmem>>, vector<1x16xf32>,
            %get3A_830 = vector.shape_cast %get3A_829 : vector<1x16xf32> to vector<16xf32>
            %add3A_831 = arith.addf %while3A_747, %get3A_830 : vector<16xf32>
            %mul3A_832 = vector.broadcast %squeeze3A_769 : f32 to vector<16xf32>
            %mul3A_833 = arith.mulf %mul3A_832, %get3A_830 : vector<16xf32>
            %add3A_834 = arith.addf %while3A_755, %mul3A_833 : vector<16xf32>
            %max3A_835 = arith.maximumf %while3A_763, %get3A_830 : vector<16xf32>
            %get3A_836 = arith.index_cast %add3A_772 : i32 to index
            %get3A_837 = arith.constant 112 : index
            %get3A_838 = tpu.vector_load %arg6[%get3A_836, %get3A_837] {strides = array<i32>} : memref<256x128xf32, #tpu.memory_space<vmem>>, vector<1x16xf32>,
            %get3A_839 = vector.shape_cast %get3A_838 : vector<1x16xf32> to vector<16xf32>
            %add3A_840 = arith.addf %while3A_748, %get3A_839 : vector<16xf32>
            %mul3A_841 = vector.broadcast %squeeze3A_769 : f32 to vector<16xf32>
            %mul3A_842 = arith.mulf %mul3A_841, %get3A_839 : vector<16xf32>
            %add3A_843 = arith.addf %while3A_756, %mul3A_842 : vector<16xf32>
            %max3A_844 = arith.maximumf %while3A_764, %get3A_839 : vector<16xf32>
            scf.yield %add3A_777, %add3A_786, %add3A_795, %add3A_804, %add3A_813, %add3A_822, %add3A_831, %add3A_840, %add3A_780, %add3A_789, %add3A_798, %add3A_807, %add3A_816, %add3A_825, %add3A_834, %add3A_843, %max3A_781, %max3A_790, %max3A_799, %max3A_808, %max3A_817, %max3A_826, %max3A_835, %max3A_844 : vector<16xf32>, vector<16xf32>, vector<16xf32>, vector<16xf32>, vector<16xf32>, vector<16xf32>, vector<16xf32>, vector<16xf32>, vector<16xf32>, vector<16xf32>, vector<16xf32>, vector<16xf32>, vector<16xf32>, vector<16xf32>, vector<16xf32>, vector<16xf32>, vector<16xf32>, vector<16xf32>, vector<16xf32>, vector<16xf32>, vector<16xf32>, vector<16xf32>, vector<16xf32>, vector<16xf32>
          }
          %while3A_738 = arith.constant 1 : i32
          %while3A_739:24 = scf.for %while3A_740 = %while3A_735 to %while3A_731 step %while3A_738 iter_args(%while3A_741 = %while3A_737#0, %while3A_742 = %while3A_737#1, %while3A_743 = %while3A_737#2, %while3A_744 = %while3A_737#3, %while3A_745 = %while3A_737#4, %while3A_746 = %while3A_737#5, %while3A_747 = %while3A_737#6, %while3A_748 = %while3A_737#7, %while3A_749 = %while3A_737#8, %while3A_750 = %while3A_737#9, %while3A_751 = %while3A_737#10, %while3A_752 = %while3A_737#11, %while3A_753 = %while3A_737#12, %while3A_754 = %while3A_737#13, %while3A_755 = %while3A_737#14, %while3A_756 = %while3A_737#15, %while3A_757 = %while3A_737#16, %while3A_758 = %while3A_737#17, %while3A_759 = %while3A_737#18, %while3A_760 = %while3A_737#19, %while3A_761 = %while3A_737#20, %while3A_762 = %while3A_737#21, %while3A_763 = %while3A_737#22, %while3A_764 = %while3A_737#23) -> (vector<16xf32>, vector<16xf32>, vector<16xf32>, vector<16xf32>, vector<16xf32>, vector<16xf32>, vector<16xf32>, vector<16xf32>, vector<16xf32>, vector<16xf32>, vector<16xf32>, vector<16xf32>, vector<16xf32>, vector<16xf32>, vector<16xf32>, vector<16xf32>, vector<16xf32>, vector<16xf32>, vector<16xf32>, vector<16xf32>, vector<16xf32>, vector<16xf32>, vector<16xf32>, vector<16xf32>)  : i32 {
            %get3A_765 = arith.index_cast %while3A_740 : i32 to index
            %get3A_766 = tpu.vector_load %arg9[%get3A_765] {strides = array<i32>} : memref<32xf32, #tpu.memory_space<vmem>>, vector<16xf32>,
            %get3A_767 = vector.shape_cast %get3A_766 : vector<16xf32> to vector<16xf32>
            %slice3A_768 = vector.extract_strided_slice %get3A_767 {offsets = [0], sizes = [1], strides = [1]} : vector<16xf32> to vector<1xf32>
            %squeeze3A_769 = vector.extract %slice3A_768[0] : f32 from vector<1xf32>
            %add3A_770 = arith.addi %add3A_640, %while3A_740 : i32
            %sub3A_771 = arith.subi %add3A_770, %multiple_of3A_542 : i32
            %add3A_772 = arith.addi %select_n3A_180, %sub3A_771 : i32
            %get3A_773 = arith.index_cast %add3A_772 : i32 to index
            %get3A_774 = arith.constant 0 : index
            %get3A_775 = tpu.vector_load %arg6[%get3A_773, %get3A_774] {strides = array<i32>} : memref<256x128xf32, #tpu.memory_space<vmem>>, vector<1x16xf32>,
            %get3A_776 = vector.shape_cast %get3A_775 : vector<1x16xf32> to vector<16xf32>
            %add3A_777 = arith.addf %while3A_741, %get3A_776 : vector<16xf32>
            %mul3A_778 = vector.broadcast %squeeze3A_769 : f32 to vector<16xf32>
            %mul3A_779 = arith.mulf %mul3A_778, %get3A_776 : vector<16xf32>
            %add3A_780 = arith.addf %while3A_749, %mul3A_779 : vector<16xf32>
            %max3A_781 = arith.maximumf %while3A_757, %get3A_776 : vector<16xf32>
            %get3A_782 = arith.index_cast %add3A_772 : i32 to index
            %get3A_783 = arith.constant 16 : index
            %get3A_784 = tpu.vector_load %arg6[%get3A_782, %get3A_783] {strides = array<i32>} : memref<256x128xf32, #tpu.memory_space<vmem>>, vector<1x16xf32>,
            %get3A_785 = vector.shape_cast %get3A_784 : vector<1x16xf32> to vector<16xf32>
            %add3A_786 = arith.addf %while3A_742, %get3A_785 : vector<16xf32>
            %mul3A_787 = vector.broadcast %squeeze3A_769 : f32 to vector<16xf32>
            %mul3A_788 = arith.mulf %mul3A_787, %get3A_785 : vector<16xf32>
            %add3A_789 = arith.addf %while3A_750, %mul3A_788 : vector<16xf32>
            %max3A_790 = arith.maximumf %while3A_758, %get3A_785 : vector<16xf32>
            %get3A_791 = arith.index_cast %add3A_772 : i32 to index
            %get3A_792 = arith.constant 32 : index
            %get3A_793 = tpu.vector_load %arg6[%get3A_791, %get3A_792] {strides = array<i32>} : memref<256x128xf32, #tpu.memory_space<vmem>>, vector<1x16xf32>,
            %get3A_794 = vector.shape_cast %get3A_793 : vector<1x16xf32> to vector<16xf32>
            %add3A_795 = arith.addf %while3A_743, %get3A_794 : vector<16xf32>
            %mul3A_796 = vector.broadcast %squeeze3A_769 : f32 to vector<16xf32>
            %mul3A_797 = arith.mulf %mul3A_796, %get3A_794 : vector<16xf32>
            %add3A_798 = arith.addf %while3A_751, %mul3A_797 : vector<16xf32>
            %max3A_799 = arith.maximumf %while3A_759, %get3A_794 : vector<16xf32>
            %get3A_800 = arith.index_cast %add3A_772 : i32 to index
            %get3A_801 = arith.constant 48 : index
            %get3A_802 = tpu.vector_load %arg6[%get3A_800, %get3A_801] {strides = array<i32>} : memref<256x128xf32, #tpu.memory_space<vmem>>, vector<1x16xf32>,
            %get3A_803 = vector.shape_cast %get3A_802 : vector<1x16xf32> to vector<16xf32>
            %add3A_804 = arith.addf %while3A_744, %get3A_803 : vector<16xf32>
            %mul3A_805 = vector.broadcast %squeeze3A_769 : f32 to vector<16xf32>
            %mul3A_806 = arith.mulf %mul3A_805, %get3A_803 : vector<16xf32>
            %add3A_807 = arith.addf %while3A_752, %mul3A_806 : vector<16xf32>
            %max3A_808 = arith.maximumf %while3A_760, %get3A_803 : vector<16xf32>
            %get3A_809 = arith.index_cast %add3A_772 : i32 to index
            %get3A_810 = arith.constant 64 : index
            %get3A_811 = tpu.vector_load %arg6[%get3A_809, %get3A_810] {strides = array<i32>} : memref<256x128xf32, #tpu.memory_space<vmem>>, vector<1x16xf32>,
            %get3A_812 = vector.shape_cast %get3A_811 : vector<1x16xf32> to vector<16xf32>
            %add3A_813 = arith.addf %while3A_745, %get3A_812 : vector<16xf32>
            %mul3A_814 = vector.broadcast %squeeze3A_769 : f32 to vector<16xf32>
            %mul3A_815 = arith.mulf %mul3A_814, %get3A_812 : vector<16xf32>
            %add3A_816 = arith.addf %while3A_753, %mul3A_815 : vector<16xf32>
            %max3A_817 = arith.maximumf %while3A_761, %get3A_812 : vector<16xf32>
            %get3A_818 = arith.index_cast %add3A_772 : i32 to index
            %get3A_819 = arith.constant 80 : index
            %get3A_820 = tpu.vector_load %arg6[%get3A_818, %get3A_819] {strides = array<i32>} : memref<256x128xf32, #tpu.memory_space<vmem>>, vector<1x16xf32>,
            %get3A_821 = vector.shape_cast %get3A_820 : vector<1x16xf32> to vector<16xf32>
            %add3A_822 = arith.addf %while3A_746, %get3A_821 : vector<16xf32>
            %mul3A_823 = vector.broadcast %squeeze3A_769 : f32 to vector<16xf32>
            %mul3A_824 = arith.mulf %mul3A_823, %get3A_821 : vector<16xf32>
            %add3A_825 = arith.addf %while3A_754, %mul3A_824 : vector<16xf32>
            %max3A_826 = arith.maximumf %while3A_762, %get3A_821 : vector<16xf32>
            %get3A_827 = arith.index_cast %add3A_772 : i32 to index
            %get3A_828 = arith.constant 96 : index
            %get3A_829 = tpu.vector_load %arg6[%get3A_827, %get3A_828] {strides = array<i32>} : memref<256x128xf32, #tpu.memory_space<vmem>>, vector<1x16xf32>,
            %get3A_830 = vector.shape_cast %get3A_829 : vector<1x16xf32> to vector<16xf32>
            %add3A_831 = arith.addf %while3A_747, %get3A_830 : vector<16xf32>
            %mul3A_832 = vector.broadcast %squeeze3A_769 : f32 to vector<16xf32>
            %mul3A_833 = arith.mulf %mul3A_832, %get3A_830 : vector<16xf32>
            %add3A_834 = arith.addf %while3A_755, %mul3A_833 : vector<16xf32>
            %max3A_835 = arith.maximumf %while3A_763, %get3A_830 : vector<16xf32>
            %get3A_836 = arith.index_cast %add3A_772 : i32 to index
            %get3A_837 = arith.constant 112 : index
            %get3A_838 = tpu.vector_load %arg6[%get3A_836, %get3A_837] {strides = array<i32>} : memref<256x128xf32, #tpu.memory_space<vmem>>, vector<1x16xf32>,
            %get3A_839 = vector.shape_cast %get3A_838 : vector<1x16xf32> to vector<16xf32>
            %add3A_840 = arith.addf %while3A_748, %get3A_839 : vector<16xf32>
            %mul3A_841 = vector.broadcast %squeeze3A_769 : f32 to vector<16xf32>
            %mul3A_842 = arith.mulf %mul3A_841, %get3A_839 : vector<16xf32>
            %add3A_843 = arith.addf %while3A_756, %mul3A_842 : vector<16xf32>
            %max3A_844 = arith.maximumf %while3A_764, %get3A_839 : vector<16xf32>
            scf.yield %add3A_777, %add3A_786, %add3A_795, %add3A_804, %add3A_813, %add3A_822, %add3A_831, %add3A_840, %add3A_780, %add3A_789, %add3A_798, %add3A_807, %add3A_816, %add3A_825, %add3A_834, %add3A_843, %max3A_781, %max3A_790, %max3A_799, %max3A_808, %max3A_817, %max3A_826, %max3A_835, %max3A_844 : vector<16xf32>, vector<16xf32>, vector<16xf32>, vector<16xf32>, vector<16xf32>, vector<16xf32>, vector<16xf32>, vector<16xf32>, vector<16xf32>, vector<16xf32>, vector<16xf32>, vector<16xf32>, vector<16xf32>, vector<16xf32>, vector<16xf32>, vector<16xf32>, vector<16xf32>, vector<16xf32>, vector<16xf32>, vector<16xf32>, vector<16xf32>, vector<16xf32>, vector<16xf32>, vector<16xf32>
          }
          scf.yield %while3A_739#0, %while3A_739#1, %while3A_739#2, %while3A_739#3, %while3A_739#4, %while3A_739#5, %while3A_739#6, %while3A_739#7, %while3A_739#8, %while3A_739#9, %while3A_739#10, %while3A_739#11, %while3A_739#12, %while3A_739#13, %while3A_739#14, %while3A_739#15, %while3A_739#16, %while3A_739#17, %while3A_739#18, %while3A_739#19, %while3A_739#20, %while3A_739#21, %while3A_739#22, %while3A_739#23, %add3A_718, %max3A_701 : vector<16xf32>, vector<16xf32>, vector<16xf32>, vector<16xf32>, vector<16xf32>, vector<16xf32>, vector<16xf32>, vector<16xf32>, vector<16xf32>, vector<16xf32>, vector<16xf32>, vector<16xf32>, vector<16xf32>, vector<16xf32>, vector<16xf32>, vector<16xf32>, vector<16xf32>, vector<16xf32>, vector<16xf32>, vector<16xf32>, vector<16xf32>, vector<16xf32>, vector<16xf32>, vector<16xf32>, vector<16xf32>, f32
        }
        %while3A_609 = arith.constant 1 : i32
        %while3A_610:26 = scf.for %while3A_611 = %while3A_606 to %while3A_602 step %while3A_609 iter_args(%while3A_612 = %while3A_608#0, %while3A_613 = %while3A_608#1, %while3A_614 = %while3A_608#2, %while3A_615 = %while3A_608#3, %while3A_616 = %while3A_608#4, %while3A_617 = %while3A_608#5, %while3A_618 = %while3A_608#6, %while3A_619 = %while3A_608#7, %while3A_620 = %while3A_608#8, %while3A_621 = %while3A_608#9, %while3A_622 = %while3A_608#10, %while3A_623 = %while3A_608#11, %while3A_624 = %while3A_608#12, %while3A_625 = %while3A_608#13, %while3A_626 = %while3A_608#14, %while3A_627 = %while3A_608#15, %while3A_628 = %while3A_608#16, %while3A_629 = %while3A_608#17, %while3A_630 = %while3A_608#18, %while3A_631 = %while3A_608#19, %while3A_632 = %while3A_608#20, %while3A_633 = %while3A_608#21, %while3A_634 = %while3A_608#22, %while3A_635 = %while3A_608#23, %while3A_636 = %while3A_608#24, %while3A_637 = %while3A_608#25) -> (vector<16xf32>, vector<16xf32>, vector<16xf32>, vector<16xf32>, vector<16xf32>, vector<16xf32>, vector<16xf32>, vector<16xf32>, vector<16xf32>, vector<16xf32>, vector<16xf32>, vector<16xf32>, vector<16xf32>, vector<16xf32>, vector<16xf32>, vector<16xf32>, vector<16xf32>, vector<16xf32>, vector<16xf32>, vector<16xf32>, vector<16xf32>, vector<16xf32>, vector<16xf32>, vector<16xf32>, vector<16xf32>, f32)  : i32 {
          %mul3A_638 = arith.constant 16 : i32
          %mul3A_639 = arith.muli %mul3A_638, %while3A_611 : i32
          %add3A_640 = arith.addi %add3A_539, %mul3A_639 : i32
          %mul3A_641 = arith.constant 16 : i32
          %mul3A_642 = arith.muli %mul3A_641, %while3A_611 : i32
          %sub3A_643 = arith.subi %sub3A_573, %mul3A_642 : i32
          %sub3A_644 = arith.subi %add3A_640, %multiple_of3A_569 : i32
          %add3A_645 = arith.addi %select_n3A_183, %sub3A_644 : i32
          %get3A_646 = arith.index_cast %add3A_645 : i32 to index
          %get3A_647 = tpu.vector_load %arg7[%get3A_646] {strides = array<i32>} : memref<320xf32, #tpu.memory_space<vmem>>, vector<16xf32>,
          %get3A_648 = vector.shape_cast %get3A_647 : vector<16xf32> to vector<16xf32>
          %lt3A_649 = vector.broadcast %sub3A_643 : i32 to vector<16xi32>
          %lt3A_650 = arith.cmpi slt, %iota3A, %lt3A_649 : vector<16xi32>
          %jit3A_651 = arith.constant 0xFF800000 : f32
          %broadcast_in_dim3A_652 = vector.broadcast %jit3A_651 : f32 to vector<16xf32>
          %select_n3A_653 = arith.select %lt3A_650, %get3A_648, %broadcast_in_dim3A_652 : vector<16xi1>, vector<16xf32>
          %slice3A_654 = vector.extract_strided_slice %select_n3A_653 {offsets = [0], sizes = [1], strides = [1]} : vector<16xf32> to vector<1xf32>
          %squeeze3A_655 = vector.extract %slice3A_654[0] : f32 from vector<1xf32>
          %slice3A_656 = vector.extract_strided_slice %select_n3A_653 {offsets = [1], sizes = [1], strides = [1]} : vector<16xf32> to vector<1xf32>
          %squeeze3A_657 = vector.extract %slice3A_656[0] : f32 from vector<1xf32>
          %max3A_658 = arith.maximumf %squeeze3A_655, %squeeze3A_657 : f32
          %slice3A_659 = vector.extract_strided_slice %select_n3A_653 {offsets = [2], sizes = [1], strides = [1]} : vector<16xf32> to vector<1xf32>
          %squeeze3A_660 = vector.extract %slice3A_659[0] : f32 from vector<1xf32>
          %max3A_661 = arith.maximumf %max3A_658, %squeeze3A_660 : f32
          %slice3A_662 = vector.extract_strided_slice %select_n3A_653 {offsets = [3], sizes = [1], strides = [1]} : vector<16xf32> to vector<1xf32>
          %squeeze3A_663 = vector.extract %slice3A_662[0] : f32 from vector<1xf32>
          %max3A_664 = arith.maximumf %max3A_661, %squeeze3A_663 : f32
          %slice3A_665 = vector.extract_strided_slice %select_n3A_653 {offsets = [4], sizes = [1], strides = [1]} : vector<16xf32> to vector<1xf32>
          %squeeze3A_666 = vector.extract %slice3A_665[0] : f32 from vector<1xf32>
          %max3A_667 = arith.maximumf %max3A_664, %squeeze3A_666 : f32
          %slice3A_668 = vector.extract_strided_slice %select_n3A_653 {offsets = [5], sizes = [1], strides = [1]} : vector<16xf32> to vector<1xf32>
          %squeeze3A_669 = vector.extract %slice3A_668[0] : f32 from vector<1xf32>
          %max3A_670 = arith.maximumf %max3A_667, %squeeze3A_669 : f32
          %slice3A_671 = vector.extract_strided_slice %select_n3A_653 {offsets = [6], sizes = [1], strides = [1]} : vector<16xf32> to vector<1xf32>
          %squeeze3A_672 = vector.extract %slice3A_671[0] : f32 from vector<1xf32>
          %max3A_673 = arith.maximumf %max3A_670, %squeeze3A_672 : f32
          %slice3A_674 = vector.extract_strided_slice %select_n3A_653 {offsets = [7], sizes = [1], strides = [1]} : vector<16xf32> to vector<1xf32>
          %squeeze3A_675 = vector.extract %slice3A_674[0] : f32 from vector<1xf32>
          %max3A_676 = arith.maximumf %max3A_673, %squeeze3A_675 : f32
          %slice3A_677 = vector.extract_strided_slice %select_n3A_653 {offsets = [8], sizes = [1], strides = [1]} : vector<16xf32> to vector<1xf32>
          %squeeze3A_678 = vector.extract %slice3A_677[0] : f32 from vector<1xf32>
          %max3A_679 = arith.maximumf %max3A_676, %squeeze3A_678 : f32
          %slice3A_680 = vector.extract_strided_slice %select_n3A_653 {offsets = [9], sizes = [1], strides = [1]} : vector<16xf32> to vector<1xf32>
          %squeeze3A_681 = vector.extract %slice3A_680[0] : f32 from vector<1xf32>
          %max3A_682 = arith.maximumf %max3A_679, %squeeze3A_681 : f32
          %slice3A_683 = vector.extract_strided_slice %select_n3A_653 {offsets = [10], sizes = [1], strides = [1]} : vector<16xf32> to vector<1xf32>
          %squeeze3A_684 = vector.extract %slice3A_683[0] : f32 from vector<1xf32>
          %max3A_685 = arith.maximumf %max3A_682, %squeeze3A_684 : f32
          %slice3A_686 = vector.extract_strided_slice %select_n3A_653 {offsets = [11], sizes = [1], strides = [1]} : vector<16xf32> to vector<1xf32>
          %squeeze3A_687 = vector.extract %slice3A_686[0] : f32 from vector<1xf32>
          %max3A_688 = arith.maximumf %max3A_685, %squeeze3A_687 : f32
          %slice3A_689 = vector.extract_strided_slice %select_n3A_653 {offsets = [12], sizes = [1], strides = [1]} : vector<16xf32> to vector<1xf32>
          %squeeze3A_690 = vector.extract %slice3A_689[0] : f32 from vector<1xf32>
          %max3A_691 = arith.maximumf %max3A_688, %squeeze3A_690 : f32
          %slice3A_692 = vector.extract_strided_slice %select_n3A_653 {offsets = [13], sizes = [1], strides = [1]} : vector<16xf32> to vector<1xf32>
          %squeeze3A_693 = vector.extract %slice3A_692[0] : f32 from vector<1xf32>
          %max3A_694 = arith.maximumf %max3A_691, %squeeze3A_693 : f32
          %slice3A_695 = vector.extract_strided_slice %select_n3A_653 {offsets = [14], sizes = [1], strides = [1]} : vector<16xf32> to vector<1xf32>
          %squeeze3A_696 = vector.extract %slice3A_695[0] : f32 from vector<1xf32>
          %max3A_697 = arith.maximumf %max3A_694, %squeeze3A_696 : f32
          %slice3A_698 = vector.extract_strided_slice %select_n3A_653 {offsets = [15], sizes = [1], strides = [1]} : vector<16xf32> to vector<1xf32>
          %squeeze3A_699 = vector.extract %slice3A_698[0] : f32 from vector<1xf32>
          %max3A_700 = arith.maximumf %max3A_697, %squeeze3A_699 : f32
          %max3A_701 = arith.maximumf %while3A_637, %max3A_700 : f32
          %sub3A_702 = arith.subf %while3A_637, %max3A_701 : f32
          %add3A_703 = vector.broadcast %sub3A_702 : f32 to vector<16xf32>
          %add3A_704 = arith.addf %broadcast_in_dim3A_3, %add3A_703 : vector<16xf32>
          %exp3A = math.exp %add3A_704 : vector<16xf32>
          %lt3A_705 = vector.broadcast %sub3A_643 : i32 to vector<16xi32>
          %lt3A_706 = arith.cmpi slt, %iota3A, %lt3A_705 : vector<16xi32>
          %sub3A_707 = vector.broadcast %max3A_701 : f32 to vector<16xf32>
          %sub3A_708 = arith.subf %get3A_648, %sub3A_707 : vector<16xf32>
          %exp3A_709 = math.exp %sub3A_708 : vector<16xf32>
          %jit3A_710 = arith.constant 0.000000e+00 : f32
          %broadcast_in_dim3A_711 = vector.broadcast %jit3A_710 : f32 to vector<16xf32>
          %select_n3A_712 = arith.select %lt3A_706, %exp3A_709, %broadcast_in_dim3A_711 : vector<16xi1>, vector<16xf32>
          %swap3A_713 = arith.constant 0 : index
          %swap3A_714 = tpu.vector_load %arg9[%swap3A_713] {strides = array<i32>} : memref<32xf32, #tpu.memory_space<vmem>>, vector<16xf32>,
          %swap3A_715 = vector.shape_cast %swap3A_714 : vector<16xf32> to vector<16xf32>
          %swap3A_716 = vector.shape_cast %select_n3A_712 : vector<16xf32> to vector<16xf32>
          tpu.vector_store %arg9[%swap3A_713], %swap3A_716 {strides = array<i32>} : memref<32xf32, #tpu.memory_space<vmem>>, vector<16xf32>,
          %mul3A_717 = arith.mulf %while3A_636, %exp3A : vector<16xf32>
          %add3A_718 = arith.addf %mul3A_717, %select_n3A_712 : vector<16xf32>
          %mul3A_719 = arith.mulf %while3A_620, %exp3A : vector<16xf32>
          %mul3A_720 = arith.mulf %while3A_621, %exp3A : vector<16xf32>
          %mul3A_721 = arith.mulf %while3A_622, %exp3A : vector<16xf32>
          %mul3A_722 = arith.mulf %while3A_623, %exp3A : vector<16xf32>
          %mul3A_723 = arith.mulf %while3A_624, %exp3A : vector<16xf32>
          %mul3A_724 = arith.mulf %while3A_625, %exp3A : vector<16xf32>
          %mul3A_725 = arith.mulf %while3A_626, %exp3A : vector<16xf32>
          %mul3A_726 = arith.mulf %while3A_627, %exp3A : vector<16xf32>
          %min3A_727 = arith.constant 16 : i32
          %min3A_728 = arith.minsi %min3A_727, %sub3A_643 : i32
          %while3A_729 = arith.constant 0 : i32
          %while3A_730 = arith.subi %min3A_728, %while3A_729 : i32
          %while3A_731 = arith.addi %while3A_729, %while3A_730 : i32
          %while3A_732 = arith.constant 1 : i32
          %while3A_733 = arith.divsi %while3A_730, %while3A_732 : i32
          %while3A_734 = arith.muli %while3A_733, %while3A_732 : i32
          %while3A_735 = arith.addi %while3A_729, %while3A_734 : i32
          %while3A_736 = arith.constant 1 : i32
          %while3A_737:24 = scf.for %while3A_740 = %while3A_729 to %while3A_735 step %while3A_736 iter_args(%while3A_741 = %while3A_612, %while3A_742 = %while3A_613, %while3A_743 = %while3A_614, %while3A_744 = %while3A_615, %while3A_745 = %while3A_616, %while3A_746 = %while3A_617, %while3A_747 = %while3A_618, %while3A_748 = %while3A_619, %while3A_749 = %mul3A_719, %while3A_750 = %mul3A_720, %while3A_751 = %mul3A_721, %while3A_752 = %mul3A_722, %while3A_753 = %mul3A_723, %while3A_754 = %mul3A_724, %while3A_755 = %mul3A_725, %while3A_756 = %mul3A_726, %while3A_757 = %while3A_628, %while3A_758 = %while3A_629, %while3A_759 = %while3A_630, %while3A_760 = %while3A_631, %while3A_761 = %while3A_632, %while3A_762 = %while3A_633, %while3A_763 = %while3A_634, %while3A_764 = %while3A_635) -> (vector<16xf32>, vector<16xf32>, vector<16xf32>, vector<16xf32>, vector<16xf32>, vector<16xf32>, vector<16xf32>, vector<16xf32>, vector<16xf32>, vector<16xf32>, vector<16xf32>, vector<16xf32>, vector<16xf32>, vector<16xf32>, vector<16xf32>, vector<16xf32>, vector<16xf32>, vector<16xf32>, vector<16xf32>, vector<16xf32>, vector<16xf32>, vector<16xf32>, vector<16xf32>, vector<16xf32>)  : i32 {
            %get3A_765 = arith.index_cast %while3A_740 : i32 to index
            %get3A_766 = tpu.vector_load %arg9[%get3A_765] {strides = array<i32>} : memref<32xf32, #tpu.memory_space<vmem>>, vector<16xf32>,
            %get3A_767 = vector.shape_cast %get3A_766 : vector<16xf32> to vector<16xf32>
            %slice3A_768 = vector.extract_strided_slice %get3A_767 {offsets = [0], sizes = [1], strides = [1]} : vector<16xf32> to vector<1xf32>
            %squeeze3A_769 = vector.extract %slice3A_768[0] : f32 from vector<1xf32>
            %add3A_770 = arith.addi %add3A_640, %while3A_740 : i32
            %sub3A_771 = arith.subi %add3A_770, %multiple_of3A_542 : i32
            %add3A_772 = arith.addi %select_n3A_180, %sub3A_771 : i32
            %get3A_773 = arith.index_cast %add3A_772 : i32 to index
            %get3A_774 = arith.constant 0 : index
            %get3A_775 = tpu.vector_load %arg6[%get3A_773, %get3A_774] {strides = array<i32>} : memref<256x128xf32, #tpu.memory_space<vmem>>, vector<1x16xf32>,
            %get3A_776 = vector.shape_cast %get3A_775 : vector<1x16xf32> to vector<16xf32>
            %add3A_777 = arith.addf %while3A_741, %get3A_776 : vector<16xf32>
            %mul3A_778 = vector.broadcast %squeeze3A_769 : f32 to vector<16xf32>
            %mul3A_779 = arith.mulf %mul3A_778, %get3A_776 : vector<16xf32>
            %add3A_780 = arith.addf %while3A_749, %mul3A_779 : vector<16xf32>
            %max3A_781 = arith.maximumf %while3A_757, %get3A_776 : vector<16xf32>
            %get3A_782 = arith.index_cast %add3A_772 : i32 to index
            %get3A_783 = arith.constant 16 : index
            %get3A_784 = tpu.vector_load %arg6[%get3A_782, %get3A_783] {strides = array<i32>} : memref<256x128xf32, #tpu.memory_space<vmem>>, vector<1x16xf32>,
            %get3A_785 = vector.shape_cast %get3A_784 : vector<1x16xf32> to vector<16xf32>
            %add3A_786 = arith.addf %while3A_742, %get3A_785 : vector<16xf32>
            %mul3A_787 = vector.broadcast %squeeze3A_769 : f32 to vector<16xf32>
            %mul3A_788 = arith.mulf %mul3A_787, %get3A_785 : vector<16xf32>
            %add3A_789 = arith.addf %while3A_750, %mul3A_788 : vector<16xf32>
            %max3A_790 = arith.maximumf %while3A_758, %get3A_785 : vector<16xf32>
            %get3A_791 = arith.index_cast %add3A_772 : i32 to index
            %get3A_792 = arith.constant 32 : index
            %get3A_793 = tpu.vector_load %arg6[%get3A_791, %get3A_792] {strides = array<i32>} : memref<256x128xf32, #tpu.memory_space<vmem>>, vector<1x16xf32>,
            %get3A_794 = vector.shape_cast %get3A_793 : vector<1x16xf32> to vector<16xf32>
            %add3A_795 = arith.addf %while3A_743, %get3A_794 : vector<16xf32>
            %mul3A_796 = vector.broadcast %squeeze3A_769 : f32 to vector<16xf32>
            %mul3A_797 = arith.mulf %mul3A_796, %get3A_794 : vector<16xf32>
            %add3A_798 = arith.addf %while3A_751, %mul3A_797 : vector<16xf32>
            %max3A_799 = arith.maximumf %while3A_759, %get3A_794 : vector<16xf32>
            %get3A_800 = arith.index_cast %add3A_772 : i32 to index
            %get3A_801 = arith.constant 48 : index
            %get3A_802 = tpu.vector_load %arg6[%get3A_800, %get3A_801] {strides = array<i32>} : memref<256x128xf32, #tpu.memory_space<vmem>>, vector<1x16xf32>,
            %get3A_803 = vector.shape_cast %get3A_802 : vector<1x16xf32> to vector<16xf32>
            %add3A_804 = arith.addf %while3A_744, %get3A_803 : vector<16xf32>
            %mul3A_805 = vector.broadcast %squeeze3A_769 : f32 to vector<16xf32>
            %mul3A_806 = arith.mulf %mul3A_805, %get3A_803 : vector<16xf32>
            %add3A_807 = arith.addf %while3A_752, %mul3A_806 : vector<16xf32>
            %max3A_808 = arith.maximumf %while3A_760, %get3A_803 : vector<16xf32>
            %get3A_809 = arith.index_cast %add3A_772 : i32 to index
            %get3A_810 = arith.constant 64 : index
            %get3A_811 = tpu.vector_load %arg6[%get3A_809, %get3A_810] {strides = array<i32>} : memref<256x128xf32, #tpu.memory_space<vmem>>, vector<1x16xf32>,
            %get3A_812 = vector.shape_cast %get3A_811 : vector<1x16xf32> to vector<16xf32>
            %add3A_813 = arith.addf %while3A_745, %get3A_812 : vector<16xf32>
            %mul3A_814 = vector.broadcast %squeeze3A_769 : f32 to vector<16xf32>
            %mul3A_815 = arith.mulf %mul3A_814, %get3A_812 : vector<16xf32>
            %add3A_816 = arith.addf %while3A_753, %mul3A_815 : vector<16xf32>
            %max3A_817 = arith.maximumf %while3A_761, %get3A_812 : vector<16xf32>
            %get3A_818 = arith.index_cast %add3A_772 : i32 to index
            %get3A_819 = arith.constant 80 : index
            %get3A_820 = tpu.vector_load %arg6[%get3A_818, %get3A_819] {strides = array<i32>} : memref<256x128xf32, #tpu.memory_space<vmem>>, vector<1x16xf32>,
            %get3A_821 = vector.shape_cast %get3A_820 : vector<1x16xf32> to vector<16xf32>
            %add3A_822 = arith.addf %while3A_746, %get3A_821 : vector<16xf32>
            %mul3A_823 = vector.broadcast %squeeze3A_769 : f32 to vector<16xf32>
            %mul3A_824 = arith.mulf %mul3A_823, %get3A_821 : vector<16xf32>
            %add3A_825 = arith.addf %while3A_754, %mul3A_824 : vector<16xf32>
            %max3A_826 = arith.maximumf %while3A_762, %get3A_821 : vector<16xf32>
            %get3A_827 = arith.index_cast %add3A_772 : i32 to index
            %get3A_828 = arith.constant 96 : index
            %get3A_829 = tpu.vector_load %arg6[%get3A_827, %get3A_828] {strides = array<i32>} : memref<256x128xf32, #tpu.memory_space<vmem>>, vector<1x16xf32>,
            %get3A_830 = vector.shape_cast %get3A_829 : vector<1x16xf32> to vector<16xf32>
            %add3A_831 = arith.addf %while3A_747, %get3A_830 : vector<16xf32>
            %mul3A_832 = vector.broadcast %squeeze3A_769 : f32 to vector<16xf32>
            %mul3A_833 = arith.mulf %mul3A_832, %get3A_830 : vector<16xf32>
            %add3A_834 = arith.addf %while3A_755, %mul3A_833 : vector<16xf32>
            %max3A_835 = arith.maximumf %while3A_763, %get3A_830 : vector<16xf32>
            %get3A_836 = arith.index_cast %add3A_772 : i32 to index
            %get3A_837 = arith.constant 112 : index
            %get3A_838 = tpu.vector_load %arg6[%get3A_836, %get3A_837] {strides = array<i32>} : memref<256x128xf32, #tpu.memory_space<vmem>>, vector<1x16xf32>,
            %get3A_839 = vector.shape_cast %get3A_838 : vector<1x16xf32> to vector<16xf32>
            %add3A_840 = arith.addf %while3A_748, %get3A_839 : vector<16xf32>
            %mul3A_841 = vector.broadcast %squeeze3A_769 : f32 to vector<16xf32>
            %mul3A_842 = arith.mulf %mul3A_841, %get3A_839 : vector<16xf32>
            %add3A_843 = arith.addf %while3A_756, %mul3A_842 : vector<16xf32>
            %max3A_844 = arith.maximumf %while3A_764, %get3A_839 : vector<16xf32>
            scf.yield %add3A_777, %add3A_786, %add3A_795, %add3A_804, %add3A_813, %add3A_822, %add3A_831, %add3A_840, %add3A_780, %add3A_789, %add3A_798, %add3A_807, %add3A_816, %add3A_825, %add3A_834, %add3A_843, %max3A_781, %max3A_790, %max3A_799, %max3A_808, %max3A_817, %max3A_826, %max3A_835, %max3A_844 : vector<16xf32>, vector<16xf32>, vector<16xf32>, vector<16xf32>, vector<16xf32>, vector<16xf32>, vector<16xf32>, vector<16xf32>, vector<16xf32>, vector<16xf32>, vector<16xf32>, vector<16xf32>, vector<16xf32>, vector<16xf32>, vector<16xf32>, vector<16xf32>, vector<16xf32>, vector<16xf32>, vector<16xf32>, vector<16xf32>, vector<16xf32>, vector<16xf32>, vector<16xf32>, vector<16xf32>
          }
          %while3A_738 = arith.constant 1 : i32
          %while3A_739:24 = scf.for %while3A_740 = %while3A_735 to %while3A_731 step %while3A_738 iter_args(%while3A_741 = %while3A_737#0, %while3A_742 = %while3A_737#1, %while3A_743 = %while3A_737#2, %while3A_744 = %while3A_737#3, %while3A_745 = %while3A_737#4, %while3A_746 = %while3A_737#5, %while3A_747 = %while3A_737#6, %while3A_748 = %while3A_737#7, %while3A_749 = %while3A_737#8, %while3A_750 = %while3A_737#9, %while3A_751 = %while3A_737#10, %while3A_752 = %while3A_737#11, %while3A_753 = %while3A_737#12, %while3A_754 = %while3A_737#13, %while3A_755 = %while3A_737#14, %while3A_756 = %while3A_737#15, %while3A_757 = %while3A_737#16, %while3A_758 = %while3A_737#17, %while3A_759 = %while3A_737#18, %while3A_760 = %while3A_737#19, %while3A_761 = %while3A_737#20, %while3A_762 = %while3A_737#21, %while3A_763 = %while3A_737#22, %while3A_764 = %while3A_737#23) -> (vector<16xf32>, vector<16xf32>, vector<16xf32>, vector<16xf32>, vector<16xf32>, vector<16xf32>, vector<16xf32>, vector<16xf32>, vector<16xf32>, vector<16xf32>, vector<16xf32>, vector<16xf32>, vector<16xf32>, vector<16xf32>, vector<16xf32>, vector<16xf32>, vector<16xf32>, vector<16xf32>, vector<16xf32>, vector<16xf32>, vector<16xf32>, vector<16xf32>, vector<16xf32>, vector<16xf32>)  : i32 {
            %get3A_765 = arith.index_cast %while3A_740 : i32 to index
            %get3A_766 = tpu.vector_load %arg9[%get3A_765] {strides = array<i32>} : memref<32xf32, #tpu.memory_space<vmem>>, vector<16xf32>,
            %get3A_767 = vector.shape_cast %get3A_766 : vector<16xf32> to vector<16xf32>
            %slice3A_768 = vector.extract_strided_slice %get3A_767 {offsets = [0], sizes = [1], strides = [1]} : vector<16xf32> to vector<1xf32>
            %squeeze3A_769 = vector.extract %slice3A_768[0] : f32 from vector<1xf32>
            %add3A_770 = arith.addi %add3A_640, %while3A_740 : i32
            %sub3A_771 = arith.subi %add3A_770, %multiple_of3A_542 : i32
            %add3A_772 = arith.addi %select_n3A_180, %sub3A_771 : i32
            %get3A_773 = arith.index_cast %add3A_772 : i32 to index
            %get3A_774 = arith.constant 0 : index
            %get3A_775 = tpu.vector_load %arg6[%get3A_773, %get3A_774] {strides = array<i32>} : memref<256x128xf32, #tpu.memory_space<vmem>>, vector<1x16xf32>,
            %get3A_776 = vector.shape_cast %get3A_775 : vector<1x16xf32> to vector<16xf32>
            %add3A_777 = arith.addf %while3A_741, %get3A_776 : vector<16xf32>
            %mul3A_778 = vector.broadcast %squeeze3A_769 : f32 to vector<16xf32>
            %mul3A_779 = arith.mulf %mul3A_778, %get3A_776 : vector<16xf32>
            %add3A_780 = arith.addf %while3A_749, %mul3A_779 : vector<16xf32>
            %max3A_781 = arith.maximumf %while3A_757, %get3A_776 : vector<16xf32>
            %get3A_782 = arith.index_cast %add3A_772 : i32 to index
            %get3A_783 = arith.constant 16 : index
            %get3A_784 = tpu.vector_load %arg6[%get3A_782, %get3A_783] {strides = array<i32>} : memref<256x128xf32, #tpu.memory_space<vmem>>, vector<1x16xf32>,
            %get3A_785 = vector.shape_cast %get3A_784 : vector<1x16xf32> to vector<16xf32>
            %add3A_786 = arith.addf %while3A_742, %get3A_785 : vector<16xf32>
            %mul3A_787 = vector.broadcast %squeeze3A_769 : f32 to vector<16xf32>
            %mul3A_788 = arith.mulf %mul3A_787, %get3A_785 : vector<16xf32>
            %add3A_789 = arith.addf %while3A_750, %mul3A_788 : vector<16xf32>
            %max3A_790 = arith.maximumf %while3A_758, %get3A_785 : vector<16xf32>
            %get3A_791 = arith.index_cast %add3A_772 : i32 to index
            %get3A_792 = arith.constant 32 : index
            %get3A_793 = tpu.vector_load %arg6[%get3A_791, %get3A_792] {strides = array<i32>} : memref<256x128xf32, #tpu.memory_space<vmem>>, vector<1x16xf32>,
            %get3A_794 = vector.shape_cast %get3A_793 : vector<1x16xf32> to vector<16xf32>
            %add3A_795 = arith.addf %while3A_743, %get3A_794 : vector<16xf32>
            %mul3A_796 = vector.broadcast %squeeze3A_769 : f32 to vector<16xf32>
            %mul3A_797 = arith.mulf %mul3A_796, %get3A_794 : vector<16xf32>
            %add3A_798 = arith.addf %while3A_751, %mul3A_797 : vector<16xf32>
            %max3A_799 = arith.maximumf %while3A_759, %get3A_794 : vector<16xf32>
            %get3A_800 = arith.index_cast %add3A_772 : i32 to index
            %get3A_801 = arith.constant 48 : index
            %get3A_802 = tpu.vector_load %arg6[%get3A_800, %get3A_801] {strides = array<i32>} : memref<256x128xf32, #tpu.memory_space<vmem>>, vector<1x16xf32>,
            %get3A_803 = vector.shape_cast %get3A_802 : vector<1x16xf32> to vector<16xf32>
            %add3A_804 = arith.addf %while3A_744, %get3A_803 : vector<16xf32>
            %mul3A_805 = vector.broadcast %squeeze3A_769 : f32 to vector<16xf32>
            %mul3A_806 = arith.mulf %mul3A_805, %get3A_803 : vector<16xf32>
            %add3A_807 = arith.addf %while3A_752, %mul3A_806 : vector<16xf32>
            %max3A_808 = arith.maximumf %while3A_760, %get3A_803 : vector<16xf32>
            %get3A_809 = arith.index_cast %add3A_772 : i32 to index
            %get3A_810 = arith.constant 64 : index
            %get3A_811 = tpu.vector_load %arg6[%get3A_809, %get3A_810] {strides = array<i32>} : memref<256x128xf32, #tpu.memory_space<vmem>>, vector<1x16xf32>,
            %get3A_812 = vector.shape_cast %get3A_811 : vector<1x16xf32> to vector<16xf32>
            %add3A_813 = arith.addf %while3A_745, %get3A_812 : vector<16xf32>
            %mul3A_814 = vector.broadcast %squeeze3A_769 : f32 to vector<16xf32>
            %mul3A_815 = arith.mulf %mul3A_814, %get3A_812 : vector<16xf32>
            %add3A_816 = arith.addf %while3A_753, %mul3A_815 : vector<16xf32>
            %max3A_817 = arith.maximumf %while3A_761, %get3A_812 : vector<16xf32>
            %get3A_818 = arith.index_cast %add3A_772 : i32 to index
            %get3A_819 = arith.constant 80 : index
            %get3A_820 = tpu.vector_load %arg6[%get3A_818, %get3A_819] {strides = array<i32>} : memref<256x128xf32, #tpu.memory_space<vmem>>, vector<1x16xf32>,
            %get3A_821 = vector.shape_cast %get3A_820 : vector<1x16xf32> to vector<16xf32>
            %add3A_822 = arith.addf %while3A_746, %get3A_821 : vector<16xf32>
            %mul3A_823 = vector.broadcast %squeeze3A_769 : f32 to vector<16xf32>
            %mul3A_824 = arith.mulf %mul3A_823, %get3A_821 : vector<16xf32>
            %add3A_825 = arith.addf %while3A_754, %mul3A_824 : vector<16xf32>
            %max3A_826 = arith.maximumf %while3A_762, %get3A_821 : vector<16xf32>
            %get3A_827 = arith.index_cast %add3A_772 : i32 to index
            %get3A_828 = arith.constant 96 : index
            %get3A_829 = tpu.vector_load %arg6[%get3A_827, %get3A_828] {strides = array<i32>} : memref<256x128xf32, #tpu.memory_space<vmem>>, vector<1x16xf32>,
            %get3A_830 = vector.shape_cast %get3A_829 : vector<1x16xf32> to vector<16xf32>
            %add3A_831 = arith.addf %while3A_747, %get3A_830 : vector<16xf32>
            %mul3A_832 = vector.broadcast %squeeze3A_769 : f32 to vector<16xf32>
            %mul3A_833 = arith.mulf %mul3A_832, %get3A_830 : vector<16xf32>
            %add3A_834 = arith.addf %while3A_755, %mul3A_833 : vector<16xf32>
            %max3A_835 = arith.maximumf %while3A_763, %get3A_830 : vector<16xf32>
            %get3A_836 = arith.index_cast %add3A_772 : i32 to index
            %get3A_837 = arith.constant 112 : index
            %get3A_838 = tpu.vector_load %arg6[%get3A_836, %get3A_837] {strides = array<i32>} : memref<256x128xf32, #tpu.memory_space<vmem>>, vector<1x16xf32>,
            %get3A_839 = vector.shape_cast %get3A_838 : vector<1x16xf32> to vector<16xf32>
            %add3A_840 = arith.addf %while3A_748, %get3A_839 : vector<16xf32>
            %mul3A_841 = vector.broadcast %squeeze3A_769 : f32 to vector<16xf32>
            %mul3A_842 = arith.mulf %mul3A_841, %get3A_839 : vector<16xf32>
            %add3A_843 = arith.addf %while3A_756, %mul3A_842 : vector<16xf32>
            %max3A_844 = arith.maximumf %while3A_764, %get3A_839 : vector<16xf32>
            scf.yield %add3A_777, %add3A_786, %add3A_795, %add3A_804, %add3A_813, %add3A_822, %add3A_831, %add3A_840, %add3A_780, %add3A_789, %add3A_798, %add3A_807, %add3A_816, %add3A_825, %add3A_834, %add3A_843, %max3A_781, %max3A_790, %max3A_799, %max3A_808, %max3A_817, %max3A_826, %max3A_835, %max3A_844 : vector<16xf32>, vector<16xf32>, vector<16xf32>, vector<16xf32>, vector<16xf32>, vector<16xf32>, vector<16xf32>, vector<16xf32>, vector<16xf32>, vector<16xf32>, vector<16xf32>, vector<16xf32>, vector<16xf32>, vector<16xf32>, vector<16xf32>, vector<16xf32>, vector<16xf32>, vector<16xf32>, vector<16xf32>, vector<16xf32>, vector<16xf32>, vector<16xf32>, vector<16xf32>, vector<16xf32>
          }
          scf.yield %while3A_739#0, %while3A_739#1, %while3A_739#2, %while3A_739#3, %while3A_739#4, %while3A_739#5, %while3A_739#6, %while3A_739#7, %while3A_739#8, %while3A_739#9, %while3A_739#10, %while3A_739#11, %while3A_739#12, %while3A_739#13, %while3A_739#14, %while3A_739#15, %while3A_739#16, %while3A_739#17, %while3A_739#18, %while3A_739#19, %while3A_739#20, %while3A_739#21, %while3A_739#22, %while3A_739#23, %add3A_718, %max3A_701 : vector<16xf32>, vector<16xf32>, vector<16xf32>, vector<16xf32>, vector<16xf32>, vector<16xf32>, vector<16xf32>, vector<16xf32>, vector<16xf32>, vector<16xf32>, vector<16xf32>, vector<16xf32>, vector<16xf32>, vector<16xf32>, vector<16xf32>, vector<16xf32>, vector<16xf32>, vector<16xf32>, vector<16xf32>, vector<16xf32>, vector<16xf32>, vector<16xf32>, vector<16xf32>, vector<16xf32>, vector<16xf32>, f32
        }
        scf.yield %while3A_610#0, %while3A_610#1, %while3A_610#2, %while3A_610#3, %while3A_610#4, %while3A_610#5, %while3A_610#6, %while3A_610#7, %while3A_610#8, %while3A_610#9, %while3A_610#10, %while3A_610#11, %while3A_610#12, %while3A_610#13, %while3A_610#14, %while3A_610#15, %while3A_610#16, %while3A_610#17, %while3A_610#18, %while3A_610#19, %while3A_610#20, %while3A_610#21, %while3A_610#22, %while3A_610#23, %while3A_610#24, %while3A_610#25 : vector<16xf32>, vector<16xf32>, vector<16xf32>, vector<16xf32>, vector<16xf32>, vector<16xf32>, vector<16xf32>, vector<16xf32>, vector<16xf32>, vector<16xf32>, vector<16xf32>, vector<16xf32>, vector<16xf32>, vector<16xf32>, vector<16xf32>, vector<16xf32>, vector<16xf32>, vector<16xf32>, vector<16xf32>, vector<16xf32>, vector<16xf32>, vector<16xf32>, vector<16xf32>, vector<16xf32>, vector<16xf32>, f32
      }
      %slice3A_263 = vector.extract_strided_slice %while3A_262#24 {offsets = [0], sizes = [1], strides = [1]} : vector<16xf32> to vector<1xf32>
      %squeeze3A_264 = vector.extract %slice3A_263[0] : f32 from vector<1xf32>
      %slice3A_265 = vector.extract_strided_slice %while3A_262#24 {offsets = [1], sizes = [1], strides = [1]} : vector<16xf32> to vector<1xf32>
      %squeeze3A_266 = vector.extract %slice3A_265[0] : f32 from vector<1xf32>
      %add3A_267 = arith.addf %squeeze3A_264, %squeeze3A_266 : f32
      %slice3A_268 = vector.extract_strided_slice %while3A_262#24 {offsets = [2], sizes = [1], strides = [1]} : vector<16xf32> to vector<1xf32>
      %squeeze3A_269 = vector.extract %slice3A_268[0] : f32 from vector<1xf32>
      %add3A_270 = arith.addf %add3A_267, %squeeze3A_269 : f32
      %slice3A_271 = vector.extract_strided_slice %while3A_262#24 {offsets = [3], sizes = [1], strides = [1]} : vector<16xf32> to vector<1xf32>
      %squeeze3A_272 = vector.extract %slice3A_271[0] : f32 from vector<1xf32>
      %add3A_273 = arith.addf %add3A_270, %squeeze3A_272 : f32
      %slice3A_274 = vector.extract_strided_slice %while3A_262#24 {offsets = [4], sizes = [1], strides = [1]} : vector<16xf32> to vector<1xf32>
      %squeeze3A_275 = vector.extract %slice3A_274[0] : f32 from vector<1xf32>
      %add3A_276 = arith.addf %add3A_273, %squeeze3A_275 : f32
      %slice3A_277 = vector.extract_strided_slice %while3A_262#24 {offsets = [5], sizes = [1], strides = [1]} : vector<16xf32> to vector<1xf32>
      %squeeze3A_278 = vector.extract %slice3A_277[0] : f32 from vector<1xf32>
      %add3A_279 = arith.addf %add3A_276, %squeeze3A_278 : f32
      %slice3A_280 = vector.extract_strided_slice %while3A_262#24 {offsets = [6], sizes = [1], strides = [1]} : vector<16xf32> to vector<1xf32>
      %squeeze3A_281 = vector.extract %slice3A_280[0] : f32 from vector<1xf32>
      %add3A_282 = arith.addf %add3A_279, %squeeze3A_281 : f32
      %slice3A_283 = vector.extract_strided_slice %while3A_262#24 {offsets = [7], sizes = [1], strides = [1]} : vector<16xf32> to vector<1xf32>
      %squeeze3A_284 = vector.extract %slice3A_283[0] : f32 from vector<1xf32>
      %add3A_285 = arith.addf %add3A_282, %squeeze3A_284 : f32
      %slice3A_286 = vector.extract_strided_slice %while3A_262#24 {offsets = [8], sizes = [1], strides = [1]} : vector<16xf32> to vector<1xf32>
      %squeeze3A_287 = vector.extract %slice3A_286[0] : f32 from vector<1xf32>
      %add3A_288 = arith.addf %add3A_285, %squeeze3A_287 : f32
      %slice3A_289 = vector.extract_strided_slice %while3A_262#24 {offsets = [9], sizes = [1], strides = [1]} : vector<16xf32> to vector<1xf32>
      %squeeze3A_290 = vector.extract %slice3A_289[0] : f32 from vector<1xf32>
      %add3A_291 = arith.addf %add3A_288, %squeeze3A_290 : f32
      %slice3A_292 = vector.extract_strided_slice %while3A_262#24 {offsets = [10], sizes = [1], strides = [1]} : vector<16xf32> to vector<1xf32>
      %squeeze3A_293 = vector.extract %slice3A_292[0] : f32 from vector<1xf32>
      %add3A_294 = arith.addf %add3A_291, %squeeze3A_293 : f32
      %slice3A_295 = vector.extract_strided_slice %while3A_262#24 {offsets = [11], sizes = [1], strides = [1]} : vector<16xf32> to vector<1xf32>
      %squeeze3A_296 = vector.extract %slice3A_295[0] : f32 from vector<1xf32>
      %add3A_297 = arith.addf %add3A_294, %squeeze3A_296 : f32
      %slice3A_298 = vector.extract_strided_slice %while3A_262#24 {offsets = [12], sizes = [1], strides = [1]} : vector<16xf32> to vector<1xf32>
      %squeeze3A_299 = vector.extract %slice3A_298[0] : f32 from vector<1xf32>
      %add3A_300 = arith.addf %add3A_297, %squeeze3A_299 : f32
      %slice3A_301 = vector.extract_strided_slice %while3A_262#24 {offsets = [13], sizes = [1], strides = [1]} : vector<16xf32> to vector<1xf32>
      %squeeze3A_302 = vector.extract %slice3A_301[0] : f32 from vector<1xf32>
      %add3A_303 = arith.addf %add3A_300, %squeeze3A_302 : f32
      %slice3A_304 = vector.extract_strided_slice %while3A_262#24 {offsets = [14], sizes = [1], strides = [1]} : vector<16xf32> to vector<1xf32>
      %squeeze3A_305 = vector.extract %slice3A_304[0] : f32 from vector<1xf32>
      %add3A_306 = arith.addf %add3A_303, %squeeze3A_305 : f32
      %slice3A_307 = vector.extract_strided_slice %while3A_262#24 {offsets = [15], sizes = [1], strides = [1]} : vector<16xf32> to vector<1xf32>
      %squeeze3A_308 = vector.extract %slice3A_307[0] : f32 from vector<1xf32>
      %add3A_309 = arith.addf %add3A_306, %squeeze3A_308 : f32
      %add3A_310 = arith.constant 1.000000e+00 : f32
      %add3A_311 = vector.broadcast %add3A_310 : f32 to vector<16xf32>
      %add3A_312 = arith.addf %broadcast_in_dim3A_3, %add3A_311 : vector<16xf32>
      %convert_element_type3A_313 = arith.sitofp %sub3A_86 : i32 to f32
      %max3A = arith.constant 1.000000e+00 : f32
      %max3A_314 = arith.maximumf %convert_element_type3A_313, %max3A : f32
      %add3A_315 = vector.broadcast %max3A_314 : f32 to vector<16xf32>
      %add3A_316 = arith.addf %broadcast_in_dim3A_3, %add3A_315 : vector<16xf32>
      %div3A_317 = arith.divf %add3A_312, %add3A_316 : vector<16xf32>
      %add3A_318 = vector.broadcast %add3A_309 : f32 to vector<16xf32>
      %add3A_319 = arith.addf %broadcast_in_dim3A_3, %add3A_318 : vector<16xf32>
      %add3A_320 = arith.constant 1.000000e-16 : f32
      %add3A_321 = vector.broadcast %add3A_320 : f32 to vector<16xf32>
      %add3A_322 = arith.addf %add3A_319, %add3A_321 : vector<16xf32>
      %div3A_323 = arith.divf %add3A_312, %add3A_322 : vector<16xf32>
      %mul3A_324 = arith.mulf %while3A_262#0, %div3A_317 : vector<16xf32>
      %swap3A = arith.index_cast %scan3A_77 : i32 to index
      %swap3A_325 = arith.constant 0 : index
      %swap3A_326 = tpu.vector_load %arg8[%swap3A, %swap3A_325] {strides = array<i32>} : memref<32x384xf32, #tpu.memory_space<vmem>>, vector<1x16xf32>,
      %swap3A_327 = vector.shape_cast %swap3A_326 : vector<1x16xf32> to vector<16xf32>
      %swap3A_328 = vector.shape_cast %mul3A_324 : vector<16xf32> to vector<1x16xf32>
      tpu.vector_store %arg8[%swap3A, %swap3A_325], %swap3A_328 {strides = array<i32>} : memref<32x384xf32, #tpu.memory_space<vmem>>, vector<1x16xf32>,
      %mul3A_329 = arith.mulf %while3A_262#8, %div3A_323 : vector<16xf32>
      %swap3A_330 = arith.index_cast %scan3A_77 : i32 to index
      %swap3A_331 = arith.constant 128 : index
      %swap3A_332 = tpu.vector_load %arg8[%swap3A_330, %swap3A_331] {strides = array<i32>} : memref<32x384xf32, #tpu.memory_space<vmem>>, vector<1x16xf32>,
      %swap3A_333 = vector.shape_cast %swap3A_332 : vector<1x16xf32> to vector<16xf32>
      %swap3A_334 = vector.shape_cast %mul3A_329 : vector<16xf32> to vector<1x16xf32>
      tpu.vector_store %arg8[%swap3A_330, %swap3A_331], %swap3A_334 {strides = array<i32>} : memref<32x384xf32, #tpu.memory_space<vmem>>, vector<1x16xf32>,
      %eq3A_335 = arith.constant 0xFF800000 : f32
      %eq3A_336 = vector.broadcast %eq3A_335 : f32 to vector<16xf32>
      %eq3A_337 = arith.cmpf oeq, %while3A_262#16, %eq3A_336 : vector<16xf32>
      %jit3A_338 = arith.constant 0.000000e+00 : f32
      %broadcast_in_dim3A_339 = vector.broadcast %jit3A_338 : f32 to vector<16xf32>
      %select_n3A_340 = arith.select %eq3A_337, %broadcast_in_dim3A_339, %while3A_262#16 : vector<16xi1>, vector<16xf32>
      %swap3A_341 = arith.index_cast %scan3A_77 : i32 to index
      %swap3A_342 = arith.constant 256 : index
      %swap3A_343 = tpu.vector_load %arg8[%swap3A_341, %swap3A_342] {strides = array<i32>} : memref<32x384xf32, #tpu.memory_space<vmem>>, vector<1x16xf32>,
      %swap3A_344 = vector.shape_cast %swap3A_343 : vector<1x16xf32> to vector<16xf32>
      %swap3A_345 = vector.shape_cast %select_n3A_340 : vector<16xf32> to vector<1x16xf32>
      tpu.vector_store %arg8[%swap3A_341, %swap3A_342], %swap3A_345 {strides = array<i32>} : memref<32x384xf32, #tpu.memory_space<vmem>>, vector<1x16xf32>,
      %mul3A_346 = arith.mulf %while3A_262#1, %div3A_317 : vector<16xf32>
      %swap3A_347 = arith.index_cast %scan3A_77 : i32 to index
      %swap3A_348 = arith.constant 16 : index
      %swap3A_349 = tpu.vector_load %arg8[%swap3A_347, %swap3A_348] {strides = array<i32>} : memref<32x384xf32, #tpu.memory_space<vmem>>, vector<1x16xf32>,
      %swap3A_350 = vector.shape_cast %swap3A_349 : vector<1x16xf32> to vector<16xf32>
      %swap3A_351 = vector.shape_cast %mul3A_346 : vector<16xf32> to vector<1x16xf32>
      tpu.vector_store %arg8[%swap3A_347, %swap3A_348], %swap3A_351 {strides = array<i32>} : memref<32x384xf32, #tpu.memory_space<vmem>>, vector<1x16xf32>,
      %mul3A_352 = arith.mulf %while3A_262#9, %div3A_323 : vector<16xf32>
      %swap3A_353 = arith.index_cast %scan3A_77 : i32 to index
      %swap3A_354 = arith.constant 144 : index
      %swap3A_355 = tpu.vector_load %arg8[%swap3A_353, %swap3A_354] {strides = array<i32>} : memref<32x384xf32, #tpu.memory_space<vmem>>, vector<1x16xf32>,
      %swap3A_356 = vector.shape_cast %swap3A_355 : vector<1x16xf32> to vector<16xf32>
      %swap3A_357 = vector.shape_cast %mul3A_352 : vector<16xf32> to vector<1x16xf32>
      tpu.vector_store %arg8[%swap3A_353, %swap3A_354], %swap3A_357 {strides = array<i32>} : memref<32x384xf32, #tpu.memory_space<vmem>>, vector<1x16xf32>,
      %eq3A_358 = arith.constant 0xFF800000 : f32
      %eq3A_359 = vector.broadcast %eq3A_358 : f32 to vector<16xf32>
      %eq3A_360 = arith.cmpf oeq, %while3A_262#17, %eq3A_359 : vector<16xf32>
      %jit3A_361 = arith.constant 0.000000e+00 : f32
      %broadcast_in_dim3A_362 = vector.broadcast %jit3A_361 : f32 to vector<16xf32>
      %select_n3A_363 = arith.select %eq3A_360, %broadcast_in_dim3A_362, %while3A_262#17 : vector<16xi1>, vector<16xf32>
      %swap3A_364 = arith.index_cast %scan3A_77 : i32 to index
      %swap3A_365 = arith.constant 272 : index
      %swap3A_366 = tpu.vector_load %arg8[%swap3A_364, %swap3A_365] {strides = array<i32>} : memref<32x384xf32, #tpu.memory_space<vmem>>, vector<1x16xf32>,
      %swap3A_367 = vector.shape_cast %swap3A_366 : vector<1x16xf32> to vector<16xf32>
      %swap3A_368 = vector.shape_cast %select_n3A_363 : vector<16xf32> to vector<1x16xf32>
      tpu.vector_store %arg8[%swap3A_364, %swap3A_365], %swap3A_368 {strides = array<i32>} : memref<32x384xf32, #tpu.memory_space<vmem>>, vector<1x16xf32>,
      %mul3A_369 = arith.mulf %while3A_262#2, %div3A_317 : vector<16xf32>
      %swap3A_370 = arith.index_cast %scan3A_77 : i32 to index
      %swap3A_371 = arith.constant 32 : index
      %swap3A_372 = tpu.vector_load %arg8[%swap3A_370, %swap3A_371] {strides = array<i32>} : memref<32x384xf32, #tpu.memory_space<vmem>>, vector<1x16xf32>,
      %swap3A_373 = vector.shape_cast %swap3A_372 : vector<1x16xf32> to vector<16xf32>
      %swap3A_374 = vector.shape_cast %mul3A_369 : vector<16xf32> to vector<1x16xf32>
      tpu.vector_store %arg8[%swap3A_370, %swap3A_371], %swap3A_374 {strides = array<i32>} : memref<32x384xf32, #tpu.memory_space<vmem>>, vector<1x16xf32>,
      %mul3A_375 = arith.mulf %while3A_262#10, %div3A_323 : vector<16xf32>
      %swap3A_376 = arith.index_cast %scan3A_77 : i32 to index
      %swap3A_377 = arith.constant 160 : index
      %swap3A_378 = tpu.vector_load %arg8[%swap3A_376, %swap3A_377] {strides = array<i32>} : memref<32x384xf32, #tpu.memory_space<vmem>>, vector<1x16xf32>,
      %swap3A_379 = vector.shape_cast %swap3A_378 : vector<1x16xf32> to vector<16xf32>
      %swap3A_380 = vector.shape_cast %mul3A_375 : vector<16xf32> to vector<1x16xf32>
      tpu.vector_store %arg8[%swap3A_376, %swap3A_377], %swap3A_380 {strides = array<i32>} : memref<32x384xf32, #tpu.memory_space<vmem>>, vector<1x16xf32>,
      %eq3A_381 = arith.constant 0xFF800000 : f32
      %eq3A_382 = vector.broadcast %eq3A_381 : f32 to vector<16xf32>
      %eq3A_383 = arith.cmpf oeq, %while3A_262#18, %eq3A_382 : vector<16xf32>
      %jit3A_384 = arith.constant 0.000000e+00 : f32
      %broadcast_in_dim3A_385 = vector.broadcast %jit3A_384 : f32 to vector<16xf32>
      %select_n3A_386 = arith.select %eq3A_383, %broadcast_in_dim3A_385, %while3A_262#18 : vector<16xi1>, vector<16xf32>
      %swap3A_387 = arith.index_cast %scan3A_77 : i32 to index
      %swap3A_388 = arith.constant 288 : index
      %swap3A_389 = tpu.vector_load %arg8[%swap3A_387, %swap3A_388] {strides = array<i32>} : memref<32x384xf32, #tpu.memory_space<vmem>>, vector<1x16xf32>,
      %swap3A_390 = vector.shape_cast %swap3A_389 : vector<1x16xf32> to vector<16xf32>
      %swap3A_391 = vector.shape_cast %select_n3A_386 : vector<16xf32> to vector<1x16xf32>
      tpu.vector_store %arg8[%swap3A_387, %swap3A_388], %swap3A_391 {strides = array<i32>} : memref<32x384xf32, #tpu.memory_space<vmem>>, vector<1x16xf32>,
      %mul3A_392 = arith.mulf %while3A_262#3, %div3A_317 : vector<16xf32>
      %swap3A_393 = arith.index_cast %scan3A_77 : i32 to index
      %swap3A_394 = arith.constant 48 : index
      %swap3A_395 = tpu.vector_load %arg8[%swap3A_393, %swap3A_394] {strides = array<i32>} : memref<32x384xf32, #tpu.memory_space<vmem>>, vector<1x16xf32>,
      %swap3A_396 = vector.shape_cast %swap3A_395 : vector<1x16xf32> to vector<16xf32>
      %swap3A_397 = vector.shape_cast %mul3A_392 : vector<16xf32> to vector<1x16xf32>
      tpu.vector_store %arg8[%swap3A_393, %swap3A_394], %swap3A_397 {strides = array<i32>} : memref<32x384xf32, #tpu.memory_space<vmem>>, vector<1x16xf32>,
      %mul3A_398 = arith.mulf %while3A_262#11, %div3A_323 : vector<16xf32>
      %swap3A_399 = arith.index_cast %scan3A_77 : i32 to index
      %swap3A_400 = arith.constant 176 : index
      %swap3A_401 = tpu.vector_load %arg8[%swap3A_399, %swap3A_400] {strides = array<i32>} : memref<32x384xf32, #tpu.memory_space<vmem>>, vector<1x16xf32>,
      %swap3A_402 = vector.shape_cast %swap3A_401 : vector<1x16xf32> to vector<16xf32>
      %swap3A_403 = vector.shape_cast %mul3A_398 : vector<16xf32> to vector<1x16xf32>
      tpu.vector_store %arg8[%swap3A_399, %swap3A_400], %swap3A_403 {strides = array<i32>} : memref<32x384xf32, #tpu.memory_space<vmem>>, vector<1x16xf32>,
      %eq3A_404 = arith.constant 0xFF800000 : f32
      %eq3A_405 = vector.broadcast %eq3A_404 : f32 to vector<16xf32>
      %eq3A_406 = arith.cmpf oeq, %while3A_262#19, %eq3A_405 : vector<16xf32>
      %jit3A_407 = arith.constant 0.000000e+00 : f32
      %broadcast_in_dim3A_408 = vector.broadcast %jit3A_407 : f32 to vector<16xf32>
      %select_n3A_409 = arith.select %eq3A_406, %broadcast_in_dim3A_408, %while3A_262#19 : vector<16xi1>, vector<16xf32>
      %swap3A_410 = arith.index_cast %scan3A_77 : i32 to index
      %swap3A_411 = arith.constant 304 : index
      %swap3A_412 = tpu.vector_load %arg8[%swap3A_410, %swap3A_411] {strides = array<i32>} : memref<32x384xf32, #tpu.memory_space<vmem>>, vector<1x16xf32>,
      %swap3A_413 = vector.shape_cast %swap3A_412 : vector<1x16xf32> to vector<16xf32>
      %swap3A_414 = vector.shape_cast %select_n3A_409 : vector<16xf32> to vector<1x16xf32>
      tpu.vector_store %arg8[%swap3A_410, %swap3A_411], %swap3A_414 {strides = array<i32>} : memref<32x384xf32, #tpu.memory_space<vmem>>, vector<1x16xf32>,
      %mul3A_415 = arith.mulf %while3A_262#4, %div3A_317 : vector<16xf32>
      %swap3A_416 = arith.index_cast %scan3A_77 : i32 to index
      %swap3A_417 = arith.constant 64 : index
      %swap3A_418 = tpu.vector_load %arg8[%swap3A_416, %swap3A_417] {strides = array<i32>} : memref<32x384xf32, #tpu.memory_space<vmem>>, vector<1x16xf32>,
      %swap3A_419 = vector.shape_cast %swap3A_418 : vector<1x16xf32> to vector<16xf32>
      %swap3A_420 = vector.shape_cast %mul3A_415 : vector<16xf32> to vector<1x16xf32>
      tpu.vector_store %arg8[%swap3A_416, %swap3A_417], %swap3A_420 {strides = array<i32>} : memref<32x384xf32, #tpu.memory_space<vmem>>, vector<1x16xf32>,
      %mul3A_421 = arith.mulf %while3A_262#12, %div3A_323 : vector<16xf32>
      %swap3A_422 = arith.index_cast %scan3A_77 : i32 to index
      %swap3A_423 = arith.constant 192 : index
      %swap3A_424 = tpu.vector_load %arg8[%swap3A_422, %swap3A_423] {strides = array<i32>} : memref<32x384xf32, #tpu.memory_space<vmem>>, vector<1x16xf32>,
      %swap3A_425 = vector.shape_cast %swap3A_424 : vector<1x16xf32> to vector<16xf32>
      %swap3A_426 = vector.shape_cast %mul3A_421 : vector<16xf32> to vector<1x16xf32>
      tpu.vector_store %arg8[%swap3A_422, %swap3A_423], %swap3A_426 {strides = array<i32>} : memref<32x384xf32, #tpu.memory_space<vmem>>, vector<1x16xf32>,
      %eq3A_427 = arith.constant 0xFF800000 : f32
      %eq3A_428 = vector.broadcast %eq3A_427 : f32 to vector<16xf32>
      %eq3A_429 = arith.cmpf oeq, %while3A_262#20, %eq3A_428 : vector<16xf32>
      %jit3A_430 = arith.constant 0.000000e+00 : f32
      %broadcast_in_dim3A_431 = vector.broadcast %jit3A_430 : f32 to vector<16xf32>
      %select_n3A_432 = arith.select %eq3A_429, %broadcast_in_dim3A_431, %while3A_262#20 : vector<16xi1>, vector<16xf32>
      %swap3A_433 = arith.index_cast %scan3A_77 : i32 to index
      %swap3A_434 = arith.constant 320 : index
      %swap3A_435 = tpu.vector_load %arg8[%swap3A_433, %swap3A_434] {strides = array<i32>} : memref<32x384xf32, #tpu.memory_space<vmem>>, vector<1x16xf32>,
      %swap3A_436 = vector.shape_cast %swap3A_435 : vector<1x16xf32> to vector<16xf32>
      %swap3A_437 = vector.shape_cast %select_n3A_432 : vector<16xf32> to vector<1x16xf32>
      tpu.vector_store %arg8[%swap3A_433, %swap3A_434], %swap3A_437 {strides = array<i32>} : memref<32x384xf32, #tpu.memory_space<vmem>>, vector<1x16xf32>,
      %mul3A_438 = arith.mulf %while3A_262#5, %div3A_317 : vector<16xf32>
      %swap3A_439 = arith.index_cast %scan3A_77 : i32 to index
      %swap3A_440 = arith.constant 80 : index
      %swap3A_441 = tpu.vector_load %arg8[%swap3A_439, %swap3A_440] {strides = array<i32>} : memref<32x384xf32, #tpu.memory_space<vmem>>, vector<1x16xf32>,
      %swap3A_442 = vector.shape_cast %swap3A_441 : vector<1x16xf32> to vector<16xf32>
      %swap3A_443 = vector.shape_cast %mul3A_438 : vector<16xf32> to vector<1x16xf32>
      tpu.vector_store %arg8[%swap3A_439, %swap3A_440], %swap3A_443 {strides = array<i32>} : memref<32x384xf32, #tpu.memory_space<vmem>>, vector<1x16xf32>,
      %mul3A_444 = arith.mulf %while3A_262#13, %div3A_323 : vector<16xf32>
      %swap3A_445 = arith.index_cast %scan3A_77 : i32 to index
      %swap3A_446 = arith.constant 208 : index
      %swap3A_447 = tpu.vector_load %arg8[%swap3A_445, %swap3A_446] {strides = array<i32>} : memref<32x384xf32, #tpu.memory_space<vmem>>, vector<1x16xf32>,
      %swap3A_448 = vector.shape_cast %swap3A_447 : vector<1x16xf32> to vector<16xf32>
      %swap3A_449 = vector.shape_cast %mul3A_444 : vector<16xf32> to vector<1x16xf32>
      tpu.vector_store %arg8[%swap3A_445, %swap3A_446], %swap3A_449 {strides = array<i32>} : memref<32x384xf32, #tpu.memory_space<vmem>>, vector<1x16xf32>,
      %eq3A_450 = arith.constant 0xFF800000 : f32
      %eq3A_451 = vector.broadcast %eq3A_450 : f32 to vector<16xf32>
      %eq3A_452 = arith.cmpf oeq, %while3A_262#21, %eq3A_451 : vector<16xf32>
      %jit3A_453 = arith.constant 0.000000e+00 : f32
      %broadcast_in_dim3A_454 = vector.broadcast %jit3A_453 : f32 to vector<16xf32>
      %select_n3A_455 = arith.select %eq3A_452, %broadcast_in_dim3A_454, %while3A_262#21 : vector<16xi1>, vector<16xf32>
      %swap3A_456 = arith.index_cast %scan3A_77 : i32 to index
      %swap3A_457 = arith.constant 336 : index
      %swap3A_458 = tpu.vector_load %arg8[%swap3A_456, %swap3A_457] {strides = array<i32>} : memref<32x384xf32, #tpu.memory_space<vmem>>, vector<1x16xf32>,
      %swap3A_459 = vector.shape_cast %swap3A_458 : vector<1x16xf32> to vector<16xf32>
      %swap3A_460 = vector.shape_cast %select_n3A_455 : vector<16xf32> to vector<1x16xf32>
      tpu.vector_store %arg8[%swap3A_456, %swap3A_457], %swap3A_460 {strides = array<i32>} : memref<32x384xf32, #tpu.memory_space<vmem>>, vector<1x16xf32>,
      %mul3A_461 = arith.mulf %while3A_262#6, %div3A_317 : vector<16xf32>
      %swap3A_462 = arith.index_cast %scan3A_77 : i32 to index
      %swap3A_463 = arith.constant 96 : index
      %swap3A_464 = tpu.vector_load %arg8[%swap3A_462, %swap3A_463] {strides = array<i32>} : memref<32x384xf32, #tpu.memory_space<vmem>>, vector<1x16xf32>,
      %swap3A_465 = vector.shape_cast %swap3A_464 : vector<1x16xf32> to vector<16xf32>
      %swap3A_466 = vector.shape_cast %mul3A_461 : vector<16xf32> to vector<1x16xf32>
      tpu.vector_store %arg8[%swap3A_462, %swap3A_463], %swap3A_466 {strides = array<i32>} : memref<32x384xf32, #tpu.memory_space<vmem>>, vector<1x16xf32>,
      %mul3A_467 = arith.mulf %while3A_262#14, %div3A_323 : vector<16xf32>
      %swap3A_468 = arith.index_cast %scan3A_77 : i32 to index
      %swap3A_469 = arith.constant 224 : index
      %swap3A_470 = tpu.vector_load %arg8[%swap3A_468, %swap3A_469] {strides = array<i32>} : memref<32x384xf32, #tpu.memory_space<vmem>>, vector<1x16xf32>,
      %swap3A_471 = vector.shape_cast %swap3A_470 : vector<1x16xf32> to vector<16xf32>
      %swap3A_472 = vector.shape_cast %mul3A_467 : vector<16xf32> to vector<1x16xf32>
      tpu.vector_store %arg8[%swap3A_468, %swap3A_469], %swap3A_472 {strides = array<i32>} : memref<32x384xf32, #tpu.memory_space<vmem>>, vector<1x16xf32>,
      %eq3A_473 = arith.constant 0xFF800000 : f32
      %eq3A_474 = vector.broadcast %eq3A_473 : f32 to vector<16xf32>
      %eq3A_475 = arith.cmpf oeq, %while3A_262#22, %eq3A_474 : vector<16xf32>
      %jit3A_476 = arith.constant 0.000000e+00 : f32
      %broadcast_in_dim3A_477 = vector.broadcast %jit3A_476 : f32 to vector<16xf32>
      %select_n3A_478 = arith.select %eq3A_475, %broadcast_in_dim3A_477, %while3A_262#22 : vector<16xi1>, vector<16xf32>
      %swap3A_479 = arith.index_cast %scan3A_77 : i32 to index
      %swap3A_480 = arith.constant 352 : index
      %swap3A_481 = tpu.vector_load %arg8[%swap3A_479, %swap3A_480] {strides = array<i32>} : memref<32x384xf32, #tpu.memory_space<vmem>>, vector<1x16xf32>,
      %swap3A_482 = vector.shape_cast %swap3A_481 : vector<1x16xf32> to vector<16xf32>
      %swap3A_483 = vector.shape_cast %select_n3A_478 : vector<16xf32> to vector<1x16xf32>
      tpu.vector_store %arg8[%swap3A_479, %swap3A_480], %swap3A_483 {strides = array<i32>} : memref<32x384xf32, #tpu.memory_space<vmem>>, vector<1x16xf32>,
      %mul3A_484 = arith.mulf %while3A_262#7, %div3A_317 : vector<16xf32>
      %swap3A_485 = arith.index_cast %scan3A_77 : i32 to index
      %swap3A_486 = arith.constant 112 : index
      %swap3A_487 = tpu.vector_load %arg8[%swap3A_485, %swap3A_486] {strides = array<i32>} : memref<32x384xf32, #tpu.memory_space<vmem>>, vector<1x16xf32>,
      %swap3A_488 = vector.shape_cast %swap3A_487 : vector<1x16xf32> to vector<16xf32>
      %swap3A_489 = vector.shape_cast %mul3A_484 : vector<16xf32> to vector<1x16xf32>
      tpu.vector_store %arg8[%swap3A_485, %swap3A_486], %swap3A_489 {strides = array<i32>} : memref<32x384xf32, #tpu.memory_space<vmem>>, vector<1x16xf32>,
      %mul3A_490 = arith.mulf %while3A_262#15, %div3A_323 : vector<16xf32>
      %swap3A_491 = arith.index_cast %scan3A_77 : i32 to index
      %swap3A_492 = arith.constant 240 : index
      %swap3A_493 = tpu.vector_load %arg8[%swap3A_491, %swap3A_492] {strides = array<i32>} : memref<32x384xf32, #tpu.memory_space<vmem>>, vector<1x16xf32>,
      %swap3A_494 = vector.shape_cast %swap3A_493 : vector<1x16xf32> to vector<16xf32>
      %swap3A_495 = vector.shape_cast %mul3A_490 : vector<16xf32> to vector<1x16xf32>
      tpu.vector_store %arg8[%swap3A_491, %swap3A_492], %swap3A_495 {strides = array<i32>} : memref<32x384xf32, #tpu.memory_space<vmem>>, vector<1x16xf32>,
      %eq3A_496 = arith.constant 0xFF800000 : f32
      %eq3A_497 = vector.broadcast %eq3A_496 : f32 to vector<16xf32>
      %eq3A_498 = arith.cmpf oeq, %while3A_262#23, %eq3A_497 : vector<16xf32>
      %jit3A_499 = arith.constant 0.000000e+00 : f32
      %broadcast_in_dim3A_500 = vector.broadcast %jit3A_499 : f32 to vector<16xf32>
      %select_n3A_501 = arith.select %eq3A_498, %broadcast_in_dim3A_500, %while3A_262#23 : vector<16xi1>, vector<16xf32>
      %swap3A_502 = arith.index_cast %scan3A_77 : i32 to index
      %swap3A_503 = arith.constant 368 : index
      %swap3A_504 = tpu.vector_load %arg8[%swap3A_502, %swap3A_503] {strides = array<i32>} : memref<32x384xf32, #tpu.memory_space<vmem>>, vector<1x16xf32>,
      %swap3A_505 = vector.shape_cast %swap3A_504 : vector<1x16xf32> to vector<16xf32>
      %swap3A_506 = vector.shape_cast %select_n3A_501 : vector<16xf32> to vector<1x16xf32>
      tpu.vector_store %arg8[%swap3A_502, %swap3A_503], %swap3A_506 {strides = array<i32>} : memref<32x384xf32, #tpu.memory_space<vmem>>, vector<1x16xf32>,
      %scan3A_507 = arith.constant 0 : i32
      scf.yield %scan3A_507 : i32
    }
    %scan3A_74 = arith.constant 32 : i32
    %mul3A_75 = arith.constant 32 : i32
    %mul3A_76 = arith.muli %add3A, %mul3A_75 : i32
    "tpu.region"() ({
      %run_scoped3A = tpu.sem_alloc : memref<!tpu.dma_semaphore, #tpu.memory_space<semaphore_mem>>
      %dma_start3A_77 = arith.constant 0 : i32
      %dma_start3A_78 = tpu.memref_slice %arg5[%mul3A_76, %dma_start3A_77] : memref<1024x384xf32, #tpu.memory_space<hbm>> -> memref<32x384xf32, #tpu.memory_space<hbm>>
      %dma_start3A_79 = arith.constant 0 : i32
      %dma_start3A_80 = tpu.memref_slice %arg5[%mul3A_76, %dma_start3A_79] : memref<1024x384xf32, #tpu.memory_space<hbm>> -> memref<32x384xf32, #tpu.memory_space<hbm>>
      tpu.enqueue_dma source(%arg8 : memref<32x384xf32, #tpu.memory_space<vmem>>) target(%dma_start3A_80 : memref<32x384xf32, #tpu.memory_space<hbm>>) target_semaphore(%run_scoped3A : memref<!tpu.dma_semaphore, #tpu.memory_space<semaphore_mem>>)
      %dma_wait3A = arith.constant 0 : i32
      %dma_wait3A_81 = tpu.memref_slice %arg5[%mul3A_76, %dma_wait3A] : memref<1024x384xf32, #tpu.memory_space<hbm>> -> memref<32x384xf32, #tpu.memory_space<hbm>>
      %dma_wait3A_82 = arith.constant 0 : i32
      %dma_wait3A_83 = tpu.memref_slice %arg5[%mul3A_76, %dma_wait3A_82] : memref<1024x384xf32, #tpu.memory_space<hbm>> -> memref<32x384xf32, #tpu.memory_space<hbm>>
      tpu.wait_dma2 semaphore(%run_scoped3A : memref<!tpu.dma_semaphore, #tpu.memory_space<semaphore_mem>>) src(%arg8 : memref<32x384xf32, #tpu.memory_space<vmem>>) dst(%dma_wait3A_83 : memref<32x384xf32, #tpu.memory_space<hbm>>)
      tpu.yield
    }) : () -> ()
    return
  }
}

module attributes {stable_mosaic.version = 14 : i64} {
  func.func @_scores_body(%arg0: i32, %arg1: memref<2000x128xf32, #tpu.memory_space<vmem>>, %arg2: memref<1x1x2000xi32, #tpu.memory_space<vmem>>, %arg3: memref<128x64xf32, #tpu.memory_space<vmem>>, %arg4: memref<1x64xf32, #tpu.memory_space<vmem>>, %arg5: memref<64x1xf32, #tpu.memory_space<vmem>>, %arg6: memref<1x1xf32, #tpu.memory_space<vmem>>, %arg7: memref<2000x1xf32, #tpu.memory_space<vmem>>, %arg8: memref<1024x1xf32, #tpu.memory_space<vmem>>) attributes {dimension_semantics = [#tpu.dimension_semantics<arbitrary>], iteration_bounds = array<i64: 50>, scalar_prefetch = 0 : i64, scratch_operands = 0 : i64, tpu.core_type = #tpu.core_type<tc>, window_params = [{transform_indices = @transform_0, window_bounds = array<i64: 2000, 128>}, {transform_indices = @transform_1, window_bounds = array<i64: 1, 1, 2000>}, {pipeline_mode = #tpu.pipeline_mode<synchronous>, transform_indices = @transform_2, window_bounds = array<i64: 128, 64>}, {pipeline_mode = #tpu.pipeline_mode<synchronous>, transform_indices = @transform_3, window_bounds = array<i64: 1, 64>}, {pipeline_mode = #tpu.pipeline_mode<synchronous>, transform_indices = @transform_4, window_bounds = array<i64: 64, 1>}, {pipeline_mode = #tpu.pipeline_mode<synchronous>, transform_indices = @transform_5, window_bounds = array<i64: 1, 1>}, {transform_indices = @transform_6, window_bounds = array<i64: 2000, 1>}, {pipeline_mode = #tpu.pipeline_mode<synchronous>, transform_indices = @transform_7, window_bounds = array<i64: 1024, 1>}]} {
    %get3A = arith.constant 0 : index
    %get3A_0 = arith.constant 0 : index
    %get3A_1 = vector.load %arg1[%get3A, %get3A_0] : memref<2000x128xf32, #tpu.memory_space<vmem>>, vector<2000x128xf32>
    %get3A_2 = arith.constant 0 : index
    %get3A_3 = arith.constant 0 : index
    %get3A_4 = vector.load %arg3[%get3A_2, %get3A_3] : memref<128x64xf32, #tpu.memory_space<vmem>>, vector<128x64xf32>
    %dot_general3A = arith.constant dense<0.000000e+00> : vector<2000x64xf32>
    %dot_general3A_5 = tpu.matmul %get3A_1, %get3A_4, %dot_general3A {dimension_numbers = #tpu.dot_dimension_numbers<[1], [0], [0], [1], [0, 0, 1, 1], [], []>, transpose_lhs_hint = false} : vector<2000x128xf32>, vector<128x64xf32>, vector<2000x64xf32> -> vector<2000x64xf32>
    %get3A_6 = arith.constant 0 : index
    %get3A_7 = arith.constant 0 : index
    %get3A_8 = vector.load %arg4[%get3A_6, %get3A_7] : memref<1x64xf32, #tpu.memory_space<vmem>>, vector<1x64xf32>
    %add3A = vector.broadcast %get3A_8 : vector<1x64xf32> to vector<2000x64xf32>
    %add3A_9 = arith.addf %dot_general3A_5, %add3A : vector<2000x64xf32>
    %tanh3A = math.tanh %add3A_9 : vector<2000x64xf32>
    %get3A_10 = arith.constant 0 : index
    %get3A_11 = arith.constant 0 : index
    %get3A_12 = vector.load %arg5[%get3A_10, %get3A_11] : memref<64x1xf32, #tpu.memory_space<vmem>>, vector<64x1xf32>
    %dot_general3A_13 = arith.constant dense<0.000000e+00> : vector<2000x1xf32>
    %dot_general3A_14 = tpu.matmul %tanh3A, %get3A_12, %dot_general3A_13 {dimension_numbers = #tpu.dot_dimension_numbers<[1], [0], [0], [1], [0, 0, 1, 1], [], []>, transpose_lhs_hint = false} : vector<2000x64xf32>, vector<64x1xf32>, vector<2000x1xf32> -> vector<2000x1xf32>
    %get3A_15 = arith.constant 0 : index
    %get3A_16 = arith.constant 0 : index
    %get3A_17 = vector.load %arg6[%get3A_15, %get3A_16] : memref<1x1xf32, #tpu.memory_space<vmem>>, vector<1x1xf32>
    %add3A_18 = vector.broadcast %get3A_17 : vector<1x1xf32> to vector<2000x1xf32>
    %add3A_19 = arith.addf %dot_general3A_14, %add3A_18 : vector<2000x1xf32>
    %swap3A = arith.constant 0 : index
    %swap3A_20 = arith.constant 0 : index
    %swap3A_21 = vector.load %arg7[%swap3A, %swap3A_20] : memref<2000x1xf32, #tpu.memory_space<vmem>>, vector<2000x1xf32>
    tpu.vector_store %arg7[%swap3A, %swap3A_20], %add3A_19 {strides = array<i32>} : memref<2000x1xf32, #tpu.memory_space<vmem>>, vector<2000x1xf32>,
    %get3A_22 = arith.constant 0 : index
    %get3A_23 = arith.constant 0 : index
    %get3A_24 = arith.constant 0 : index
    %get3A_25 = vector.load %arg2[%get3A_22, %get3A_23, %get3A_24] : memref<1x1x2000xi32, #tpu.memory_space<vmem>>, vector<1x1x2000xi32>
    %reshape3A = vector.shape_cast %get3A_25 : vector<1x1x2000xi32> to vector<1x2000xi32>
    %iota3A = tpu.iota {dimensions = array<i32: 0>} : vector<1024x1xi32>
    %add3A_26 = arith.constant 1 : i32
    %add3A_27 = vector.broadcast %add3A_26 : i32 to vector<1024x1xi32>
    %add3A_28 = arith.addi %iota3A, %add3A_27 : vector<1024x1xi32>
    %lt3A = vector.broadcast %reshape3A : vector<1x2000xi32> to vector<1024x2000xi32>
    %lt3A_29 = vector.broadcast %add3A_28 : vector<1024x1xi32> to vector<1024x2000xi32>
    %lt3A_30 = arith.cmpi slt, %lt3A, %lt3A_29 : vector<1024x2000xi32>
    %convert_element_type3A = arith.extui %lt3A_30 : vector<1024x2000xi1> to vector<1024x2000xi32>
    %convert_element_type3A_31 = arith.sitofp %convert_element_type3A : vector<1024x2000xi32> to vector<1024x2000xf32>
    %broadcast_in_dim3A = arith.constant 1.000000e+00 : f32
    %broadcast_in_dim3A_32 = vector.broadcast %broadcast_in_dim3A : f32 to vector<2000x1xf32>
    %dot_general3A_33 = arith.constant dense<0.000000e+00> : vector<1024x1xf32>
    %dot_general3A_34 = tpu.matmul %convert_element_type3A_31, %broadcast_in_dim3A_32, %dot_general3A_33 {dimension_numbers = #tpu.dot_dimension_numbers<[1], [0], [0], [1], [0, 0, 1, 1], [], []>, transpose_lhs_hint = false} : vector<1024x2000xf32>, vector<2000x1xf32>, vector<1024x1xf32> -> vector<1024x1xf32>
    %eq3A = arith.constant 0 : i32
    %eq3A_35 = arith.cmpi eq, %arg0, %eq3A : i32
    %convert_element_type3A_36 = arith.extui %eq3A_35 : i1 to i32
    %cond3A = arith.constant 0 : i32
    %cond3A_37 = arith.cmpi ne, %convert_element_type3A_36, %cond3A : i32
    scf.if %cond3A_37 {
      %broadcast_in_dim3A_45 = arith.constant 0.000000e+00 : f32
      %broadcast_in_dim3A_46 = vector.broadcast %broadcast_in_dim3A_45 : f32 to vector<1024x1xf32>
      %swap3A_47 = arith.constant 0 : index
      %swap3A_48 = arith.constant 0 : index
      %swap3A_49 = vector.load %arg8[%swap3A_47, %swap3A_48] : memref<1024x1xf32, #tpu.memory_space<vmem>>, vector<1024x1xf32>
      tpu.vector_store %arg8[%swap3A_47, %swap3A_48], %broadcast_in_dim3A_46 {strides = array<i32>} : memref<1024x1xf32, #tpu.memory_space<vmem>>, vector<1024x1xf32>,
    } else {
    }
    %get3A_38 = arith.constant 0 : index
    %get3A_39 = arith.constant 0 : index
    %get3A_40 = vector.load %arg8[%get3A_38, %get3A_39] : memref<1024x1xf32, #tpu.memory_space<vmem>>, vector<1024x1xf32>
    %add3A_41 = arith.addf %get3A_40, %dot_general3A_34 : vector<1024x1xf32>
    %swap3A_42 = arith.constant 0 : index
    %swap3A_43 = arith.constant 0 : index
    %swap3A_44 = vector.load %arg8[%swap3A_42, %swap3A_43] : memref<1024x1xf32, #tpu.memory_space<vmem>>, vector<1024x1xf32>
    tpu.vector_store %arg8[%swap3A_42, %swap3A_43], %add3A_41 {strides = array<i32>} : memref<1024x1xf32, #tpu.memory_space<vmem>>, vector<1024x1xf32>,
    return
  }
  func.func @transform_0(%arg0: i32) -> (i32, i32) {
    %c0_i32 = arith.constant 0 : i32
    %c0_i32_0 = arith.constant 0 : i32
    return %arg0, %c0_i32 : i32, i32
  }
  func.func @transform_1(%arg0: i32) -> (i32, i32, i32) {
    %c0_i32 = arith.constant 0 : i32
    %c0_i32_0 = arith.constant 0 : i32
    %c0_i32_1 = arith.constant 0 : i32
    return %arg0, %c0_i32, %c0_i32_0 : i32, i32, i32
  }
  func.func @transform_2(%arg0: i32) -> (i32, i32) {
    %c0_i32 = arith.constant 0 : i32
    %c0_i32_0 = arith.constant 0 : i32
    %c0_i32_1 = arith.constant 0 : i32
    return %c0_i32, %c0_i32_0 : i32, i32
  }
  func.func @transform_3(%arg0: i32) -> (i32, i32) {
    %c0_i32 = arith.constant 0 : i32
    %c0_i32_0 = arith.constant 0 : i32
    %c0_i32_1 = arith.constant 0 : i32
    return %c0_i32, %c0_i32_0 : i32, i32
  }
  func.func @transform_4(%arg0: i32) -> (i32, i32) {
    %c0_i32 = arith.constant 0 : i32
    %c0_i32_0 = arith.constant 0 : i32
    %c0_i32_1 = arith.constant 0 : i32
    return %c0_i32, %c0_i32_0 : i32, i32
  }
  func.func @transform_5(%arg0: i32) -> (i32, i32) {
    %c0_i32 = arith.constant 0 : i32
    %c0_i32_0 = arith.constant 0 : i32
    %c0_i32_1 = arith.constant 0 : i32
    return %c0_i32, %c0_i32_0 : i32, i32
  }
  func.func @transform_6(%arg0: i32) -> (i32, i32) {
    %c0_i32 = arith.constant 0 : i32
    %c0_i32_0 = arith.constant 0 : i32
    return %arg0, %c0_i32 : i32, i32
  }
  func.func @transform_7(%arg0: i32) -> (i32, i32) {
    %c0_i32 = arith.constant 0 : i32
    %c0_i32_0 = arith.constant 0 : i32
    %c0_i32_1 = arith.constant 0 : i32
    return %c0_i32, %c0_i32_0 : i32, i32
  }
}

module attributes {stable_mosaic.version = 14 : i64} {
  func.func @_mlp_body(%arg0: memref<1024x384xf32, #tpu.memory_space<vmem>>, %arg1: memref<384x256xf32, #tpu.memory_space<vmem>>, %arg2: memref<1x256xf32, #tpu.memory_space<vmem>>, %arg3: memref<256x128xf32, #tpu.memory_space<vmem>>, %arg4: memref<1x128xf32, #tpu.memory_space<vmem>>, %arg5: memref<1024x128xf32, #tpu.memory_space<vmem>>) attributes {dimension_semantics = [], scalar_prefetch = 0 : i64, scratch_operands = 0 : i64, tpu.core_type = #tpu.core_type<tc>} {
    %get3A = arith.constant 0 : index
    %get3A_0 = arith.constant 0 : index
    %get3A_1 = vector.load %arg0[%get3A, %get3A_0] : memref<1024x384xf32, #tpu.memory_space<vmem>>, vector<1024x384xf32>
    %get3A_2 = arith.constant 0 : index
    %get3A_3 = arith.constant 0 : index
    %get3A_4 = vector.load %arg1[%get3A_2, %get3A_3] : memref<384x256xf32, #tpu.memory_space<vmem>>, vector<384x256xf32>
    %dot_general3A = arith.constant dense<0.000000e+00> : vector<1024x256xf32>
    %dot_general3A_5 = tpu.matmul %get3A_1, %get3A_4, %dot_general3A {dimension_numbers = #tpu.dot_dimension_numbers<[1], [0], [0], [1], [0, 0, 1, 1], [], []>, transpose_lhs_hint = false} : vector<1024x384xf32>, vector<384x256xf32>, vector<1024x256xf32> -> vector<1024x256xf32>
    %get3A_6 = arith.constant 0 : index
    %get3A_7 = arith.constant 0 : index
    %get3A_8 = vector.load %arg2[%get3A_6, %get3A_7] : memref<1x256xf32, #tpu.memory_space<vmem>>, vector<1x256xf32>
    %add3A = vector.broadcast %get3A_8 : vector<1x256xf32> to vector<1024x256xf32>
    %add3A_9 = arith.addf %dot_general3A_5, %add3A : vector<1024x256xf32>
    %logistic3A = arith.negf %add3A_9 : vector<1024x256xf32>
    %logistic3A_10 = math.exp %logistic3A : vector<1024x256xf32>
    %logistic3A_11 = arith.constant 1.000000e+00 : f32
    %logistic3A_12 = vector.broadcast %logistic3A_11 : f32 to vector<1024x256xf32>
    %logistic3A_13 = arith.addf %logistic3A_12, %logistic3A_10 : vector<1024x256xf32>
    %logistic3A_14 = arith.divf %logistic3A_12, %logistic3A_13 : vector<1024x256xf32>
    %mul3A = arith.mulf %add3A_9, %logistic3A_14 : vector<1024x256xf32>
    %get3A_15 = arith.constant 0 : index
    %get3A_16 = arith.constant 0 : index
    %get3A_17 = vector.load %arg3[%get3A_15, %get3A_16] : memref<256x128xf32, #tpu.memory_space<vmem>>, vector<256x128xf32>
    %dot_general3A_18 = arith.constant dense<0.000000e+00> : vector<1024x128xf32>
    %dot_general3A_19 = tpu.matmul %mul3A, %get3A_17, %dot_general3A_18 {dimension_numbers = #tpu.dot_dimension_numbers<[1], [0], [0], [1], [0, 0, 1, 1], [], []>, transpose_lhs_hint = false} : vector<1024x256xf32>, vector<256x128xf32>, vector<1024x128xf32> -> vector<1024x128xf32>
    %get3A_20 = arith.constant 0 : index
    %get3A_21 = arith.constant 0 : index
    %get3A_22 = vector.load %arg4[%get3A_20, %get3A_21] : memref<1x128xf32, #tpu.memory_space<vmem>>, vector<1x128xf32>
    %add3A_23 = vector.broadcast %get3A_22 : vector<1x128xf32> to vector<1024x128xf32>
    %add3A_24 = arith.addf %dot_general3A_19, %add3A_23 : vector<1024x128xf32>
    %swap3A = arith.constant 0 : index
    %swap3A_25 = arith.constant 0 : index
    %swap3A_26 = vector.load %arg5[%swap3A, %swap3A_25] : memref<1024x128xf32, #tpu.memory_space<vmem>>, vector<1024x128xf32>
    tpu.vector_store %arg5[%swap3A, %swap3A_25], %add3A_24 {strides = array<i32>} : memref<1024x128xf32, #tpu.memory_space<vmem>>, vector<1024x128xf32>,
    return
  }
}

</mosaic_0001>

<sc_bundles>
// kernel: kernel.5.cloned.1.call-start
scs
__scs_entry_jumppad:
0x0: {  	(pc) =	sbr.rel $0x88, $3  }
0x1: {  	(tag) =	ssettag $0x0;
	lr =	simm.s32 $0x1  }
0x2: {  	[smem:$0x3F97] =	sst lr;
	_ =	strace $0xD0000000  }
0x3: {  	_ = 	snop  }
0x4: {  	_ = 	snop  }
0x5: {  	_ = 	snop  }
0x6: {  	_ = 	snop  }
0x7: {  	_ = 	snop  }
__scs_overlays_trampoline_lowered:
0x8: {  	[smem:$0x3FA6] =	sst s0  }
0x9: {  	[smem:$0x3FA7] =	sst s1  }
0xa: {  	[smem:$0x3FA8] =	sst s2  }
0xb: {  	[smem:$0x3FA9] =	sst s3  }
0xc: {  	[smem:$0x3FAA] =	sst s4  }
0xd: {  	[smem:$0x3FAB] =	sst s5  }
0xe: {  	[smem:$0x3FAC] =	sst s6  }
0xf: {  	[smem:$0x3FAD] =	sst s7  }
0x10: {  	[smem:$0x3FAE] =	sst s8  }
0x11: {  	[smem:$0x3FAF] =	sst s9;
	s0 =	simm.s32 @!p0 $0x0  }
0x12: {  	s1 =	sld [smem:$0x3F95];
	s0 =	simm.s32 @p0 $0x1  }
0x13: {  	[smem:$0x3FB0] =	sst s0;
	s0 =	simm.s32 @!p1 $0x0  }
0x14: {  	s2 =	sld [smem:$0x3F94];
	s0 =	simm.s32 @p1 $0x1  }
0x15: {  	[smem:$0x3FB1] =	sst s0;
	s0 =	simm.s32 @!p2 $0x0  }
0x16: {  	s3 =	sld [smem:$0x3FDB];
	s0 =	simm.s32 @p2 $0x1  }
0x17: {  	s4 =	simm.s32 $0x1BF5;
	[smem:$0x3FB3] =	sst s0  }
0x18: {  	s0 =	sld [smem:$0x3F96];
	_ =	swait.ge [sflag:s4], $0x0  }
0x19: {  	s7 =	sld [smem:$0x3F97]  }
0x1a: {  	s8 =	sadd.s32 $0xFFFFE003, lr  }
0x1b: {  	s9 =	sadd.s32 $0xFFFFFEF7, lr;
	s5 =	simm.s32 $0xFFFFFFFF;
	p2 =	slt.u32 s8, $0xFFFFF086  }
0x1c: {  	p1 =	slt.u32 s9, $0xF7A;
	s5 =	simm.s32 @!p2 $0x0  }
0x1d: {  	s5 =	simm.s32 @p1 $0x1;
	p0 =	seq.s32 s7, s2  }
0x1e: {  	s7 =	smul.u32 @!p0 $0xF7A, s2;
	p2 =	seq.s32 @!p0 s5, $0x0  }
0x1f: {  	s9 =	smul.u32 $0xF7A, s1;
	s8 =	simm.s32 @!p0 $0x1BF5;
	p2 =	por !p2, p0  }
0x20: {  	[sflag:s8] =	ssyncset.s32 @!p0 $0xFFFFF086;
	s6 =	sadd.s32 @!p0 s3, s7;
	s7 =	simm.s32 @!p0 $0x108  }
0x21: {  	s3 =	sadd.s32 s3, s9;
	s6 =	sadd.s32 @!p0 $0x88, s6;
	s7 =	simm.s32 @p2 $0x1082  }
0x22: {  	[simem:s7], [sflag:s8] =	dma.local @!p0 [hbm:s6], $0xF7A  }
0x23: {  	s9 =	sor.u32 $0xD0000000, s2;
	s6 =	simm.s32 $0x108;
	_ =	swait.ge @!p0 [sflag:s8], $0x0  }
0x24: {  	s3 =	sadd.s32 $0x88, s3;
	s6 =	simm.s32 @!p1 $0x1082;
	[sflag:s4] =	ssyncset.s32 $0xFFFFF086  }
0x25: {  	[simem:s6], [sflag:s4] =	dma.local [hbm:s3], $0xF7A  }
0x26: {  	[smem:$0x3F97] =	sst s1;
	(tag) =	ssettag s2;
	_ =	strace s9  }
0x27: {  	s1 =	sld [smem:$0x3FA7]  }
0x28: {  	s2 =	sld [smem:$0x3FA8]  }
0x29: {  	s4 =	sld [smem:$0x3FAA]  }
0x2a: {  	p0 =	seq.s32 s5, $0x0;
	s5 =	sld [smem:$0x3FAB]  }
0x2b: {  	s6 =	sld [smem:$0x3FAC]  }
0x2c: {  	s7 =	sld [smem:$0x3FAD]  }
0x2d: {  	s3 =	simm.s32 $0x108;
	s8 =	sld [smem:$0x3FAE]  }
0x2e: {  	s3 =	simm.s32 @!p0 $0x1082;
	s9 =	sld [smem:$0x3FAF]  }
0x2f: {  	lr =	sadd.s32 s0, s3;
	s0 =	sld [smem:$0x3FA6]  }
0x30: {  	s3 =	sld [smem:$0x3FA9]  }
0x31: {  	[smem:$0x3FB2] =	sst s10  }
0x32: {  	s10 =	sld [smem:$0x3FB0];
	_ =	sdelay $0x3  }
0x33: {  	p0 =	seq.s32 s10, $0x1;
	s10 =	sld [smem:$0x3FB2];
	_ =	sdelay $0x3  }
0x34: {  	[smem:$0x3FB2] =	sst s10  }
0x35: {  	s10 =	sld [smem:$0x3FB1];
	_ =	sdelay $0x3  }
0x36: {  	p1 =	seq.s32 s10, $0x1;
	s10 =	sld [smem:$0x3FB2];
	_ =	sdelay $0x3  }
0x37: {  	[smem:$0x3FB2] =	sst s10  }
0x38: {  	s10 =	sld [smem:$0x3FB3]  }
0x39: {  	_ = 	snop;
	(pc) =	sbr.ind lr, $3  }
0x3a: {  	_ = 	snop  }
0x3b: {  	_ = 	snop  }
0x3c: {  	p2 =	seq.s32 s10, $0x1;
	s10 =	sld [smem:$0x3FB2]  }
0x3d: {  	_ =	shalt  }
0x3e: {  	_ =	shalt  }
0x3f: {  	_ =	shalt  }
0x40: {  	_ =	shalt  }
0x41: {  	_ =	shalt  }
0x42: {  	_ =	shalt  }
0x43: {  	_ =	shalt  }
0x44: {  	_ =	shalt  }
0x45: {  	_ =	shalt  }
0x46: {  	_ =	shalt  }
0x47: {  	_ =	shalt  }
0x48: {  	_ =	shalt  }
0x49: {  	_ =	shalt  }
0x4a: {  	_ =	shalt  }
0x4b: {  	_ =	shalt  }
0x4c: {  	_ =	shalt  }
0x4d: {  	_ =	shalt  }
0x4e: {  	_ =	shalt  }
0x4f: {  	_ =	shalt  }
0x50: {  	_ =	shalt  }
0x51: {  	_ =	shalt  }
0x52: {  	_ =	shalt  }
0x53: {  	_ =	shalt  }
0x54: {  	_ =	shalt  }
0x55: {  	_ =	shalt  }
0x56: {  	_ =	shalt  }
0x57: {  	_ =	shalt  }
0x58: {  	_ =	shalt  }
0x59: {  	_ =	shalt  }
0x5a: {  	_ =	shalt  }
0x5b: {  	_ =	shalt  }
0x5c: {  	_ =	shalt  }
0x5d: {  	_ =	shalt  }
0x5e: {  	_ =	shalt  }
0x5f: {  	_ =	shalt  }
0x60: {  	_ =	shalt  }
0x61: {  	_ =	shalt  }
0x62: {  	_ =	shalt  }
0x63: {  	_ =	shalt  }
0x64: {  	_ =	shalt  }
0x65: {  	_ =	shalt  }
0x66: {  	_ =	shalt  }
0x67: {  	_ =	shalt  }
0x68: {  	_ =	shalt  }
0x69: {  	_ =	shalt  }
0x6a: {  	_ =	shalt  }
0x6b: {  	_ =	shalt  }
0x6c: {  	_ =	shalt  }
0x6d: {  	_ =	shalt  }
0x6e: {  	_ =	shalt  }
0x6f: {  	_ =	shalt  }
0x70: {  	_ =	shalt  }
0x71: {  	_ =	shalt  }
0x72: {  	_ =	shalt  }
0x73: {  	_ =	shalt  }
0x74: {  	_ =	shalt  }
0x75: {  	_ =	shalt  }
0x76: {  	_ =	shalt  }
0x77: {  	_ =	shalt  }
0x78: {  	_ =	shalt  }
0x79: {  	_ =	shalt  }
0x7a: {  	_ =	shalt  }
0x7b: {  	_ =	shalt  }
0x7c: {  	_ =	shalt  }
0x7d: {  	_ =	shalt  }
0x7e: {  	_ =	shalt  }
0x7f: {  	_ =	shalt  }
0x80: {  	_ =	shalt  }
0x81: {  	_ =	shalt  }
0x82: {  	_ =	shalt  }
0x83: {  	_ =	shalt  }
0x84: {  	_ =	shalt  }
0x85: {  	_ =	shalt  }
0x86: {  	_ =	shalt  }
0x87: {  	_ =	shalt  }
.Lfunc_end0:
.L_simem_size_0:
called_computation_lowered:
.L_overlay_start_0:
0x88: {  	s2 =	sld [smem:$0x3FD9]  }
0x89: {  	s3 =	sld [smem:$0x3FFE];
	_ =	sdelay $0x1  }
0x8a: {  	s1 =	srdreg.scid  }
0x8b: {  	s0 =	sand.u32 $0x1, s1  }
0x8c: {  	s17 =	sshll.u32 s0, $0xA;
	s2 =	sadd.s32 s3, s2  }
0x8d: {  	s2 =	sadd.s32 s2, s17  }
0x8e: {  	[smem:$0x3FBE] =	sst s2  }
0x8f: {  	_ = 	snop  }
0x90: {  	s2 =	sld [smem:$0x3FC9]  }
0x91: {  	s18 =	sld [smem:$0x3FD0];
	(tm) =	ssettm $0x1  }
0x92: {  	s4 =	sld [smem:$0x3FFB];
	_ =	sdelay $0x3  }
0x93: {  	_ =	strace s4  }
0x94: {  	s4 =	sld [smem:$0x3FFC];
	_ =	sdelay $0x3  }
0x95: {  	_ =	strace s4  }
0x96: {  	s4 =	sld [smem:$0x3FFD];
	_ =	sdelay $0x3  }
0x97: {  	_ =	strace s4  }
0x98: {  	_ =	strace $0x8FFFFFFF  }
0x99: {  	s19 =	sld [smem:$0x3FDB];
	_ =	sdelay $0x1  }
0x9a: {  	s5 =	simm.s32 $_scs_section_size  }
0x9b: {  	s6 =	simm.s32 $_size__tile_overlayer_lowered;
	s7 =	simm.s32 $_tile_overlayer_lowered  }
0x9c: {  	s22 =	simm.s32 $0x1BFF;
	s21 =	sshll.u32 s7, $0x1;
	s4 =	sadd.s32 s5, s19  }
0x9d: {  	s8 =	simm.s32 $0x0;
	s20 =	sshll.u32 s6, $0x1;
	s6 =	sadd.s32 s21, s4  }
0x9e: {  	[timem:s8], [sflag:s22] =	dma.local [hbm:s6], s20  }
0x9f: {  	_ =	swait.ge [sflag:s22], s20  }
0xa0: {  	s5 =	ssub.s32 $0x0, s20;
	[sflag:s22] =	ssyncset.done $0x0  }
0xa1: {  	[sflag:s22] =	ssyncadd.s32 s5;
	_ =	sdelay $0x1  }
0xa2: {  	s23 =	simm.s32 $0x1B8B  }
0xa3: {  	_ =	swait.ge [sflag:s23], $0x1  }
0xa4: {  	[sflag:s23] =	ssyncset.done $0x0  }
0xa5: {  	s25 =	simm.s32 $0x1B8E;
	s24 =	sld [smem:$0x3FFE];
	[sflag:s23] =	ssyncadd.s32 $0xFFFFFFFF  }
0xa6: {  	s26 =	simm.s32 $execute0_lowered;
	[smem:$0x3FD2] =	sst s25  }
0xa7: {  	s6 =	sshll.u32 s26, $0x1;
	_ =	strace $0x80000046;
	[dreg:$0x1] =	wrdreg $0xFFFFFFFF  }
0xa8: {  	s28 =	simm.s32 $_size_execute0_lowered;
	s4 =	sadd.s32 s4, s6;
	[dreg:$0x0] =	wrdreg $0x0  }
0xa9: {  	s6 =	sshll.u32 s28, $0x1;
	[dreg:$0x2] =	wrdreg s4  }
0xaa: {  	[dreg:$0x3] =	wrdreg s6  }
0xab: {  	[dreg:$0x4] =	wrdreg $0xC0  }
0xac: {  	_ =	task [dreg:s8], $0x5FFFF  }
0xad: {  	[dreg:$0x1] =	wrdreg $0xFFFFFFFF  }
0xae: {  	[dreg:$0x0] =	wrdreg $0x60  }
0xaf: {  	[dreg:$0x2] =	wrdreg s2  }
0xb0: {  	[dreg:$0x3] =	wrdreg s18  }
0xb1: {  	[dreg:$0x4] =	wrdreg s24  }
0xb2: {  	[dreg:$0x5] =	wrdreg $0x9  }
0xb3: {  	_ =	task.clear_ibuf [dreg:s8], $0x6FFFF;
	_ =	strace $0x90000046  }
0xb4: {  	s29 =	simm.s32 $0x9;
	_ =	strace $0x80000048  }
0xb5: {  	_ =	swait.ge [sflag:s29], $0x1  }
0xb6: {  	[sflag:s29] =	ssyncadd.s32 $0xFFFFFFFF  }
0xb7: {  	_ =	strace $0x90000048  }
0xb8: {  	_ =	sfence  }
0xb9: {  	s30 =	sld [smem:$0x0];
	_ =	sdelay $0x2  }
0xba: {  	s31 =	sshll.u32 s1, $0xD;
	s1 =	sshrl.u32 s1, $0x2  }
0xbb: {  	s3 =	sand.u32 $0x4000, s31;
	s1 =	sadd.s32 s1, s30  }
0xbc: {  	s0 =	sor.u32 s3, s0;
	s1 =	sshll.u32 s1, $0x11  }
0xbd: {  	s0 =	sor.u32 s1, s0  }
0xbe: {  	s0 =	sadd.s32 $0x8F2B, s0  }
0xbf: {  	[sflag:s0] =	ssyncadd.remote.s32 $0x1  }
0xc0: {  	_ =	sfence.sel $0xFFFF  }
0xc1: {  	[dreg:$0x0] =	wrdreg $0xFFFFFFFF;
	(pc) =	sbr.abs _section_cstart, $3  }
0xc2: {  	[dreg:$0x1] =	wrdreg $0xFFFFFFFF  }
0xc3: {  	_ =	task.clear_ibuf [dreg:s8], $0x2FFFF;
	_ =	strace $0x9FFFFFFF  }
0xc4: {  	(tm) =	ssettm $0x7FFFFFFF  }
0xc5: {  	_ =	shalt  }
tec
execute0_lowered:
.L_overlay_start_1:
0x0: {  	(tag) =	ssettag $0x1  }
0x1: {  	s0 =	srdreg.scid  }
0x2: {  	s4 =	stileid.u32;
	s0 =	sand.u32 $0x1, s0  }
0x3: {  	s1 =	rddreg [dreg:$0x0];
	s5 =	sshll.u32 s4, $0x3;
	s6 =	sshll.u32 s0, $0x2  }
0x4: {  	s3 =	rddreg [dreg:$0x1];
	s5 =	sor.u32 s6, s5  }
0x5: {  	s2 =	rddreg [dreg:$0x2];
	s4 =	simm.s32 $0x0;
	s6 =	smul.u32 $0x180, s5  }
.Ltmp0:
0x6: {  	s9 =	simm.s32 $0x5;
	[smem:$0x7FF] =	sst s4;
	(pc) =	sbr.rel .LBB2_1-.Ltmp0, $4  }
0x7: {  	s0 =	ssub.s32 $0x2, s0;
	_ =	strace $0x80000047;
	s5 =	sadd.s32 s5, s2  }
0x8: {  	s31 =	sshrl.u32 s0, $0x1;
	s5 =	sadd.s32 $0x800, s5;
	s2 =	sadd.s32 s6, s2  }
0x9: {  	s0 =	ssub.s32 s0, s31;
	[dreg:$0x4] =	wrdreg s5;
	s2 =	sadd.s32 $0xA00, s2  }
0xa: {  	v0 =	vlaneseq.u32;
	s12 =	simm.s32 $0x0;
	s7 =	smax.u32 s0, $0x1;
	[dreg:$0x5] =	wrdreg s2  }
.LBB2_29:
0xb: {  	s12 =	sadd.s32 $0x1, s12  }
0xc: {  	p0 =	sne.s32 s12, s7  }
.Ltmp1:
0xd: {  	s0 =	rddreg [dreg:$0x5];
	s2 =	simm.s32 $0x8180;
	(pc) =	sbr.rel @!p0 .LBB2_30-.Ltmp1, $4  }
0xe: {  	[hbm4b:s0+s4] =	stream.linear.scatter [tilespmem:s2], [sflag:$0x5], $0x3000, $0x38;
	[tilespmem:$0xB280] =	vst v63  }
0xf: {  	_ =	swait.ge [sflag:s9], $0x3000  }
0x10: {  	[sflag:s9] =	ssyncset.done $0x0  }
0x11: {  	[sflag:s9] =	ssyncadd.s32 $0xFFFFD000  }
.LBB2_1:
0x12: {  	s0 =	rddreg [dreg:$0x4];
	s2 =	simm.s32 $0xB200  }
0x13: {  	[tilespmem:s2], [sflag:$0x5] =	stream.linear.gather [hbm4b:s0+s4], $0x30, $0x38;
	[tilespmem:$0xB280] =	vst v63  }
0x14: {  	_ =	swait.ge [sflag:s9], $0x30  }
0x15: {  	[sflag:s9] =	ssyncset.done $0x0  }
0x16: {  	[sflag:s9] =	ssyncadd.s32 $0xFFFFFFD0  }
0x17: {  	v1 =	vld [tilespmem:$0xB200];
	_ =	sdelay $0x4  }
0x18: {  	(v2sf) =	vpush v1, $0x0;
	_ =	sdelay $0xe  }
0x19: {  	s23 =	spop (v2sf)  }
0x1a: {  	s24 =	sand.u32 $0x7, s23  }
0x1b: {  	s5 =	sshra.s32 s23, $0x1F;
	p0 =	slt.s32 s23, $0x1;
	p1 =	sne.s32 s24, $0x0  }
0x1c: {  	s25 =	sshrl.u32 s5, $0x1D;
	p0 =	por !p0, !p1  }
0x1d: {  	s2 =	simm.s32 $0x1;
	s0 =	sadd.s32 s25, s23;
	p0 =	por !p0, !p0  }
0x1e: {  	s0 =	sshrl.u32 s0, $0x3;
	s2 =	simm.s32 @!p0 $0x0  }
0x1f: {  	s0 =	ssub.s32 s0, s2  }
0x20: {  	s0 =	sshll.u32 s0, $0x3  }
0x21: {  	p0 =	slt.s32 s0, $0x18620  }
0x22: {  	p5 =	slt.s32 s0, $0x1;
	s0 =	simm.s32 @!p0 $0x18620  }
0x23: {  	s26 =	sshrl.u32 s0, $0x3  }
0x24: {  	s28 =	sshra.s32 s0, $0x1F;
	s2 =	sand.u32 $0x1, s26  }
0x25: {  	s29 =	sshrl.u32 s28, $0x1C;
	p6 =	seq.s32 s2, $0x1  }
0x26: {  	s2 =	sadd.s32 s29, s0;
	s0 =	sshll.u32 s0, $0x4;
	p0 =	por !p5, !p6  }
0x27: {  	s5 =	simm.s32 $0x1;
	s0 =	sadd.s32 s1, s0;
	p0 =	por !p0, !p0  }
0x28: {  	[tilespmem:s4], [sflag:$0x1] =	stream.linear.gather [hbm4b:s0+s4], $0x4000, $0x38;
	[tilespmem:$0xB280] =	vst v63  }
0x29: {  	s2 =	sshrl.u32 s2, $0x4;
	s5 =	simm.s32 @!p0 $0x0  }
.Ltmp2:
0x2a: {  	s2 =	ssub.s32 s2, s5;
	(pc) =	sbr.rel .LBB2_2-.Ltmp2, $4  }
0x2b: {  	s30 =	sshll.u32 s2, $0x1  }
0x2c: {  	s31 =	simm.s32 $0x8000;
	s0 =	sand.u32 $0x1FFFFFFE, s30  }
0x2d: {  	s14 =	simm.s32 $0x0;
	p0 =	por $0x0, $0x0;
	s0 =	sadd.s32 s3, s0  }
0x2e: {  	[tilespmem:s31], [sflag:$0x3] =	stream.linear.gather [hbm4b:s0+s4], $0xA0, $0x38;
	[tilespmem:$0xB280] =	vst v63  }
.LBB2_28:
0x2f: {  	(v2sf) =	vpush v25, $0x0  }
0x30: {  	(v2sf) =	vpush v25, $0x1;
	_ =	sdelay $0x1  }
0x31: {  	(v2sf) =	vpush v25, $0x2;
	_ =	sdelay $0x1  }
0x32: {  	(v2sf) =	vpush v25, $0x3;
	_ =	sdelay $0x1  }
0x33: {  	(v2sf) =	vpush v25, $0x4;
	_ =	sdelay $0x1  }
0x34: {  	(v2sf) =	vpush v25, $0x5;
	_ =	sdelay $0x1  }
0x35: {  	(v2sf) =	vpush v25, $0x6;
	_ =	sdelay $0x1  }
0x36: {  	(v2sf) =	vpush v25, $0x7;
	_ =	sdelay $0x1  }
0x37: {  	s0 =	spop (v2sf);
	(v2sf) =	vpush v25, $0x8  }
0x38: {  	s2 =	spop (v2sf)  }
0x39: {  	(v2sf) =	vpush v25, $0x9;
	s0 =	sadd.f32 s2, s0  }
0x3a: {  	s8 =	spop (v2sf)  }
0x3b: {  	(v2sf) =	vpush v25, $0xA;
	s0 =	sadd.f32 s0, s8  }
0x3c: {  	s10 =	spop (v2sf)  }
0x3d: {  	(v2sf) =	vpush v25, $0xB;
	s0 =	sadd.f32 s0, s10  }
0x3e: {  	s11 =	spop (v2sf)  }
0x3f: {  	(v2sf) =	vpush v25, $0xC;
	s0 =	sadd.f32 s0, s11  }
0x40: {  	s17 =	spop (v2sf)  }
0x41: {  	(v2sf) =	vpush v25, $0xD;
	s0 =	sadd.f32 s0, s17  }
0x42: {  	s18 =	spop (v2sf)  }
0x43: {  	(v2sf) =	vpush v25, $0xE;
	s0 =	sadd.f32 s0, s18  }
0x44: {  	s19 =	spop (v2sf)  }
0x45: {  	(v2sf) =	vpush v25, $0xF;
	s0 =	sadd.f32 s0, s19  }
0x46: {  	s20 =	spop (v2sf)  }
0x47: {  	s0 =	sadd.f32 s0, s20  }
0x48: {  	s21 =	spop (v2sf)  }
0x49: {  	s0 =	sadd.f32 s0, s21  }
0x4a: {  	s22 =	spop (v2sf)  }
0x4b: {  	s0 =	sadd.f32 s0, s22  }
0x4c: {  	s23 =	spop (v2sf)  }
0x4d: {  	s0 =	sadd.f32 s0, s23  }
0x4e: {  	s24 =	spop (v2sf)  }
0x4f: {  	s0 =	sadd.f32 s0, s24  }
0x50: {  	s25 =	spop (v2sf)  }
0x51: {  	s0 =	sadd.f32 s0, s25  }
0x52: {  	s26 =	spop (v2sf)  }
0x53: {  	s0 =	sadd.f32 s0, s26  }
0x54: {  	s28 =	spop (v2sf)  }
0x55: {  	s0 =	sadd.f32 s0, s28  }
0x56: {  	s29 =	ssub.s32 s16, s15  }
0x57: {  	v49 =	vmov s0;
	s0 =	scvt.s32.f32 s29;
	_ =	sdelay $0x1  }
0x58: {  	s0 =	smax.f32 s0, $1.000000000e+00  }
0x59: {  	s30 =	sshrl.u32 s14, $0x3;
	v26 =	vmov s0  }
0x5a: {  	s0 =	smul.u32 $0x3000, s30;
	(erf) = vrcp.f32 v26  }
0x5b: {  	s31 =	sshll.u32 s14, $0x7  }
0x5c: {  	vm0 =	veq.f32 v22, $-Inf;
	s2 =	sand.u32 $0x380, s31;
	v25 =	vadd.f32 $0.0e+00, v49;
	s0 =	sshra.s32 s0, $0x2  }
0x5d: {  	vm9 =	veq.f32 v11, $-Inf;
	v22 =	vsel vm0, $0x0, v22;
	s0 =	sor.u32 s2, s0  }
0x5e: {  	vm10 =	veq.f32 v5, $-Inf;
	v11 =	vsel vm9, $0x0, v11;
	v25 =	vadd.f32 $1.000000020e-16, v25;
	[tilespmem:s0+$0x8980] =	vst v22  }
0x5f: {  	vm11 =	veq.f32 v4, $-Inf;
	v5 =	vsel vm10, $0x0, v5;
	[tilespmem:s0+$0x8990] =	vst v11  }
0x60: {  	vm12 =	veq.f32 v17, $-Inf;
	v4 =	vsel vm11, $0x0, v4;
	v25 =	vbroadcast v25, $0x0;
	[tilespmem:s0+$0x89A0] =	vst v5  }
0x61: {  	vm13 =	veq.f32 v10, $-Inf;
	v57 =	vsel vm12, $0x0, v17;
	[tilespmem:s0+$0x89B0] =	vst v4  }
0x62: {  	vm14 =	veq.f32 v6, $-Inf;
	v60 =	vsel vm13, $0x0, v10;
	(erf) = vrcp.f32 v25;
	[tilespmem:s0+$0x89C0] =	vst v57  }
0x63: {  	vm15 =	veq.f32 v1, $-Inf;
	v63 =	vsel vm14, $0x0, v6;
	[tilespmem:s0+$0x89D0] =	vst v60;
	v50 =	vpop (erf)  }
0x64: {  	v1 =	vsel vm15, $0x0, v1;
	[tilespmem:s0+$0x89E0] =	vst v63;
	v24 =	vmul.f32 v24, v50  }
0x65: {  	[tilespmem:s0+$0x89F0] =	vst v1;
	v21 =	vmul.f32 v21, v50  }
0x66: {  	v52 =	vmul.f32 v16, v50;
	[tilespmem:s0+$0x8180] =	vst v24  }
0x67: {  	v8 =	vmul.f32 v8, v50;
	[tilespmem:s0+$0x8190] =	vst v21  }
0x68: {  	v55 =	vmul.f32 v20, v50;
	[tilespmem:s0+$0x81A0] =	vst v52  }
0x69: {  	v58 =	vmul.f32 v19, v50;
	[tilespmem:s0+$0x81B0] =	vst v8  }
0x6a: {  	v61 =	vmul.f32 v13, v50;
	[tilespmem:s0+$0x81C0] =	vst v55  }
0x6b: {  	v3 =	vmul.f32 v3, v50;
	v51 =	vpop (erf);
	[tilespmem:s0+$0x81D0] =	vst v58  }
0x6c: {  	[tilespmem:s0+$0x81E0] =	vst v61;
	v23 =	vmul.f32 v51, v23  }
0x6d: {  	[tilespmem:s0+$0x81F0] =	vst v3;
	v15 =	vmul.f32 v51, v15  }
0x6e: {  	v53 =	vmul.f32 v51, v12;
	[tilespmem:s0+$0x8580] =	vst v23  }
0x6f: {  	v54 =	vmul.f32 v51, v7;
	[tilespmem:s0+$0x8590] =	vst v15  }
0x70: {  	p1 =	sne.s32 s13, $0x20;
	v56 =	vmul.f32 v51, v18;
	[tilespmem:s0+$0x85A0] =	vst v53  }
.Ltmp3:
0x71: {  	v59 =	vmul.f32 v51, v14;
	[tilespmem:s0+$0x85B0] =	vst v54;
	(pc) =	sbr.rel @!p1 .LBB2_29-.Ltmp3, $4  }
0x72: {  	v62 =	vmul.f32 v51, v9;
	[tilespmem:s0+$0x85C0] =	vst v56  }
0x73: {  	v2 =	vmul.f32 v51, v2;
	[tilespmem:s0+$0x85D0] =	vst v59  }
0x74: {  	[tilespmem:s0+$0x85E0] =	vst v62  }
0x75: {  	p0 =	por !p0, !p0;
	s14 =	smov.u32 s13;
	[tilespmem:s0+$0x85F0] =	vst v2  }
.LBB2_2:
0x76: {  	v1 =	vld [tilespmem:s14+$0xB200];
	_ =	sdelay $0x4  }
0x77: {  	(v2sf) =	vpush v1, $0x0  }
0x78: {  	(v2sf) =	vpush v1, $0x1;
	_ =	sdelay $0xc  }
0x79: {  	s19 =	sand.u32 $0x1, s14  }
0x7a: {  	p1 =	seq.s32 s19, $0x1;
	s15 =	spop (v2sf)  }
0x7b: {  	s0 =	simm.s32 @!p1 $0x1;
	s16 =	spop (v2sf)  }
0x7c: {  	_ =	swait.ge @!p1 [sflag:s0], $0x4000  }
0x7d: {  	[sflag:s0] =	ssyncset.done @!p1 $0x0  }
0x7e: {  	[sflag:s0] =	ssyncadd.s32 @!p1 $0xFFFFC000;
	s0 =	simm.s32 @!p1 $0x3  }
0x7f: {  	_ =	swait.ge @!p1 [sflag:s0], $0xA0  }
0x80: {  	[sflag:s0] =	ssyncset.done @!p1 $0x0  }
0x81: {  	[sflag:s0] =	ssyncadd.s32 @!p1 $0xFFFFFF60;
	s0 =	simm.s32 @p1 $0x2  }
0x82: {  	_ =	swait.ge @p1 [sflag:s0], $0x4000  }
0x83: {  	[sflag:s0] =	ssyncset.done @p1 $0x0  }
0x84: {  	[sflag:s0] =	ssyncadd.s32 @p1 $0xFFFFC000;
	s0 =	simm.s32 @p1 $0x4  }
0x85: {  	_ =	swait.ge @p1 [sflag:s0], $0xA0  }
0x86: {  	[sflag:s0] =	ssyncset.done @p1 $0x0  }
0x87: {  	s13 =	sadd.s32 $0x1, s14;
	p2 =	sne.s32 s19, $0x0;
	[sflag:s0] =	ssyncadd.s32 @p1 $0xFFFFFF60  }
0x88: {  	v1 =	vld @!p2 [tilespmem:s13+$0xB200];
	_ =	sdelay $0x4  }
0x89: {  	(v2sf) =	vpush @!p2 v1, $0x0;
	_ =	sdelay $0xe  }
0x8a: {  	s0 =	spop @!p2 (v2sf)  }
0x8b: {  	s2 =	sand.u32 @!p2 $0x7, s0  }
0x8c: {  	p3 =	slt.s32 @!p2 s0, $0x1;
	p4 =	sne.s32 @!p2 s2, $0x0  }
0x8d: {  	s2 =	sshra.s32 @!p2 s0, $0x1F;
	p3 =	por @!p2 !p3, !p4  }
0x8e: {  	s2 =	sshrl.u32 @!p2 s2, $0x1D;
	p3 =	por @!p2 !p3, !p3  }
0x8f: {  	s0 =	sadd.s32 @!p2 s2, s0;
	s2 =	simm.s32 @!p2 $0x1;
	p3 =	por !p3, p2  }
0x90: {  	s0 =	sshrl.u32 @!p2 s0, $0x3;
	s2 =	simm.s32 @p3 $0x0  }
0x91: {  	s0 =	ssub.s32 @!p2 s0, s2  }
0x92: {  	s0 =	sshll.u32 @!p2 s0, $0x3  }
0x93: {  	p3 =	slt.s32 @!p2 s0, $0x18620  }
0x94: {  	p3 =	por !p3, p2  }
0x95: {  	p4 =	slt.s32 @!p2 s0, $0x1;
	s0 =	simm.s32 @p3 $0x18620  }
0x96: {  	s2 =	sshrl.u32 @!p2 s0, $0x3  }
0x97: {  	s2 =	sand.u32 @!p2 $0x1, s2  }
0x98: {  	p3 =	seq.s32 @!p2 s2, $0x1  }
0x99: {  	s2 =	sshra.s32 @!p2 s0, $0x1F;
	p3 =	por @!p2 !p4, !p3  }
0x9a: {  	s5 =	simm.s32 @!p2 $0x1;
	s2 =	sshrl.u32 @!p2 s2, $0x1C;
	p3 =	por @!p2 !p3, !p3  }
0x9b: {  	s8 =	simm.s32 @!p2 $0x4000;
	s2 =	sadd.s32 @!p2 s2, s0;
	p3 =	por !p3, p2  }
0x9c: {  	s0 =	sshll.u32 @!p2 s0, $0x4;
	s2 =	sshrl.u32 @!p2 s2, $0x4;
	s5 =	simm.s32 @p3 $0x0  }
0x9d: {  	s0 =	sadd.s32 @!p2 s1, s0;
	s2 =	ssub.s32 @!p2 s2, s5;
	s5 =	simm.s32 @!p2 $0x0  }
0x9e: {  	[tilespmem:s8], [sflag:$0x2] =	stream.linear.gather @!p2 [hbm4b:s0+s5], $0x4000, $0x38;
	[tilespmem:$0xB280] =	vst v63  }
0x9f: {  	s0 =	sshll.u32 @!p2 s2, $0x1  }
0xa0: {  	p1 =	por !p1, !p1;
	p4 =	seq.s32 s14, $0x1F;
	s0 =	sand.u32 @!p2 $0x1FFFFFFE, s0  }
0xa1: {  	p1 =	por p4, p1;
	s2 =	simm.s32 @!p2 $0x80A0;
	s0 =	sadd.s32 @!p2 s3, s0  }
0xa2: {  	[tilespmem:s2], [sflag:$0x4] =	stream.linear.gather @!p2 [hbm4b:s0+s5], $0xA0, $0x38;
	[tilespmem:$0xB280] =	vst v63  }
0xa3: {  	v1 =	vld @!p1 [tilespmem:s13+$0xB200];
	_ =	sdelay $0x4  }
0xa4: {  	(v2sf) =	vpush @!p1 v1, $0x0;
	_ =	sdelay $0xe  }
0xa5: {  	s0 =	spop @!p1 (v2sf)  }
0xa6: {  	s2 =	sand.u32 @!p1 $0x7, s0  }
0xa7: {  	p2 =	slt.s32 @!p1 s0, $0x1;
	p3 =	sne.s32 @!p1 s2, $0x0  }
0xa8: {  	s2 =	sshra.s32 @!p1 s0, $0x1F;
	p2 =	por @!p1 !p2, !p3  }
0xa9: {  	s2 =	sshrl.u32 @!p1 s2, $0x1D;
	p2 =	por @!p1 !p2, !p2  }
0xaa: {  	s0 =	sadd.s32 @!p1 s2, s0;
	s2 =	simm.s32 @!p1 $0x1;
	p2 =	por !p2, p1  }
0xab: {  	s0 =	sshrl.u32 @!p1 s0, $0x3;
	s2 =	simm.s32 @p2 $0x0  }
0xac: {  	s0 =	ssub.s32 @!p1 s0, s2  }
0xad: {  	s0 =	sshll.u32 @!p1 s0, $0x3  }
0xae: {  	s25 =	sshra.s32 s15, $0x1F;
	p2 =	slt.s32 @!p1 s0, $0x18620  }
0xaf: {  	s26 =	sand.u32 $0x7, s15;
	p5 =	slt.s32 s15, $0x1;
	p3 =	por !p2, p1  }
0xb0: {  	p6 =	sne.s32 s26, $0x0;
	p2 =	slt.s32 @!p1 s0, $0x1;
	s0 =	simm.s32 @p3 $0x18620  }
0xb1: {  	s8 =	simm.s32 $0x1;
	s2 =	sshrl.u32 s25, $0x1D;
	s5 =	sshrl.u32 @!p1 s0, $0x3  }
0xb2: {  	s2 =	sadd.s32 s2, s15;
	p3 =	por !p5, !p6;
	s5 =	sand.u32 @!p1 $0x1, s5  }
0xb3: {  	s2 =	sshrl.u32 s2, $0x3;
	p3 =	por !p3, !p3;
	p4 =	seq.s32 @!p1 s5, $0x1  }
0xb4: {  	s8 =	simm.s32 @!p3 $0x0;
	s5 =	sshra.s32 @!p1 s0, $0x1F;
	p2 =	por @!p1 !p2, !p4  }
0xb5: {  	s2 =	ssub.s32 s2, s8;
	s5 =	sshrl.u32 @!p1 s5, $0x1C;
	p2 =	por @!p1 !p2, !p2  }
0xb6: {  	s8 =	simm.s32 @!p1 $0x1;
	s5 =	sadd.s32 @!p1 s5, s0;
	p2 =	por !p2, p1  }
0xb7: {  	s0 =	sshll.u32 @!p1 s0, $0x4;
	s5 =	sshrl.u32 @!p1 s5, $0x4;
	s8 =	simm.s32 @p2 $0x0  }
0xb8: {  	s0 =	sadd.s32 @!p1 s1, s0;
	s5 =	ssub.s32 @!p1 s5, s8;
	s8 =	simm.s32 @!p1 $0x0  }
0xb9: {  	[tilespmem:s8], [sflag:$0x1] =	stream.linear.gather @!p1 [hbm4b:s0+s8], $0x4000, $0x38;
	[tilespmem:$0xB280] =	vst v63  }
0xba: {  	s0 =	sshll.u32 s2, $0x3;
	s2 =	sshll.u32 @!p1 s5, $0x1  }
0xbb: {  	p2 =	slt.s32 s0, $0x18620;
	s20 =	smov.u32 s0;
	s2 =	sand.u32 @!p1 $0x1FFFFFFE, s2  }
0xbc: {  	s5 =	simm.s32 @!p1 $0x8000;
	s20 =	simm.s32 @!p2 $0x18620;
	s2 =	sadd.s32 @!p1 s3, s2  }
0xbd: {  	[tilespmem:s5], [sflag:$0x3] =	stream.linear.gather @!p1 [hbm4b:s2+s8], $0xA0, $0x38;
	[tilespmem:$0xB280] =	vst v63  }
0xbe: {  	s17 =	sadd.s32 $0x80, s20  }
0xbf: {  	p1 =	slt.s32 s16, s17;
	s23 =	smov.u32 s17  }
0xc0: {  	s23 =	smov.u32 @p1 s16  }
0xc1: {  	s24 =	ssub.s32 s23, s15  }
0xc2: {  	s28 =	sadd.s32 $0xF, s24  }
0xc3: {  	s29 =	sand.u32 $0xF, s28  }
0xc4: {  	s30 =	sshra.s32 s28, $0x1F;
	p5 =	slt.s32 s28, $0x1;
	p6 =	sne.s32 s29, $0x0  }
0xc5: {  	s31 =	sshrl.u32 s30, $0x1C;
	p1 =	por !p5, !p6  }
0xc6: {  	s5 =	simm.s32 $0x1;
	s2 =	sadd.s32 s31, s28;
	p1 =	por !p1, !p1  }
0xc7: {  	s2 =	sshra.s32 s2, $0x4;
	s5 =	simm.s32 @!p1 $0x0  }
0xc8: {  	s25 =	ssub.s32 s2, s5  }
0xc9: {  	p2 =	slt.s32 s25, $0x1  }
.Ltmp4:
0xca: {  	_ = 	snop;
	(pc) =	sbr.rel @p2 .LBB2_3-.Ltmp4, $3  }
0xcb: {  	_ =	sdelay $0x1  }
0xcc: {  	s22 =	simm.s32 $0x1;
	s21 =	simm.s32 $0x0;
	p1 =	seq.s32 s19, $0x0  }
0xcd: {  	s22 =	simm.s32 @!p0 $0x0;
	s21 =	simm.s32 @!p1 $0xA0  }
0xce: {  	s2 =	sshrl.u32 s20, $0x3  }
0xcf: {  	s2 =	sand.u32 $0x1, s2  }
0xd0: {  	s5 =	sshra.s32 s20, $0x1F;
	p1 =	slt.s32 s0, $0x1;
	p2 =	seq.s32 s2, $0x1  }
0xd1: {  	s30 =	sshrl.u32 s5, $0x1C;
	p1 =	por !p1, !p2  }
0xd2: {  	s0 =	sadd.s32 s30, s20;
	s2 =	simm.s32 $0x1;
	p1 =	por !p1, !p1  }
0xd3: {  	s0 =	sshra.s32 s0, $0x4;
	s2 =	simm.s32 @!p1 $0x0  }
0xd4: {  	s0 =	ssub.s32 s2, s0  }
0xd5: {  	v1 =	vimm.f32 $-Inf;
	v25 =	vimm.f32 $0.0e+00;
	s0 =	sshll.u32 s0, $0x6  }
0xd6: {  	v6 =	vimm.f32 $-Inf;
	v10 =	vimm.f32 $-Inf;
	v17 =	vimm.f32 $-Inf;
	s0 =	sshra.s32 s0, $0x2  }
0xd7: {  	v4 =	vimm.f32 $-Inf;
	v5 =	vimm.f32 $-Inf;
	v11 =	vimm.f32 $-Inf;
	s0 =	sadd.s32 s0, s21  }
0xd8: {  	s31 =	sshll.u32 s22, $0x7;
	v22 =	vimm.f32 $-Inf;
	v2 =	vimm.f32 $0.0e+00;
	v9 =	vimm.f32 $0.0e+00;
	s0 =	sadd.s32 $0x8000, s0  }
.Ltmp5:
0xd9: {  	v14 =	vimm.f32 $0.0e+00;
	v18 =	vimm.f32 $0.0e+00;
	v26 =	vmov s0;
	s0 =	sadd.s32 s31, s15;
	(pc) =	sbr.rel .LBB2_5-.Ltmp5, $4  }
0xda: {  	v7 =	vimm.f32 $0.0e+00;
	v12 =	vimm.f32 $0.0e+00;
	v15 =	vimm.f32 $0.0e+00;
	s0 =	ssub.s32 s0, s20  }
0xdb: {  	v23 =	vimm.f32 $0.0e+00;
	v3 =	vimm.f32 $0.0e+00;
	v13 =	vimm.f32 $0.0e+00;
	s0 =	sshll.u32 s0, $0x9  }
0xdc: {  	v19 =	vimm.f32 $0.0e+00;
	v20 =	vimm.f32 $0.0e+00;
	v8 =	vimm.f32 $0.0e+00;
	s28 =	simm.s32 $0x0;
	s0 =	sshra.s32 s0, $0x2  }
0xdd: {  	s6 =	simm.f32 $-Inf;
	s29 =	smov.u32 s24;
	v16 =	vimm.f32 $0.0e+00;
	v21 =	vimm.f32 $0.0e+00;
	v24 =	vimm.f32 $0.0e+00;
	s26 =	sor.u32 $0x40, s0  }
.LBB2_3:
0xde: {  	v22 =	vimm.f32 $-Inf  }
0xdf: {  	v24 =	vimm.f32 $0.0e+00;
	v21 =	vimm.f32 $0.0e+00;
	v16 =	vimm.f32 $0.0e+00  }
0xe0: {  	v8 =	vimm.f32 $0.0e+00;
	v20 =	vimm.f32 $0.0e+00;
	v19 =	vimm.f32 $0.0e+00  }
0xe1: {  	v13 =	vimm.f32 $0.0e+00;
	v3 =	vimm.f32 $0.0e+00;
	v23 =	vimm.f32 $0.0e+00  }
0xe2: {  	v15 =	vimm.f32 $0.0e+00;
	v12 =	vimm.f32 $0.0e+00;
	v7 =	vimm.f32 $0.0e+00  }
0xe3: {  	v18 =	vimm.f32 $0.0e+00;
	v14 =	vimm.f32 $0.0e+00;
	v9 =	vimm.f32 $0.0e+00  }
0xe4: {  	v2 =	vimm.f32 $0.0e+00;
	v11 =	vimm.f32 $-Inf;
	v5 =	vimm.f32 $-Inf  }
0xe5: {  	v4 =	vimm.f32 $-Inf;
	v17 =	vimm.f32 $-Inf;
	v10 =	vimm.f32 $-Inf  }
0xe6: {  	s6 =	simm.f32 $-Inf;
	v6 =	vimm.f32 $-Inf;
	v1 =	vimm.f32 $-Inf;
	v25 =	vimm.f32 $0.0e+00  }
.LBB2_14:
0xe7: {  	s0 =	ssub.s32 s16, s23  }
0xe8: {  	s0 =	sadd.s32 $0x7F, s0  }
0xe9: {  	s2 =	sand.u32 $0x7F, s0  }
0xea: {  	s5 =	sshra.s32 s0, $0x1F;
	p1 =	slt.s32 s0, $0x1;
	p2 =	sne.s32 s2, $0x0  }
0xeb: {  	s31 =	sshrl.u32 s5, $0x19;
	p1 =	por !p1, !p2  }
0xec: {  	s2 =	simm.s32 $0x1;
	s0 =	sadd.s32 s31, s0;
	p1 =	por !p1, !p1  }
0xed: {  	s0 =	sshra.s32 s0, $0x7;
	s2 =	simm.s32 @!p1 $0x0  }
0xee: {  	s23 =	ssub.s32 s0, s2  }
0xef: {  	p1 =	slt.s32 s23, $0x1  }
.Ltmp6:
0xf0: {  	_ = 	snop;
	(pc) =	sbr.rel @p1 .LBB2_28-.Ltmp6, $1  }
0xf1: {  	_ =	sdelay $0x3  }
.Ltmp7:
0xf2: {  	(pc) =	sbr.rel .LBB2_16-.Ltmp7, $4  }
0xf3: {  	s0 =	sshll.u32 s22, $0x10;
	s2 =	sshll.u32 s20, $0x9  }
0xf4: {  	s19 =	sshll.u32 s19, $0xE;
	s21 =	sor.u32 $0x8000, s21;
	s0 =	sadd.s32 s2, s0  }
0xf5: {  	s22 =	sadd.s32 $0x100, s20;
	s20 =	ssub.s32 $0xFFFFFF80, s20;
	s0 =	sshra.s32 s0, $0x2  }
0xf6: {  	s25 =	simm.s32 $0x0;
	s26 =	smov.u32 s17;
	v26 =	vmov s21;
	s24 =	sadd.s32 $0x4040, s0  }
.LBB2_27:
0xf7: {  	s25 =	sadd.s32 $0x1, s25  }
0xf8: {  	p1 =	sne.s32 s25, s23  }
.Ltmp8:
0xf9: {  	_ = 	snop;
	(pc) =	sbr.rel @!p1 .LBB2_28-.Ltmp8, $3  }
0xfa: {  	_ =	sdelay $0x1  }
0xfb: {  	s22 =	sadd.s32 $0x80, s22  }
0xfc: {  	s20 =	sadd.s32 $0xFFFFFF80, s20;
	s24 =	sadd.s32 $0x4000, s24;
	s26 =	sadd.s32 $0x80, s26  }
.LBB2_16:
0xfd: {  	s0 =	sshll.u32 s25, $0x7  }
0xfe: {  	s28 =	sadd.s32 s17, s0  }
0xff: {  	p1 =	slt.s32 s28, $0x18620;
	s0 =	smov.u32 s28  }
0x100: {  	s0 =	simm.s32 @!p1 $0x18620  }
0x101: {  	s2 =	sshrl.u32 s0, $0x3  }
0x102: {  	s5 =	sshra.s32 s0, $0x1F;
	s2 =	sand.u32 $0x1, s2  }
0x103: {  	p4 =	slt.s32 s28, $0x1;
	s5 =	sshrl.u32 s5, $0x1C;
	p2 =	seq.s32 s2, $0x1  }
0x104: {  	s2 =	sadd.s32 s5, s0;
	s0 =	sshll.u32 s0, $0x4;
	p1 =	por !p4, !p2  }
0x105: {  	s5 =	simm.s32 $0x1;
	s0 =	sadd.s32 s1, s0;
	p1 =	por !p1, !p1  }
0x106: {  	[tilespmem:s19], [sflag:$0x5] =	stream.linear.gather [hbm4b:s0+s4], $0x4000, $0x38;
	[tilespmem:$0xB280] =	vst v63  }
0x107: {  	s2 =	sshrl.u32 s2, $0x4;
	s5 =	simm.s32 @!p1 $0x0  }
0x108: {  	s2 =	ssub.s32 s2, s5  }
0x109: {  	_ =	swait.ge [sflag:s9], $0x4000;
	s29 =	sshll.u32 s2, $0x4  }
0x10a: {  	[sflag:s9] =	ssyncset.done $0x0;
	s8 =	sshrl.u32 s29, $0x3  }
0x10b: {  	[sflag:s9] =	ssyncadd.s32 $0xFFFFC000;
	s0 =	sadd.s32 s3, s8  }
0x10c: {  	[tilespmem:s21], [sflag:$0x5] =	stream.linear.gather [hbm4b:s0+s4], $0xA0, $0x38;
	[tilespmem:$0xB280] =	vst v63  }
0x10d: {  	s0 =	sadd.s32 $0x80, s28  }
0x10e: {  	s2 =	smov.u32 s16;
	p1 =	slt.s32 s0, s16  }
0x10f: {  	s2 =	smov.u32 @p1 s0  }
0x110: {  	s30 =	ssub.s32 s2, s28  }
0x111: {  	s10 =	sadd.s32 $0xF, s30  }
0x112: {  	s11 =	sand.u32 $0xF, s10  }
0x113: {  	s18 =	sshra.s32 s10, $0x1F;
	p6 =	slt.s32 s10, $0x1;
	p5 =	sne.s32 s11, $0x0  }
0x114: {  	s2 =	sshrl.u32 s18, $0x1C;
	p1 =	por !p6, !p5  }
0x115: {  	s0 =	sadd.s32 s2, s10;
	s2 =	simm.s32 $0x1;
	p1 =	por !p1, !p1  }
0x116: {  	s0 =	sshra.s32 s0, $0x4;
	s2 =	simm.s32 @!p1 $0x0  }
0x117: {  	s31 =	ssub.s32 s0, s2  }
0x118: {  	p1 =	slt.s32 s31, $0x1  }
.Ltmp9:
0x119: {  	_ = 	snop;
	(pc) =	sbr.rel @p1 .LBB2_27-.Ltmp9, $4  }
0x11a: {  	_ = 	snop  }
0x11b: {  	_ =	swait.ge [sflag:s9], $0xA0  }
0x11c: {  	[sflag:s9] =	ssyncset.done $0x0  }
0x11d: {  	[sflag:s9] =	ssyncadd.s32 $0xFFFFFF60  }
0x11e: {  	p1 =	slt.s32 s26, $0x18620;
	s0 =	smov.u32 s26  }
.Ltmp10:
0x11f: {  	s0 =	simm.s32 @!p1 $0x18620;
	(pc) =	sbr.rel .LBB2_18-.Ltmp10, $4  }
0x120: {  	s0 =	sshll.u32 s0, $0x9  }
0x121: {  	s2 =	smov.u32 s22;
	p1 =	slt.s32 s16, s22;
	s0 =	ssub.s32 $0x0, s0  }
0x122: {  	s2 =	smov.u32 @p1 s16;
	s0 =	sshra.s32 s0, $0x2  }
0x123: {  	s8 =	simm.s32 $0x0;
	s10 =	sadd.s32 s0, s24;
	s0 =	sadd.s32 s20, s2  }
.LBB2_20:
0x124: {  	v33 =	vmov v20;
	v34 =	vmov v18  }
0x125: {  	v35 =	vmovc v24;
	v36 =	vmovc v14;
	v38 =	vmov v22;
	v39 =	vmov v17;
	v40 =	vmov v9  }
0x126: {  	s2 =	smov.u32 s10;
	v41 =	vmovc v23;
	v42 =	vmovc v19;
	v43 =	vmov v10;
	v44 =	vmov v13;
	v45 =	vmov v6  }
.LBB2_25:
0x127: {  	v33 =	vadd.f32 @p1 v30, v33  }
0x128: {  	v34 =	vadd.f32 @p1 v46, v34;
	v46 =	vmul.f32 @p1 v32, v49;
	v49 =	vmul.f32 @p1 v37, v49  }
0x129: {  	v47 =	vld [tilespmem:s2+$0x30];
	v35 =	vadd.f32 @p1 v37, v35;
	v36 =	vadd.f32 @p1 v48, v36;
	v37 =	vmax.f32 @p1 v38, v37  }
0x12a: {  	v50 =	vld [tilespmem:s2+$0xFFFFFFD0];
	v30 =	vmax.f32 @p1 v39, v30;
	v22 =	vpsel p1, v37, v22;
	v38 =	vadd.f32 @p1 v46, v40  }
0x12b: {  	v52 =	vld [tilespmem:s2+$0xFFFFFFE0];
	v17 =	vpsel p1, v30, v17;
	v40 =	vadd.f32 @p1 v49, v41;
	v41 =	vadd.f32 @p1 v31, v42  }
0x12c: {  	v53 =	vld [tilespmem:s2+$0xFFFFFFF0];
	v31 =	vmax.f32 @p1 v43, v31;
	v42 =	vadd.f32 @p1 v32, v44;
	v32 =	vmax.f32 @p1 v45, v32  }
0x12d: {  	v54 =	vld [tilespmem:s2+$0x0];
	v20 =	vpsel p1, v33, v20;
	v18 =	vpsel p1, v34, v18;
	v24 =	vpsel p1, v35, v24  }
0x12e: {  	v56 =	vld [tilespmem:s2+$0x10];
	v14 =	vpsel p1, v36, v14;
	v10 =	vpsel p1, v31, v10;
	v6 =	vpsel p1, v32, v6  }
0x12f: {  	v60 =	vld [tilespmem:s2+$0x20];
	v9 =	vpsel p1, v38, v9;
	v23 =	vpsel p1, v40, v23;
	v19 =	vpsel p1, v41, v19  }
0x130: {  	v62 =	vld [tilespmem:s2+$0xFFFFFFC0];
	v13 =	vpsel p1, v42, v13;
	v3 =	vadd.f32 v47, v3;
	v55 =	vmul.f32 v47, v29  }
0x131: {  	v1 =	vmax.f32 v1, v47;
	v21 =	vadd.f32 v50, v21;
	v57 =	vmul.f32 v50, v29  }
0x132: {  	v11 =	vmax.f32 v11, v50;
	v16 =	vadd.f32 v52, v16;
	v58 =	vmul.f32 v52, v29  }
0x133: {  	v59 =	vmul.f32 v53, v29;
	v5 =	vmax.f32 v5, v52;
	v8 =	vadd.f32 v53, v8  }
0x134: {  	v61 =	vmul.f32 v54, v29;
	v4 =	vmax.f32 v4, v53;
	v63 =	vmul.f32 v56, v29  }
0x135: {  	v20 =	vadd.f32 v54, v20;
	v30 =	vmul.f32 v60, v29;
	v24 =	vadd.f32 v62, v24  }
0x136: {  	v29 =	vmul.f32 v62, v29;
	v19 =	vadd.f32 v56, v19;
	v13 =	vadd.f32 v60, v13  }
0x137: {  	v22 =	vmax.f32 v22, v62;
	v2 =	vadd.f32 v55, v2;
	v15 =	vadd.f32 v57, v15  }
0x138: {  	v17 =	vmax.f32 v17, v54;
	v12 =	vadd.f32 v58, v12;
	v7 =	vadd.f32 v59, v7  }
0x139: {  	v10 =	vmax.f32 v10, v56;
	v18 =	vadd.f32 v61, v18;
	v14 =	vadd.f32 v63, v14  }
0x13a: {  	v6 =	vmax.f32 v6, v60;
	v9 =	vadd.f32 v30, v9;
	v23 =	vadd.f32 v29, v23  }
.LBB2_26:
0x13b: {  	s8 =	sadd.s32 $0x1, s8  }
0x13c: {  	p1 =	sne.s32 s8, s31  }
.Ltmp11:
0x13d: {  	_ = 	snop;
	(pc) =	sbr.rel @!p1 .LBB2_27-.Ltmp11, $3  }
0x13e: {  	v25 =	vmul.f32 v27, v25;
	_ =	sdelay $0x1  }
0x13f: {  	v25 =	vadd.f32 v25, v28  }
0x140: {  	s0 =	sadd.s32 $0xFFFFFFF0, s0;
	s10 =	sadd.s32 $0x800, s10  }
.LBB2_18:
0x141: {  	_ = 	snop  }
0x142: {  	s2 =	sshll.u32 s8, $0x4  }
0x143: {  	s5 =	sadd.s32 s28, s2  }
0x144: {  	s5 =	ssub.s32 s5, s29  }
0x145: {  	v27 =	vld.idx.msk [tilespmem:v26+s5+$0x0 ss:$0x1], $0xffff;
	_ =	sdelay $0x1  }
0x146: {  	s2 =	ssub.s32 s30, s2  }
0x147: {  	v28 =	vmov s2  }
0x148: {  	vm0 =	vgt.s32 v28, v0  }
0x149: {  	v28 =	vnsel vm0, $0xFF800000, v27  }
0x14a: {  	(v2sf) =	vpush v28, $0x0  }
0x14b: {  	(v2sf) =	vpush v28, $0x1  }
0x14c: {  	(v2sf) =	vpush v28, $0x2  }
0x14d: {  	(v2sf) =	vpush v28, $0x3  }
0x14e: {  	(v2sf) =	vpush v28, $0x4  }
0x14f: {  	(v2sf) =	vpush v28, $0x5  }
0x150: {  	(v2sf) =	vpush v28, $0x6  }
0x151: {  	(v2sf) =	vpush v28, $0x7  }
0x152: {  	(v2sf) =	vpush v28, $0x8  }
0x153: {  	(v2sf) =	vpush v28, $0x9  }
0x154: {  	(v2sf) =	vpush v28, $0xA  }
0x155: {  	(v2sf) =	vpush v28, $0xB  }
0x156: {  	(v2sf) =	vpush v28, $0xC  }
0x157: {  	(v2sf) =	vpush v28, $0xD  }
0x158: {  	(v2sf) =	vpush v28, $0xE  }
0x159: {  	s18 =	spop (v2sf);
	(v2sf) =	vpush v28, $0xF  }
0x15a: {  	s11 =	spop (v2sf)  }
0x15b: {  	s5 =	smax.f32 s18, s11;
	s18 =	spop (v2sf)  }
0x15c: {  	s5 =	smax.f32 s5, s18;
	s18 =	spop (v2sf)  }
0x15d: {  	s5 =	smax.f32 s5, s18;
	s18 =	spop (v2sf)  }
0x15e: {  	s5 =	smax.f32 s5, s18;
	s18 =	spop (v2sf)  }
0x15f: {  	s5 =	smax.f32 s5, s18;
	s18 =	spop (v2sf)  }
0x160: {  	s5 =	smax.f32 s5, s18;
	s18 =	spop (v2sf)  }
0x161: {  	s5 =	smax.f32 s5, s18;
	s18 =	spop (v2sf)  }
0x162: {  	s5 =	smax.f32 s5, s18;
	s18 =	spop (v2sf)  }
0x163: {  	s5 =	smax.f32 s5, s18;
	s18 =	spop (v2sf)  }
0x164: {  	s5 =	smax.f32 s5, s18;
	s18 =	spop (v2sf)  }
0x165: {  	s5 =	smax.f32 s5, s18;
	s18 =	spop (v2sf)  }
0x166: {  	s5 =	smax.f32 s5, s18;
	s18 =	spop (v2sf)  }
0x167: {  	s5 =	smax.f32 s5, s18;
	s18 =	spop (v2sf)  }
0x168: {  	s5 =	smax.f32 s5, s18;
	s11 =	spop (v2sf)  }
0x169: {  	s5 =	smax.f32 s5, s11  }
0x16a: {  	s18 =	smov.u32 s6;
	s6 =	smax.f32 s6, s5  }
0x16b: {  	s5 =	ssub.f32 s18, s6;
	_ =	sdelay $0x1  }
0x16c: {  	v28 =	vmov s5  }
0x16d: {  	v28 =	vadd.f32 $0.0e+00, v28;
	_ =	sdelay $0x1  }
0x16e: {  	v28 =	vmul.f32 $1.442695020e+00, v28  }
0x16f: {  	v29 =	vmov s6  }
0x170: {  	v27 =	vsub.f32 v27, v29;
	v28 =	vbroadcast v28, $0x0;
	_ =	sdelay $0x1  }
0x171: {  	v27 =	vmul.f32 $1.442695020e+00, v27;
	(erf) = vpow2.f32 v28;
	_ =	sdelay $0x1  }
0x172: {  	(erf) = vpow2.f32 v27;
	_ =	sdelay $0x5  }
0x173: {  	p1 =	slt.s32 s2, $0x1  }
.Ltmp12:
0x174: {  	v27 =	vpop (erf);
	(pc) =	sbr.rel @p1 .LBB2_26-.Ltmp12, $4  }
0x175: {  	v23 =	vmul.f32 v27, v23;
	v15 =	vmul.f32 v27, v15  }
0x176: {  	v28 =	vpop (erf);
	v12 =	vmul.f32 v27, v12;
	v7 =	vmul.f32 v27, v7  }
0x177: {  	v18 =	vmul.f32 v27, v18;
	v14 =	vmul.f32 v27, v14;
	v28 =	vnsel vm0, $0x0, v28  }
0x178: {  	v9 =	vmul.f32 v27, v9;
	v2 =	vmul.f32 v27, v2;
	[tilespmem:$0xB180] =	vst v28  }
0x179: {  	p1 =	sgt.s32 s0, $0x1;
	s2 =	smov.u32 s0  }
0x17a: {  	s2 =	simm.s32 @!p1 $0x1  }
0x17b: {  	s2 =	smin.u32 s2, $0x10  }
0x17c: {  	s5 =	simm.s32 $0xB180;
	p2 =	sne.s32 s2, $0x1  }
.Ltmp13:
0x17d: {  	v29 =	vld.msk [tilespmem:s5+$0x0 ss:$0x0], $0xffff;
	(pc) =	sbr.rel @!p2 .LBB2_20-.Ltmp13, $2  }
0x17e: {  	_ =	sdelay $0x2  }
0x17f: {  	p1 =	por $0x0, $0x0;
	s2 =	sadd.s32 $0xFFFFFFFF, s2  }
0x180: {  	v32 =	vld [tilespmem:s10+$0x30]  }
0x181: {  	v33 =	vld [tilespmem:s10+$0xFFFFFFD0]  }
0x182: {  	v34 =	vld [tilespmem:s10+$0xFFFFFFE0]  }
0x183: {  	v35 =	vld [tilespmem:s10+$0xFFFFFFF0]  }
0x184: {  	v30 =	vld [tilespmem:s10+$0x0]  }
0x185: {  	v31 =	vld [tilespmem:s10+$0x10];
	v38 =	vmovc v22;
	v39 =	vmovc v17;
	v40 =	vmov v9;
	v41 =	vmov v23;
	v3 =	vadd.f32 v32, v3  }
0x186: {  	p2 =	sne.s32 s2, $0x1;
	v42 =	vmovc v19;
	v36 =	vmul.f32 v32, v29;
	v1 =	vmax.f32 v1, v32;
	v37 =	vmul.f32 v33, v29  }
.Ltmp14:
0x187: {  	v43 =	vmovc v10;
	v21 =	vadd.f32 v33, v21;
	v11 =	vmax.f32 v11, v33;
	v16 =	vadd.f32 v34, v16;
	v32 =	vld [tilespmem:s10+$0x20];
	(pc) =	sbr.rel @!p2 .LBB2_22-.Ltmp14, $4  }
0x188: {  	v44 =	vmovc v13;
	v62 =	vmul.f32 v34, v29;
	v5 =	vmax.f32 v5, v34;
	v15 =	vadd.f32 v37, v15;
	v37 =	vld [tilespmem:s10+$0xFFFFFFC0]  }
0x189: {  	v45 =	vmovc v6;
	v63 =	vmul.f32 v35, v29;
	v8 =	vadd.f32 v35, v8;
	v46 =	vmul.f32 v30, v29  }
0x18a: {  	s11 =	simm.s32 $0xB181;
	v4 =	vmax.f32 v4, v35;
	v48 =	vmul.f32 v31, v29;
	v33 =	vmovc v20;
	v2 =	vadd.f32 v36, v2  }
0x18b: {  	s5 =	sadd.s32 $0xFFFFFFFF, s2;
	s2 =	sadd.s32 $0x80, s10;
	p1 =	por $0x1, $0x1;
	v47 =	vld.msk [tilespmem:s11+$0x0 ss:$0x0], $0xffff;
	v34 =	vmovc v18;
	v35 =	vmovc v24;
	v12 =	vadd.f32 v62, v12;
	v7 =	vadd.f32 v63, v7;
	v36 =	vmov v14  }
.LBB2_23:
0x18c: {  	p2 =	sne.s32 s5, $0x1;
	v49 =	vld [tilespmem:s2+$0x30];
	v33 =	vadd.f32 v30, v33;
	v34 =	vadd.f32 v46, v34;
	v46 =	vmul.f32 v32, v29  }
0x18d: {  	v50 =	vld [tilespmem:s2+$0xFFFFFFD0];
	v35 =	vadd.f32 v37, v35;
	v29 =	vmul.f32 v37, v29;
	v36 =	vadd.f32 v48, v36  }
0x18e: {  	v39 =	vmax.f32 v39, v30;
	v38 =	vmax.f32 v38, v37;
	v48 =	vld [tilespmem:s2+$0xFFFFFFE0];
	v40 =	vadd.f32 v46, v40  }
0x18f: {  	v42 =	vadd.f32 v31, v42;
	v43 =	vmax.f32 v43, v31;
	v51 =	vld [tilespmem:s2+$0xFFFFFFF0];
	v41 =	vadd.f32 v29, v41  }
0x190: {  	v44 =	vadd.f32 v32, v44;
	v45 =	vmax.f32 v45, v32;
	v30 =	vld [tilespmem:s2+$0x0]  }
0x191: {  	v31 =	vld [tilespmem:s2+$0x10];
	v3 =	vadd.f32 v49, v3;
	v46 =	vmul.f32 v49, v47;
	v1 =	vmax.f32 v1, v49;
	v29 =	vmovc v47  }
.Ltmp15:
0x192: {  	v21 =	vadd.f32 v50, v21;
	v47 =	vmul.f32 v50, v29;
	v11 =	vmax.f32 v11, v50;
	v32 =	vld [tilespmem:s2+$0x20];
	(pc) =	sbr.rel @p2 .LBB2_23-.Ltmp15, $4  }
0x193: {  	v37 =	vld [tilespmem:s2+$0xFFFFFFC0];
	v16 =	vadd.f32 v48, v16;
	v49 =	vmul.f32 v48, v29;
	v2 =	vadd.f32 v46, v2  }
0x194: {  	v5 =	vmax.f32 v5, v48;
	v15 =	vadd.f32 v47, v15;
	v48 =	vmul.f32 v51, v29  }
0x195: {  	s11 =	sadd.s32 $0x1, s11;
	v8 =	vadd.f32 v51, v8;
	v12 =	vadd.f32 v49, v12;
	v46 =	vmul.f32 v30, v29  }
0x196: {  	s5 =	sadd.s32 $0xFFFFFFFF, s5;
	s2 =	sadd.s32 $0x80, s2;
	v4 =	vmax.f32 v4, v51;
	v47 =	vld.msk [tilespmem:s11+$0x0 ss:$0x0], $0xffff;
	v7 =	vadd.f32 v48, v7;
	v48 =	vmul.f32 v31, v29  }
.Ltmp16:
0x197: {  	_ = 	snop;
	(pc) =	sbr.rel .LBB2_25-.Ltmp16, $2  }
0x198: {  	_ =	sdelay $0x2  }
0x199: {  	v49 =	vmov v29;
	v29 =	vmov v47  }
.LBB2_22:
.Ltmp17:
0x19a: {  	_ = 	snop;
	(pc) =	sbr.rel .LBB2_25-.Ltmp17, $4  }
0x19b: {  	_ = 	snop  }
0x19c: {  	v49 =	vmovc v29;
	v33 =	vmov v20;
	v34 =	vmov v18;
	v35 =	vmov v24  }
0x19d: {  	v36 =	vmovc v14;
	v38 =	vmovc v22;
	v39 =	vmov v17;
	v40 =	vmov v9;
	v41 =	vmov v23  }
0x19e: {  	v42 =	vmovc v19;
	v43 =	vmovc v10;
	v44 =	vmov v13;
	v45 =	vmov v6;
	v29 =	vmov v47  }
.LBB2_7:
0x19f: {  	v33 =	vmov v20;
	v34 =	vmov v18  }
0x1a0: {  	v35 =	vmovc v24;
	v36 =	vmovc v14;
	v38 =	vmov v22;
	v39 =	vmov v17;
	v40 =	vmov v9  }
0x1a1: {  	s0 =	smov.u32 s26;
	v41 =	vmovc v23;
	v42 =	vmovc v19;
	v43 =	vmov v10;
	v44 =	vmov v13;
	v45 =	vmov v6  }
.LBB2_12:
0x1a2: {  	v33 =	vadd.f32 @p1 v30, v33  }
0x1a3: {  	v34 =	vadd.f32 @p1 v46, v34;
	v46 =	vmul.f32 @p1 v32, v49;
	v49 =	vmul.f32 @p1 v37, v49  }
0x1a4: {  	v47 =	vld [tilespmem:s0+$0x30];
	v35 =	vadd.f32 @p1 v37, v35;
	v36 =	vadd.f32 @p1 v48, v36;
	v37 =	vmax.f32 @p1 v38, v37  }
0x1a5: {  	v50 =	vld [tilespmem:s0+$0xFFFFFFD0];
	v30 =	vmax.f32 @p1 v39, v30;
	v22 =	vpsel p1, v37, v22;
	v38 =	vadd.f32 @p1 v46, v40  }
0x1a6: {  	v52 =	vld [tilespmem:s0+$0xFFFFFFE0];
	v17 =	vpsel p1, v30, v17;
	v40 =	vadd.f32 @p1 v49, v41;
	v41 =	vadd.f32 @p1 v31, v42  }
0x1a7: {  	v53 =	vld [tilespmem:s0+$0xFFFFFFF0];
	v31 =	vmax.f32 @p1 v43, v31;
	v42 =	vadd.f32 @p1 v32, v44;
	v32 =	vmax.f32 @p1 v45, v32  }
0x1a8: {  	v54 =	vld [tilespmem:s0+$0x0];
	v20 =	vpsel p1, v33, v20;
	v18 =	vpsel p1, v34, v18;
	v24 =	vpsel p1, v35, v24  }
0x1a9: {  	v56 =	vld [tilespmem:s0+$0x10];
	v14 =	vpsel p1, v36, v14;
	v10 =	vpsel p1, v31, v10;
	v6 =	vpsel p1, v32, v6  }
0x1aa: {  	v60 =	vld [tilespmem:s0+$0x20];
	v9 =	vpsel p1, v38, v9;
	v23 =	vpsel p1, v40, v23;
	v19 =	vpsel p1, v41, v19  }
0x1ab: {  	v62 =	vld [tilespmem:s0+$0xFFFFFFC0];
	v13 =	vpsel p1, v42, v13;
	v3 =	vadd.f32 v47, v3;
	v55 =	vmul.f32 v47, v29  }
0x1ac: {  	v1 =	vmax.f32 v1, v47;
	v21 =	vadd.f32 v50, v21;
	v57 =	vmul.f32 v50, v29  }
0x1ad: {  	v11 =	vmax.f32 v11, v50;
	v16 =	vadd.f32 v52, v16;
	v58 =	vmul.f32 v52, v29  }
0x1ae: {  	v59 =	vmul.f32 v53, v29;
	v5 =	vmax.f32 v5, v52;
	v8 =	vadd.f32 v53, v8  }
0x1af: {  	v61 =	vmul.f32 v54, v29;
	v4 =	vmax.f32 v4, v53;
	v63 =	vmul.f32 v56, v29  }
0x1b0: {  	v20 =	vadd.f32 v54, v20;
	v30 =	vmul.f32 v60, v29;
	v24 =	vadd.f32 v62, v24  }
0x1b1: {  	v29 =	vmul.f32 v62, v29;
	v19 =	vadd.f32 v56, v19;
	v13 =	vadd.f32 v60, v13  }
0x1b2: {  	v22 =	vmax.f32 v22, v62;
	v2 =	vadd.f32 v55, v2;
	v15 =	vadd.f32 v57, v15  }
0x1b3: {  	v17 =	vmax.f32 v17, v54;
	v12 =	vadd.f32 v58, v12;
	v7 =	vadd.f32 v59, v7  }
0x1b4: {  	v10 =	vmax.f32 v10, v56;
	v18 =	vadd.f32 v61, v18;
	v14 =	vadd.f32 v63, v14  }
0x1b5: {  	v6 =	vmax.f32 v6, v60;
	v9 =	vadd.f32 v30, v9;
	v23 =	vadd.f32 v29, v23  }
.LBB2_13:
0x1b6: {  	s28 =	sadd.s32 $0x1, s28  }
0x1b7: {  	p1 =	sne.s32 s28, s25  }
.Ltmp18:
0x1b8: {  	_ = 	snop;
	(pc) =	sbr.rel @!p1 .LBB2_14-.Ltmp18, $3  }
0x1b9: {  	v25 =	vmul.f32 v27, v25;
	_ =	sdelay $0x1  }
0x1ba: {  	v25 =	vadd.f32 v25, v28  }
0x1bb: {  	s29 =	sadd.s32 $0xFFFFFFF0, s29;
	s26 =	sadd.s32 $0x800, s26  }
.LBB2_5:
0x1bc: {  	_ =	sdelay $0x1  }
0x1bd: {  	s0 =	sshll.u32 s28, $0x4  }
0x1be: {  	s2 =	sadd.s32 s15, s0  }
0x1bf: {  	v27 =	vld.idx.msk [tilespmem:v26+s2+$0x0 ss:$0x1], $0xffff;
	_ =	sdelay $0x1  }
0x1c0: {  	s0 =	ssub.s32 s24, s0  }
0x1c1: {  	v28 =	vmov s0  }
0x1c2: {  	vm0 =	vgt.s32 v28, v0  }
0x1c3: {  	v28 =	vnsel vm0, $0xFF800000, v27  }
0x1c4: {  	(v2sf) =	vpush v28, $0x0  }
0x1c5: {  	(v2sf) =	vpush v28, $0x1  }
0x1c6: {  	(v2sf) =	vpush v28, $0x2  }
0x1c7: {  	(v2sf) =	vpush v28, $0x3  }
0x1c8: {  	(v2sf) =	vpush v28, $0x4  }
0x1c9: {  	(v2sf) =	vpush v28, $0x5  }
0x1ca: {  	(v2sf) =	vpush v28, $0x6  }
0x1cb: {  	(v2sf) =	vpush v28, $0x7  }
0x1cc: {  	(v2sf) =	vpush v28, $0x8  }
0x1cd: {  	(v2sf) =	vpush v28, $0x9  }
0x1ce: {  	(v2sf) =	vpush v28, $0xA  }
0x1cf: {  	(v2sf) =	vpush v28, $0xB  }
0x1d0: {  	(v2sf) =	vpush v28, $0xC  }
0x1d1: {  	(v2sf) =	vpush v28, $0xD  }
0x1d2: {  	(v2sf) =	vpush v28, $0xE  }
0x1d3: {  	s18 =	spop (v2sf);
	(v2sf) =	vpush v28, $0xF  }
0x1d4: {  	s5 =	spop (v2sf)  }
0x1d5: {  	s2 =	smax.f32 s18, s5;
	s30 =	spop (v2sf)  }
0x1d6: {  	s2 =	smax.f32 s2, s30;
	s31 =	spop (v2sf)  }
0x1d7: {  	s2 =	smax.f32 s2, s31;
	s8 =	spop (v2sf)  }
0x1d8: {  	s2 =	smax.f32 s2, s8;
	s10 =	spop (v2sf)  }
0x1d9: {  	s2 =	smax.f32 s2, s10;
	s11 =	spop (v2sf)  }
0x1da: {  	s2 =	smax.f32 s2, s11;
	s18 =	spop (v2sf)  }
0x1db: {  	s2 =	smax.f32 s2, s18;
	s30 =	spop (v2sf)  }
0x1dc: {  	s2 =	smax.f32 s2, s30;
	s31 =	spop (v2sf)  }
0x1dd: {  	s2 =	smax.f32 s2, s31;
	s8 =	spop (v2sf)  }
0x1de: {  	s2 =	smax.f32 s2, s8;
	s10 =	spop (v2sf)  }
0x1df: {  	s2 =	smax.f32 s2, s10;
	s11 =	spop (v2sf)  }
0x1e0: {  	s2 =	smax.f32 s2, s11;
	s18 =	spop (v2sf)  }
0x1e1: {  	s2 =	smax.f32 s2, s18;
	s30 =	spop (v2sf)  }
0x1e2: {  	s2 =	smax.f32 s2, s30;
	s31 =	spop (v2sf)  }
0x1e3: {  	s2 =	smax.f32 s2, s31  }
0x1e4: {  	s8 =	smov.u32 s6;
	s6 =	smax.f32 s6, s2  }
0x1e5: {  	s2 =	ssub.f32 s8, s6;
	_ =	sdelay $0x1  }
0x1e6: {  	v28 =	vmov s2  }
0x1e7: {  	v28 =	vadd.f32 $0.0e+00, v28;
	_ =	sdelay $0x1  }
0x1e8: {  	v28 =	vmul.f32 $1.442695020e+00, v28  }
0x1e9: {  	v29 =	vmov s6  }
0x1ea: {  	v27 =	vsub.f32 v27, v29;
	v28 =	vbroadcast v28, $0x0;
	_ =	sdelay $0x1  }
0x1eb: {  	v27 =	vmul.f32 $1.442695020e+00, v27;
	(erf) = vpow2.f32 v28;
	_ =	sdelay $0x1  }
0x1ec: {  	(erf) = vpow2.f32 v27;
	_ =	sdelay $0x5  }
0x1ed: {  	p1 =	slt.s32 s0, $0x1  }
.Ltmp19:
0x1ee: {  	v27 =	vpop (erf);
	(pc) =	sbr.rel @p1 .LBB2_13-.Ltmp19, $4  }
0x1ef: {  	v23 =	vmul.f32 v27, v23;
	v15 =	vmul.f32 v27, v15  }
0x1f0: {  	v28 =	vpop (erf);
	v12 =	vmul.f32 v27, v12;
	v7 =	vmul.f32 v27, v7  }
0x1f1: {  	v18 =	vmul.f32 v27, v18;
	v14 =	vmul.f32 v27, v14;
	v28 =	vnsel vm0, $0x0, v28  }
0x1f2: {  	v9 =	vmul.f32 v27, v9;
	v2 =	vmul.f32 v27, v2;
	[tilespmem:$0xB180] =	vst v28  }
0x1f3: {  	p1 =	sgt.s32 s29, $0x1;
	s0 =	smov.u32 s29  }
0x1f4: {  	s0 =	simm.s32 @!p1 $0x1  }
0x1f5: {  	s0 =	smin.u32 s0, $0x10  }
0x1f6: {  	s2 =	simm.s32 $0xB180;
	p2 =	sne.s32 s0, $0x1  }
.Ltmp20:
0x1f7: {  	v29 =	vld.msk [tilespmem:s2+$0x0 ss:$0x0], $0xffff;
	(pc) =	sbr.rel @!p2 .LBB2_7-.Ltmp20, $2  }
0x1f8: {  	_ =	sdelay $0x2  }
0x1f9: {  	p1 =	por $0x0, $0x0;
	s0 =	sadd.s32 $0xFFFFFFFF, s0  }
0x1fa: {  	v32 =	vld [tilespmem:s26+$0x30]  }
0x1fb: {  	v33 =	vld [tilespmem:s26+$0xFFFFFFD0]  }
0x1fc: {  	v34 =	vld [tilespmem:s26+$0xFFFFFFE0]  }
0x1fd: {  	v35 =	vld [tilespmem:s26+$0xFFFFFFF0]  }
0x1fe: {  	v30 =	vld [tilespmem:s26+$0x0]  }
0x1ff: {  	v31 =	vld [tilespmem:s26+$0x10];
	v38 =	vmovc v22;
	v39 =	vmovc v17;
	v40 =	vmov v9;
	v41 =	vmov v23;
	v3 =	vadd.f32 v32, v3  }
0x200: {  	p2 =	sne.s32 s0, $0x1;
	v42 =	vmovc v19;
	v36 =	vmul.f32 v32, v29;
	v1 =	vmax.f32 v1, v32;
	v37 =	vmul.f32 v33, v29  }
.Ltmp21:
0x201: {  	v43 =	vmovc v10;
	v21 =	vadd.f32 v33, v21;
	v11 =	vmax.f32 v11, v33;
	v16 =	vadd.f32 v34, v16;
	v32 =	vld [tilespmem:s26+$0x20];
	(pc) =	sbr.rel @!p2 .LBB2_9-.Ltmp21, $4  }
0x202: {  	v44 =	vmovc v13;
	v62 =	vmul.f32 v34, v29;
	v5 =	vmax.f32 v5, v34;
	v15 =	vadd.f32 v37, v15;
	v37 =	vld [tilespmem:s26+$0xFFFFFFC0]  }
0x203: {  	v45 =	vmovc v6;
	v63 =	vmul.f32 v35, v29;
	v8 =	vadd.f32 v35, v8;
	v46 =	vmul.f32 v30, v29  }
0x204: {  	s2 =	simm.s32 $0xB181;
	v4 =	vmax.f32 v4, v35;
	v48 =	vmul.f32 v31, v29;
	v33 =	vmovc v20;
	v2 =	vadd.f32 v36, v2  }
0x205: {  	s8 =	sadd.s32 $0xFFFFFFFF, s0;
	s0 =	sadd.s32 $0x80, s26;
	p1 =	por $0x1, $0x1;
	v47 =	vld.msk [tilespmem:s2+$0x0 ss:$0x0], $0xffff;
	v34 =	vmovc v18;
	v35 =	vmovc v24;
	v12 =	vadd.f32 v62, v12;
	v7 =	vadd.f32 v63, v7;
	v36 =	vmov v14  }
.LBB2_10:
0x206: {  	p2 =	sne.s32 s8, $0x1;
	v49 =	vld [tilespmem:s0+$0x30];
	v33 =	vadd.f32 v30, v33;
	v34 =	vadd.f32 v46, v34;
	v46 =	vmul.f32 v32, v29  }
0x207: {  	v50 =	vld [tilespmem:s0+$0xFFFFFFD0];
	v35 =	vadd.f32 v37, v35;
	v29 =	vmul.f32 v37, v29;
	v36 =	vadd.f32 v48, v36  }
0x208: {  	v39 =	vmax.f32 v39, v30;
	v38 =	vmax.f32 v38, v37;
	v48 =	vld [tilespmem:s0+$0xFFFFFFE0];
	v40 =	vadd.f32 v46, v40  }
0x209: {  	v42 =	vadd.f32 v31, v42;
	v43 =	vmax.f32 v43, v31;
	v51 =	vld [tilespmem:s0+$0xFFFFFFF0];
	v41 =	vadd.f32 v29, v41  }
0x20a: {  	v44 =	vadd.f32 v32, v44;
	v45 =	vmax.f32 v45, v32;
	v30 =	vld [tilespmem:s0+$0x0]  }
0x20b: {  	v31 =	vld [tilespmem:s0+$0x10];
	v3 =	vadd.f32 v49, v3;
	v46 =	vmul.f32 v49, v47;
	v1 =	vmax.f32 v1, v49;
	v29 =	vmovc v47  }
.Ltmp22:
0x20c: {  	v21 =	vadd.f32 v50, v21;
	v47 =	vmul.f32 v50, v29;
	v11 =	vmax.f32 v11, v50;
	v32 =	vld [tilespmem:s0+$0x20];
	(pc) =	sbr.rel @p2 .LBB2_10-.Ltmp22, $4  }
0x20d: {  	v37 =	vld [tilespmem:s0+$0xFFFFFFC0];
	v16 =	vadd.f32 v48, v16;
	v49 =	vmul.f32 v48, v29;
	v2 =	vadd.f32 v46, v2  }
0x20e: {  	v5 =	vmax.f32 v5, v48;
	v15 =	vadd.f32 v47, v15;
	v48 =	vmul.f32 v51, v29  }
0x20f: {  	s2 =	sadd.s32 $0x1, s2;
	v8 =	vadd.f32 v51, v8;
	v12 =	vadd.f32 v49, v12;
	v46 =	vmul.f32 v30, v29  }
0x210: {  	s8 =	sadd.s32 $0xFFFFFFFF, s8;
	s0 =	sadd.s32 $0x80, s0;
	v4 =	vmax.f32 v4, v51;
	v47 =	vld.msk [tilespmem:s2+$0x0 ss:$0x0], $0xffff;
	v7 =	vadd.f32 v48, v7;
	v48 =	vmul.f32 v31, v29  }
.Ltmp23:
0x211: {  	_ = 	snop;
	(pc) =	sbr.rel .LBB2_12-.Ltmp23, $2  }
0x212: {  	_ =	sdelay $0x2  }
0x213: {  	v49 =	vmov v29;
	v29 =	vmov v47  }
.LBB2_9:
.Ltmp24:
0x214: {  	_ = 	snop;
	(pc) =	sbr.rel .LBB2_12-.Ltmp24, $4  }
0x215: {  	_ = 	snop  }
0x216: {  	v49 =	vmovc v29;
	v33 =	vmov v20;
	v34 =	vmov v18;
	v35 =	vmov v24  }
0x217: {  	v36 =	vmovc v14;
	v38 =	vmovc v22;
	v39 =	vmov v17;
	v40 =	vmov v9;
	v41 =	vmov v23  }
0x218: {  	v42 =	vmovc v19;
	v43 =	vmovc v10;
	v44 =	vmov v13;
	v45 =	vmov v6;
	v29 =	vmov v47  }
.LBB2_30:
0x219: {  	_ =	sfence.sel $0x180000  }
0x21a: {  	[bflag:$0x0] =	sbarrier.arrive $0xFFFF  }
0x21b: {  	_ =	strace $0x90000047  }
0x21c: {  	s0 =	stileid.u32;
	[bflag:$0x2] =	sbarrier.arrive $0xFFFF  }
0x21d: {  	p0 =	sne.s32 s0, $0x0;
	s0 =	rddreg [dreg:$0x3]  }
0x21e: {  	s0 =	sadd.s32 @!p0 $0x100000, s0  }
0x21f: {  	[sflag:s0] =	ssyncadd.tile.s32 @!p0 $0x1;
	_ =	shalt  }
.Lfunc_end2:
_tile_overlayer_lowered:
.L_overlay_start_2:
0x220: {  	(tag) =	ssettag $0x2  }
0x221: {  	s0 =	rddreg [dreg:$0x0];
	s2 =	stileid.u32  }
0x222: {  	s1 =	rddreg [dreg:$0x1];
	p0 =	sne.s32 s2, $0x0  }
0x223: {  	s3 =	rddreg [dreg:$0x2];
	[bflag:$0x3] =	sbarrier.arrive $0xFFFF;
	s2 =	simm.s32 @!p0 $0x1C05  }
0x224: {  	[timem:s3], [sflag:s2] =	dma.local @!p0 [hbm:s0], s1  }
0x225: {  	s0 =	simm.s32 @!p0 $0x5  }
0x226: {  	_ =	swait.ge @!p0 [sflag:s0], s1  }
0x227: {  	s1 =	ssub.s32 @!p0 $0x0, s1;
	[sflag:s0] =	ssyncset.done @!p0 $0x0  }
0x228: {  	[sflag:s0] =	ssyncadd.s32 @!p0 s1  }
0x229: {  	[bflag:$0x3] =	sbarrier.arrive $0xFFFF  }
0x22a: {  	_ =	shalt  }

</sc_bundles>
